<compile_context>
chip_gen: v7x
topology: tpu7x:2x2x1
jax: 0.10.2.dev20260603
libtpu: 0.0.44.dev20260713+nightly
codegen_flags: <defaults>
</compile_context>

<pallas_src>
import functools

import jax
import jax.numpy as jnp
import numpy as np
from jax import lax
from jax.experimental import pallas as pl
from jax.experimental.pallas import tpu as pltpu
from jax.experimental.pallas import tpu_sc as plsc

N = 10000
NP = 10240
E = 320000
D = 128
H16 = 16
C = 10
G = 64

NC = 2
NS = 16
NW = NC * NS
BLK = 512
NBLK = 20
EP = NW * NBLK * BLK
RPT = NP // NS
NBUF = 4
R = 2048
NR = NP // R
EW = E // NW

_PAD_IDX = np.asarray(N + np.arange(EP - E) % (NP - N), np.int32)
_PAD2 = np.broadcast_to(_PAD_IDX, (2, EP - E))

_mesh = plsc.VectorSubcoreMesh(core_axis_name="c", subcore_axis_name="s")
_sc_params = pltpu.CompilerParams(use_tc_tiling_on_sc=False)
_sc_params_nl = pltpu.CompilerParams(use_tc_tiling_on_sc=False,
                                     needs_layout_passes=False)


@functools.partial(
    pl.kernel,
    out_type=jax.ShapeDtypeStruct((NC, NP), jnp.float32),
    mesh=_mesh,
    scratch_types=[
        pltpu.VMEM((EW,), jnp.int32),
        pltpu.VMEM((NP,), jnp.float32),
        pltpu.VMEM((RPT,), jnp.float32),
        pltpu.VMEM((RPT,), jnp.float32),
        pltpu.VMEM_SHARED((NS, NP), jnp.float32),
        pltpu.SemaphoreType.DMA,
    ],
    compiler_params=_sc_params_nl,
)
def _sc_deg(ei_flat_hbm, out_hbm, didx, hist, loc, tmp, stage, sem):
    c = lax.axis_index("c")
    s = lax.axis_index("s")
    wid = c * NS + s
    pltpu.sync_copy(ei_flat_hbm.at[pl.ds(E + wid * EW, EW)], didx)
    ones = jnp.ones((16,), jnp.float32)
    zero = jnp.zeros((16,), jnp.float32)

    def zloop(i, carry):
        hist[pl.ds(i * 16, 16)] = zero
        return carry
    lax.fori_loop(0, NP // 16, zloop, 0)

    def body(i, carry):
        for u in range(5):
            idx = didx[pl.ds((i * 5 + u) * 16, 16)]
            plsc.addupdate_scatter(hist, [idx], ones)
        return carry
    lax.fori_loop(0, EW // 80, body, 0)

    pltpu.sync_copy(hist, stage.at[s])
    plsc.subcore_barrier()

    def zl2(i, carry):
        loc[pl.ds(i * 16, 16)] = zero
        return carry
    lax.fori_loop(0, RPT // 16, zl2, 0)

    def red(t, carry):
        pltpu.sync_copy(stage.at[t, pl.ds(s * RPT, RPT)], tmp)

        def add(i, carry2):
            loc[pl.ds(i * 16, 16)] = (loc[pl.ds(i * 16, 16)]
                                      + tmp[pl.ds(i * 16, 16)])
            return carry2
        lax.fori_loop(0, RPT // 16, add, 0)
        return carry
    lax.fori_loop(0, NS, red, 0)
    pltpu.sync_copy(loc, out_hbm.at[c, pl.ds(s * RPT, RPT)])


@functools.partial(
    pl.kernel,
    out_type=jax.ShapeDtypeStruct((NC, NP, H16), jnp.float32),
    mesh=_mesh,
    scratch_types=[
        pltpu.VMEM((NBLK, BLK), jnp.int32),
        pltpu.VMEM((NBLK, BLK), jnp.int32),
        pltpu.VMEM((NBUF, BLK, H16), jnp.float32),
        pltpu.VMEM_SHARED((NP, H16), jnp.float32),
        pltpu.SemaphoreType.DMA((NBUF,)),
        pltpu.SemaphoreType.DMA((NBUF,)),
    ],
    compiler_params=_sc_params,
)
def _sc_agg(g_hbm, ei_hbm, z16_hbm, out_hbm, sidx, didx, rows, acc,
            gsem, ssem):
    c = lax.axis_index("c")
    s = lax.axis_index("s")
    wid = c * NS + s
    pltpu.sync_copy(z16_hbm, acc.at[pl.ds(s * RPT, RPT)])
    pltpu.sync_copy(ei_hbm.at[0, pl.ds(wid * NBLK, NBLK)], sidx)
    pltpu.sync_copy(ei_hbm.at[1, pl.ds(wid * NBLK, NBLK)], didx)
    plsc.subcore_barrier()

    def grp(gi, carry):
        for b in range(NBUF):
            j = gi * NBUF + b

            @pl.when(gi >= 1)
            def _drain():
                pltpu.make_async_copy(rows.at[b], acc.at[didx.at[j]],
                                      ssem.at[b]).wait()

            pltpu.async_copy(g_hbm.at[sidx.at[j]], rows.at[b], gsem.at[b])
        for b in range(NBUF):
            j = gi * NBUF + b
            pltpu.make_async_copy(g_hbm.at[sidx.at[j]], rows.at[b],
                                  gsem.at[b]).wait()
            pltpu.async_copy(rows.at[b], acc.at[didx.at[j]], ssem.at[b],
                             add=True)
        return carry

    lax.fori_loop(0, NBLK // NBUF, grp, 0)
    for b in range(NBUF):
        pltpu.make_async_copy(rows.at[b], acc.at[didx.at[NBLK - NBUF + b]],
                              ssem.at[b]).wait()
    plsc.subcore_barrier()
    pltpu.sync_copy(acc.at[pl.ds(s * RPT, RPT)],
                    out_hbm.at[c, pl.ds(s * RPT, RPT)])


def _tc1a_body(x_ref, w_ref, h_ref):
    h_ref[...] = jnp.dot(x_ref[...], w_ref[...],
                         preferred_element_type=jnp.float32)


def _tc1a(x_pad, W1):
    return pl.pallas_call(
        _tc1a_body,
        grid=(NR,),
        in_specs=[
            pl.BlockSpec((R, D), lambda i: (i, 0)),
            pl.BlockSpec((D, H16), lambda i: (0, 0)),
        ],
        out_specs=pl.BlockSpec((R, H16), lambda i: (i, 0)),
        out_shape=jax.ShapeDtypeStruct((NP, H16), jnp.float32),
    )(x_pad, W1)


def _tc1b_body(deg_ref, h_ref, g_ref, dinv_ref):
    i = pl.program_id(0)
    deg = deg_ref[0] + deg_ref[1] + 1.0
    dinv = lax.rsqrt(jnp.maximum(deg, 1.0))
    rows = lax.iota(jnp.int32, R) + i * R
    dinv = jnp.where(rows < N, dinv, 0.0)
    dinv = dinv[:, None]
    g_ref[...] = dinv * h_ref[...]
    dinv_ref[...] = dinv


def _tc1b(degp, h1):
    return pl.pallas_call(
        _tc1b_body,
        grid=(NR,),
        in_specs=[
            pl.BlockSpec((NC, R), lambda i: (0, i)),
            pl.BlockSpec((R, H16), lambda i: (i, 0)),
        ],
        out_specs=[
            pl.BlockSpec((R, H16), lambda i: (i, 0)),
            pl.BlockSpec((R, 1), lambda i: (i, 0)),
        ],
        out_shape=[
            jax.ShapeDtypeStruct((NP, H16), jnp.float32),
            jax.ShapeDtypeStruct((NP, 1), jnp.float32),
        ],
    )(degp, h1)


def _tc2_body(p_ref, h1_ref, dinv_ref, b1_ref, w2_ref, g2_ref, h2_ref):
    i = pl.program_id(0)
    dinv = dinv_ref[...]
    out1 = dinv * (p_ref[0] + p_ref[1]) \
        + dinv * dinv * h1_ref[...] + b1_ref[...]
    out1 = jnp.maximum(out1, 0.0)
    rows = lax.broadcasted_iota(jnp.int32, (R, 1), 0) + i * R
    out1 = jnp.where(rows < N, out1, 0.0)
    h2 = jnp.dot(out1, w2_ref[...], preferred_element_type=jnp.float32)
    h2_ref[...] = h2
    g2_ref[...] = dinv * h2


def _tc2(p, h1, dinv, b1r, W2p):
    return pl.pallas_call(
        _tc2_body,
        grid=(NR,),
        in_specs=[
            pl.BlockSpec((NC, R, H16), lambda i: (0, i, 0)),
            pl.BlockSpec((R, H16), lambda i: (i, 0)),
            pl.BlockSpec((R, 1), lambda i: (i, 0)),
            pl.BlockSpec((1, H16), lambda i: (0, 0)),
            pl.BlockSpec((H16, H16), lambda i: (0, 0)),
        ],
        out_specs=[
            pl.BlockSpec((R, H16), lambda i: (i, 0)),
            pl.BlockSpec((R, H16), lambda i: (i, 0)),
        ],
        out_shape=[
            jax.ShapeDtypeStruct((NP, H16), jnp.float32),
            jax.ShapeDtypeStruct((NP, H16), jnp.float32),
        ],
    )(p, h1, dinv, b1r, W2p)


def _tc3_body(q_ref, h2_ref, dinv_ref, b2_ref, batch_ref, out_ref, acc):
    i = pl.program_id(0)

    @pl.when(i == 0)
    def _init():
        acc[...] = jnp.zeros((G, H16), jnp.float32)

    dinv = dinv_ref[...]
    out2 = dinv * (q_ref[0] + q_ref[1]) \
        + dinv * dinv * h2_ref[...] + b2_ref[...]
    rows = lax.broadcasted_iota(jnp.int32, (R, 1), 0) + i * R
    m = (rows < N).astype(jnp.float32)
    out2 = out2 * m
    colmask = lax.broadcasted_iota(jnp.int32, (R, H16), 1) == (H16 - 1)
    out2 = jnp.where(colmask, m, out2)
    bb = batch_ref[0, 0, :]
    onehot = (bb[None, :] ==
              lax.broadcasted_iota(jnp.int32, (G, R), 0)).astype(jnp.float32)
    acc[...] += jnp.dot(onehot, out2, preferred_element_type=jnp.float32)

    @pl.when(i == NR - 1)
    def _fin():
        a = acc[...]
        cnt = jnp.maximum(a[:, H16 - 1:H16], 1.0)
        out_ref[...] = jax.nn.sigmoid(a / cnt)


def _tc3(q, h2, dinv, b2r, batch3):
    return pl.pallas_call(
        _tc3_body,
        grid=(NR,),
        in_specs=[
            pl.BlockSpec((NC, R, H16), lambda i: (0, i, 0)),
            pl.BlockSpec((R, H16), lambda i: (i, 0)),
            pl.BlockSpec((R, 1), lambda i: (i, 0)),
            pl.BlockSpec((1, H16), lambda i: (0, 0)),
            pl.BlockSpec((1, 1, R), lambda i: (i, 0, 0)),
        ],
        out_specs=pl.BlockSpec((G, H16), lambda i: (0, 0)),
        out_shape=jax.ShapeDtypeStruct((G, H16), jnp.float32),
        scratch_shapes=[pltpu.VMEM((G, H16), jnp.float32)],
    )(q, h2, dinv, b2r, batch3)


def kernel(x, edge_index, batch, W1, b1, W2, b2):
    f32 = jnp.float32
    ei_r = jnp.concatenate(
        [edge_index, jnp.asarray(_PAD2)], axis=1).reshape(2, NW * NBLK, BLK)
    x_pad = jnp.zeros((NP, D), f32).at[:N].set(x)
    z16 = jnp.zeros((RPT, H16), f32)
    b1r = b1.reshape(1, H16)
    W2p = jnp.zeros((H16, H16), f32).at[:, :C].set(W2)
    b2r = jnp.zeros((1, H16), f32).at[0, :C].set(b2)
    batch3 = jnp.concatenate(
        [batch, jnp.zeros((NP - N,), jnp.int32)]).reshape(NR, 1, R)

    h1 = _tc1a(x_pad, W1)
    degp = _sc_deg(edge_index.reshape(2 * E))
    g1, dinv = _tc1b(degp, h1)
    p = _sc_agg(g1, ei_r, z16)
    g2, h2 = _tc2(p, h1, dinv, b1r, W2p)
    q = _sc_agg(g2, ei_r, z16)
    out16 = _tc3(q, h2, dinv, b2r, batch3)
    return out16[:, :C]

# --- scband reference (transcript-rebuilt; emitter-appended) ---
"""Pipeline reference for scband-model-73967926772512 (READ-ONLY COPY).

The authoritative reference and input builder live on the scoring server;
editing this copy changes nothing except your own understanding.
"""

import jax, jax.numpy as jnp
import numpy as np

N = 10000   # nodes
E = 320000  # edges
D = 128     # num_features
H = 16      # hidden (GCNConv out of conv1)
C = 10      # num_classes
G = 64      # graphs in the batch (for scatter_mean)


def setup_inputs(seed: int = 0) -> dict:
    key = jax.random.key(seed)
    ks = jax.random.split(key, 8)
    x = jax.random.normal(ks[0], (N, D), dtype=jnp.float32)
    edge_index = jax.random.randint(ks[1], (2, E), 0, N, dtype=jnp.int32)
    batch = jnp.sort(jax.random.randint(ks[2], (N,), 0, G, dtype=jnp.int32))
    W1 = jax.random.normal(ks[3], (D, H), dtype=jnp.float32) * (1.0 / np.sqrt(D))
    b1 = jnp.zeros((H,), dtype=jnp.float32)
    W2 = jax.random.normal(ks[4], (H, C), dtype=jnp.float32) * (1.0 / np.sqrt(H))
    b2 = jnp.zeros((C,), dtype=jnp.float32)
    return {"x": x, "edge_index": edge_index, "batch": batch,
            "W1": W1, "b1": b1, "W2": W2, "b2": b2}


def _gcn_conv(x, edge_index, W, b):
    # PyG-style GCNConv: add self-loops, symmetric degree normalization
    h = x @ W
    loops = jnp.arange(N, dtype=edge_index.dtype)
    src = jnp.concatenate([edge_index[0], loops])
    dst = jnp.concatenate([edge_index[1], loops])
    ones = jnp.ones(src.shape[0], dtype=h.dtype)
    deg = jax.ops.segment_sum(ones, dst, num_segments=N)
    dinv = jax.lax.rsqrt(jnp.clip(deg, 1.0, None))
    norm = dinv[src] * dinv[dst]
    msg = h[src] * norm[:, None]           # gather (memory-bound)
    out = jax.ops.segment_sum(msg, dst, num_segments=N)  # scatter-add
    return out + b


def reference(x, edge_index, batch, W1, b1, W2, b2):
    h = _gcn_conv(x, edge_index, W1, b1)
    h = jax.nn.relu(h)
    # F.dropout with training=False -> identity (eval mode)
    h = _gcn_conv(h, edge_index, W2, b2)
    # scatter_mean over graph batch ids
    s = jax.ops.segment_sum(h, batch, num_segments=G)
    cnt = jax.ops.segment_sum(jnp.ones((N,), h.dtype), batch, num_segments=G)
    pooled = s / jnp.clip(cnt, 1.0, None)[:, None]
    return jax.nn.sigmoid(pooled)

if __name__ == "__main__":
    import jax
    _d = setup_inputs()
    print(jax.jit(kernel)(*tuple(_d.values())))

</pallas_src>

<mosaic_0001>
#map = affine_map<(d0, d1) -> (0)>
#map1 = affine_map<(d0, d1) -> (0, 0)>
module attributes {stable_mosaic.version = 14 : i64} {
  func.func @_sc_deg(%arg0: i32, %arg1: i32, %arg2: memref<640000xi32, #tpu.memory_space<hbm>>, %arg3: memref<2x10240xf32, #tpu.memory_space<hbm>>, %arg4: memref<10000xi32, #tpu.memory_space<vmem>>, %arg5: memref<10240xf32, #tpu.memory_space<vmem>>, %arg6: memref<640xf32, #tpu.memory_space<vmem>>, %arg7: memref<640xf32, #tpu.memory_space<vmem>>, %arg8: memref<16x10240xf32, #tpu.memory_space<vmem_shared>>, %arg9: memref<!tpu.dma_semaphore, #tpu.memory_space<semaphore_mem>>) attributes {dimension_semantics = [#tpu.dimension_semantics<core_parallel>, #tpu.dimension_semantics<subcore_parallel>], iteration_bounds = array<i64: 2, 16>, scalar_prefetch = 0 : i64, scratch_operands = 6 : i64, tpu.core_type = #tpu.core_type<sc_vector_subcore>, window_params = [{transform_indices = #map}, {transform_indices = #map1}]} {
    %mul3A = arith.constant 16 : i32
    %mul3A_0 = arith.muli %arg0, %mul3A : i32
    %add3A = arith.addi %mul3A_0, %arg1 : i32
    %mul3A_1 = arith.constant 10000 : i32
    %mul3A_2 = arith.muli %add3A, %mul3A_1 : i32
    %add3A_3 = arith.constant 320000 : i32
    %add3A_4 = arith.addi %add3A_3, %mul3A_2 : i32
    "tpu.region"() ({
      %run_scoped3A = tpu.sem_alloc : memref<!tpu.dma_semaphore, #tpu.memory_space<semaphore_mem>>
      %dma_start3A = tpu.memref_slice %arg2[%add3A_4] : memref<640000xi32, #tpu.memory_space<hbm>> -> memref<10000xi32, #tpu.memory_space<hbm>>
      %dma_start3A_33 = tpu.memref_slice %arg2[%add3A_4] : memref<640000xi32, #tpu.memory_space<hbm>> -> memref<10000xi32, #tpu.memory_space<hbm>>
      tpu.enqueue_dma source(%dma_start3A_33 : memref<10000xi32, #tpu.memory_space<hbm>>) target(%arg4 : memref<10000xi32, #tpu.memory_space<vmem>>) target_semaphore(%run_scoped3A : memref<!tpu.dma_semaphore, #tpu.memory_space<semaphore_mem>>)
      %dma_wait3A = tpu.memref_slice %arg2[%add3A_4] : memref<640000xi32, #tpu.memory_space<hbm>> -> memref<10000xi32, #tpu.memory_space<hbm>>
      %dma_wait3A_34 = tpu.memref_slice %arg2[%add3A_4] : memref<640000xi32, #tpu.memory_space<hbm>> -> memref<10000xi32, #tpu.memory_space<hbm>>
      tpu.wait_dma2 semaphore(%run_scoped3A : memref<!tpu.dma_semaphore, #tpu.memory_space<semaphore_mem>>) src(%dma_wait3A_34 : memref<10000xi32, #tpu.memory_space<hbm>>) dst(%arg4 : memref<10000xi32, #tpu.memory_space<vmem>>)
      tpu.yield
    }) : () -> ()
    %broadcast_in_dim3A = arith.constant 1.000000e+00 : f32
    %broadcast_in_dim3A_5 = vector.broadcast %broadcast_in_dim3A : f32 to vector<16xf32>
    %broadcast_in_dim3A_6 = arith.constant 0.000000e+00 : f32
    %broadcast_in_dim3A_7 = vector.broadcast %broadcast_in_dim3A_6 : f32 to vector<16xf32>
    %scan3A = arith.constant 0 : i32
    %scan3A_8 = arith.constant 0 : i32
    %scan3A_9 = arith.constant 640 : i32
    %scan3A_10 = arith.addi %scan3A_8, %scan3A_9 : i32
    %scan3A_11 = arith.constant 1 : i32
    scf.for %scan3A_33 = %scan3A_8 to %scan3A_10 step %scan3A_11  : i32 {
      %mul3A_34 = arith.constant 16 : i32
      %mul3A_35 = arith.muli %scan3A_33, %mul3A_34 : i32
      %swap3A = arith.index_cast %mul3A_35 : i32 to index
      %swap3A_36 = tpu.vector_load %arg5[%swap3A] {strides = array<i32>} : memref<10240xf32, #tpu.memory_space<vmem>>, vector<16xf32>,
      tpu.vector_store %arg5[%swap3A], %broadcast_in_dim3A_7 {strides = array<i32>} : memref<10240xf32, #tpu.memory_space<vmem>>, vector<16xf32>,
    }
    %scan3A_12 = arith.constant 640 : i32
    %scan3A_13 = arith.constant 0 : i32
    %scan3A_14 = arith.constant 0 : i32
    %scan3A_15 = arith.constant 125 : i32
    %scan3A_16 = arith.addi %scan3A_14, %scan3A_15 : i32
    %scan3A_17 = arith.constant 1 : i32
    scf.for %scan3A_33 = %scan3A_14 to %scan3A_16 step %scan3A_17  : i32 {
      %mul3A_34 = arith.constant 5 : i32
      %mul3A_35 = arith.muli %scan3A_33, %mul3A_34 : i32
      %add3A_36 = arith.constant 0 : i32
      %add3A_37 = arith.addi %mul3A_35, %add3A_36 : i32
      %mul3A_38 = arith.constant 16 : i32
      %mul3A_39 = arith.muli %add3A_37, %mul3A_38 : i32
      %get3A = arith.index_cast %mul3A_39 : i32 to index
      %get3A_40 = tpu.vector_load %arg4[%get3A] {strides = array<i32>} : memref<10000xi32, #tpu.memory_space<vmem>>, vector<16xi32>,
      tpu.vector_store_idx %arg5[%get3A_40], %broadcast_in_dim3A_5 {add = true} : memref<10240xf32, #tpu.memory_space<vmem>>[vector<16xi32>], vector<16xf32>,
      %mul3A_41 = arith.constant 5 : i32
      %mul3A_42 = arith.muli %scan3A_33, %mul3A_41 : i32
      %add3A_43 = arith.constant 1 : i32
      %add3A_44 = arith.addi %mul3A_42, %add3A_43 : i32
      %mul3A_45 = arith.constant 16 : i32
      %mul3A_46 = arith.muli %add3A_44, %mul3A_45 : i32
      %get3A_47 = arith.index_cast %mul3A_46 : i32 to index
      %get3A_48 = tpu.vector_load %arg4[%get3A_47] {strides = array<i32>} : memref<10000xi32, #tpu.memory_space<vmem>>, vector<16xi32>,
      tpu.vector_store_idx %arg5[%get3A_48], %broadcast_in_dim3A_5 {add = true} : memref<10240xf32, #tpu.memory_space<vmem>>[vector<16xi32>], vector<16xf32>,
      %mul3A_49 = arith.constant 5 : i32
      %mul3A_50 = arith.muli %scan3A_33, %mul3A_49 : i32
      %add3A_51 = arith.constant 2 : i32
      %add3A_52 = arith.addi %mul3A_50, %add3A_51 : i32
      %mul3A_53 = arith.constant 16 : i32
      %mul3A_54 = arith.muli %add3A_52, %mul3A_53 : i32
      %get3A_55 = arith.index_cast %mul3A_54 : i32 to index
      %get3A_56 = tpu.vector_load %arg4[%get3A_55] {strides = array<i32>} : memref<10000xi32, #tpu.memory_space<vmem>>, vector<16xi32>,
      tpu.vector_store_idx %arg5[%get3A_56], %broadcast_in_dim3A_5 {add = true} : memref<10240xf32, #tpu.memory_space<vmem>>[vector<16xi32>], vector<16xf32>,
      %mul3A_57 = arith.constant 5 : i32
      %mul3A_58 = arith.muli %scan3A_33, %mul3A_57 : i32
      %add3A_59 = arith.constant 3 : i32
      %add3A_60 = arith.addi %mul3A_58, %add3A_59 : i32
      %mul3A_61 = arith.constant 16 : i32
      %mul3A_62 = arith.muli %add3A_60, %mul3A_61 : i32
      %get3A_63 = arith.index_cast %mul3A_62 : i32 to index
      %get3A_64 = tpu.vector_load %arg4[%get3A_63] {strides = array<i32>} : memref<10000xi32, #tpu.memory_space<vmem>>, vector<16xi32>,
      tpu.vector_store_idx %arg5[%get3A_64], %broadcast_in_dim3A_5 {add = true} : memref<10240xf32, #tpu.memory_space<vmem>>[vector<16xi32>], vector<16xf32>,
      %mul3A_65 = arith.constant 5 : i32
      %mul3A_66 = arith.muli %scan3A_33, %mul3A_65 : i32
      %add3A_67 = arith.constant 4 : i32
      %add3A_68 = arith.addi %mul3A_66, %add3A_67 : i32
      %mul3A_69 = arith.constant 16 : i32
      %mul3A_70 = arith.muli %add3A_68, %mul3A_69 : i32
      %get3A_71 = arith.index_cast %mul3A_70 : i32 to index
      %get3A_72 = tpu.vector_load %arg4[%get3A_71] {strides = array<i32>} : memref<10000xi32, #tpu.memory_space<vmem>>, vector<16xi32>,
      tpu.vector_store_idx %arg5[%get3A_72], %broadcast_in_dim3A_5 {add = true} : memref<10240xf32, #tpu.memory_space<vmem>>[vector<16xi32>], vector<16xf32>,
    }
    %scan3A_18 = arith.constant 125 : i32
    "tpu.region"() ({
      %run_scoped3A = tpu.sem_alloc : memref<!tpu.dma_semaphore, #tpu.memory_space<semaphore_mem>>
      %dma_start3A = arith.constant 0 : i32
      %dma_start3A_33 = tpu.memref_slice %arg8[%arg1, %dma_start3A] : memref<16x10240xf32, #tpu.memory_space<vmem_shared>> -> memref<1x10240xf32, #tpu.memory_space<vmem_shared>>
      %dma_start3A_34 = tpu.memref_squeeze %dma_start3A_33 : memref<1x10240xf32, #tpu.memory_space<vmem_shared>> -> memref<10240xf32, #tpu.memory_space<vmem_shared>>
      %dma_start3A_35 = arith.constant 0 : i32
      %dma_start3A_36 = tpu.memref_slice %arg8[%arg1, %dma_start3A_35] : memref<16x10240xf32, #tpu.memory_space<vmem_shared>> -> memref<1x10240xf32, #tpu.memory_space<vmem_shared>>
      %dma_start3A_37 = tpu.memref_squeeze %dma_start3A_36 : memref<1x10240xf32, #tpu.memory_space<vmem_shared>> -> memref<10240xf32, #tpu.memory_space<vmem_shared>>
      tpu.enqueue_dma source(%arg5 : memref<10240xf32, #tpu.memory_space<vmem>>) target(%dma_start3A_37 : memref<10240xf32, #tpu.memory_space<vmem_shared>>) target_semaphore(%run_scoped3A : memref<!tpu.dma_semaphore, #tpu.memory_space<semaphore_mem>>)
      %dma_wait3A = arith.constant 0 : i32
      %dma_wait3A_38 = tpu.memref_slice %arg8[%arg1, %dma_wait3A] : memref<16x10240xf32, #tpu.memory_space<vmem_shared>> -> memref<1x10240xf32, #tpu.memory_space<vmem_shared>>
      %dma_wait3A_39 = tpu.memref_squeeze %dma_wait3A_38 : memref<1x10240xf32, #tpu.memory_space<vmem_shared>> -> memref<10240xf32, #tpu.memory_space<vmem_shared>>
      %dma_wait3A_40 = arith.constant 0 : i32
      %dma_wait3A_41 = tpu.memref_slice %arg8[%arg1, %dma_wait3A_40] : memref<16x10240xf32, #tpu.memory_space<vmem_shared>> -> memref<1x10240xf32, #tpu.memory_space<vmem_shared>>
      %dma_wait3A_42 = tpu.memref_squeeze %dma_wait3A_41 : memref<1x10240xf32, #tpu.memory_space<vmem_shared>> -> memref<10240xf32, #tpu.memory_space<vmem_shared>>
      tpu.wait_dma2 semaphore(%run_scoped3A : memref<!tpu.dma_semaphore, #tpu.memory_space<semaphore_mem>>) src(%arg5 : memref<10240xf32, #tpu.memory_space<vmem>>) dst(%dma_wait3A_42 : memref<10240xf32, #tpu.memory_space<vmem_shared>>)
      tpu.yield
    }) : () -> ()
    %barrier3A = arith.constant 0 : index
    tpu.barrier barrier_id(%barrier3A)
    %scan3A_19 = arith.constant 0 : i32
    %scan3A_20 = arith.constant 0 : i32
    %scan3A_21 = arith.constant 40 : i32
    %scan3A_22 = arith.addi %scan3A_20, %scan3A_21 : i32
    %scan3A_23 = arith.constant 1 : i32
    scf.for %scan3A_33 = %scan3A_20 to %scan3A_22 step %scan3A_23  : i32 {
      %mul3A_34 = arith.constant 16 : i32
      %mul3A_35 = arith.muli %scan3A_33, %mul3A_34 : i32
      %swap3A = arith.index_cast %mul3A_35 : i32 to index
      %swap3A_36 = tpu.vector_load %arg6[%swap3A] {strides = array<i32>} : memref<640xf32, #tpu.memory_space<vmem>>, vector<16xf32>,
      tpu.vector_store %arg6[%swap3A], %broadcast_in_dim3A_7 {strides = array<i32>} : memref<640xf32, #tpu.memory_space<vmem>>, vector<16xf32>,
    }
    %scan3A_24 = arith.constant 40 : i32
    %scan3A_25 = arith.constant 0 : i32
    %scan3A_26 = arith.constant 0 : i32
    %scan3A_27 = arith.constant 16 : i32
    %scan3A_28 = arith.addi %scan3A_26, %scan3A_27 : i32
    %scan3A_29 = arith.constant 1 : i32
    scf.for %scan3A_33 = %scan3A_26 to %scan3A_28 step %scan3A_29  : i32 {
      %mul3A_34 = arith.constant 640 : i32
      %mul3A_35 = arith.muli %arg1, %mul3A_34 : i32
      "tpu.region"() ({
        %run_scoped3A = tpu.sem_alloc : memref<!tpu.dma_semaphore, #tpu.memory_space<semaphore_mem>>
        %dma_start3A = tpu.memref_slice %arg8[%scan3A_33, %mul3A_35] : memref<16x10240xf32, #tpu.memory_space<vmem_shared>> -> memref<1x640xf32, #tpu.memory_space<vmem_shared>>
        %dma_start3A_42 = tpu.memref_squeeze %dma_start3A : memref<1x640xf32, #tpu.memory_space<vmem_shared>> -> memref<640xf32, #tpu.memory_space<vmem_shared>>
        %dma_start3A_43 = tpu.memref_slice %arg8[%scan3A_33, %mul3A_35] : memref<16x10240xf32, #tpu.memory_space<vmem_shared>> -> memref<1x640xf32, #tpu.memory_space<vmem_shared>>
        %dma_start3A_44 = tpu.memref_squeeze %dma_start3A_43 : memref<1x640xf32, #tpu.memory_space<vmem_shared>> -> memref<640xf32, #tpu.memory_space<vmem_shared>>
        tpu.enqueue_dma source(%dma_start3A_44 : memref<640xf32, #tpu.memory_space<vmem_shared>>) target(%arg7 : memref<640xf32, #tpu.memory_space<vmem>>) target_semaphore(%run_scoped3A : memref<!tpu.dma_semaphore, #tpu.memory_space<semaphore_mem>>)
        %dma_wait3A = tpu.memref_slice %arg8[%scan3A_33, %mul3A_35] : memref<16x10240xf32, #tpu.memory_space<vmem_shared>> -> memref<1x640xf32, #tpu.memory_space<vmem_shared>>
        %dma_wait3A_45 = tpu.memref_squeeze %dma_wait3A : memref<1x640xf32, #tpu.memory_space<vmem_shared>> -> memref<640xf32, #tpu.memory_space<vmem_shared>>
        %dma_wait3A_46 = tpu.memref_slice %arg8[%scan3A_33, %mul3A_35] : memref<16x10240xf32, #tpu.memory_space<vmem_shared>> -> memref<1x640xf32, #tpu.memory_space<vmem_shared>>
        %dma_wait3A_47 = tpu.memref_squeeze %dma_wait3A_46 : memref<1x640xf32, #tpu.memory_space<vmem_shared>> -> memref<640xf32, #tpu.memory_space<vmem_shared>>
        tpu.wait_dma2 semaphore(%run_scoped3A : memref<!tpu.dma_semaphore, #tpu.memory_space<semaphore_mem>>) src(%dma_wait3A_47 : memref<640xf32, #tpu.memory_space<vmem_shared>>) dst(%arg7 : memref<640xf32, #tpu.memory_space<vmem>>)
        tpu.yield
      }) : () -> ()
      %scan3A_36 = arith.constant 0 : i32
      %scan3A_37 = arith.constant 0 : i32
      %scan3A_38 = arith.constant 40 : i32
      %scan3A_39 = arith.addi %scan3A_37, %scan3A_38 : i32
      %scan3A_40 = arith.constant 1 : i32
      scf.for %scan3A_42 = %scan3A_37 to %scan3A_39 step %scan3A_40  : i32 {
        %mul3A_43 = arith.constant 16 : i32
        %mul3A_44 = arith.muli %scan3A_42, %mul3A_43 : i32
        %get3A = arith.index_cast %mul3A_44 : i32 to index
        %get3A_45 = tpu.vector_load %arg6[%get3A] {strides = array<i32>} : memref<640xf32, #tpu.memory_space<vmem>>, vector<16xf32>,
        %mul3A_46 = arith.constant 16 : i32
        %mul3A_47 = arith.muli %scan3A_42, %mul3A_46 : i32
        %get3A_48 = arith.index_cast %mul3A_47 : i32 to index
        %get3A_49 = tpu.vector_load %arg7[%get3A_48] {strides = array<i32>} : memref<640xf32, #tpu.memory_space<vmem>>, vector<16xf32>,
        %add3A_50 = arith.addf %get3A_45, %get3A_49 : vector<16xf32>
        %mul3A_51 = arith.constant 16 : i32
        %mul3A_52 = arith.muli %scan3A_42, %mul3A_51 : i32
        %swap3A = arith.index_cast %mul3A_52 : i32 to index
        %swap3A_53 = tpu.vector_load %arg6[%swap3A] {strides = array<i32>} : memref<640xf32, #tpu.memory_space<vmem>>, vector<16xf32>,
        tpu.vector_store %arg6[%swap3A], %add3A_50 {strides = array<i32>} : memref<640xf32, #tpu.memory_space<vmem>>, vector<16xf32>,
      }
      %scan3A_41 = arith.constant 40 : i32
    }
    %scan3A_30 = arith.constant 16 : i32
    %mul3A_31 = arith.constant 640 : i32
    %mul3A_32 = arith.muli %arg1, %mul3A_31 : i32
    "tpu.region"() ({
      %run_scoped3A = tpu.sem_alloc : memref<!tpu.dma_semaphore, #tpu.memory_space<semaphore_mem>>
      %dma_start3A = tpu.memref_slice %arg3[%arg0, %mul3A_32] : memref<2x10240xf32, #tpu.memory_space<hbm>> -> memref<1x640xf32, #tpu.memory_space<hbm>>
      %dma_start3A_33 = tpu.memref_squeeze %dma_start3A : memref<1x640xf32, #tpu.memory_space<hbm>> -> memref<640xf32, #tpu.memory_space<hbm>>
      %dma_start3A_34 = tpu.memref_slice %arg3[%arg0, %mul3A_32] : memref<2x10240xf32, #tpu.memory_space<hbm>> -> memref<1x640xf32, #tpu.memory_space<hbm>>
      %dma_start3A_35 = tpu.memref_squeeze %dma_start3A_34 : memref<1x640xf32, #tpu.memory_space<hbm>> -> memref<640xf32, #tpu.memory_space<hbm>>
      tpu.enqueue_dma source(%arg6 : memref<640xf32, #tpu.memory_space<vmem>>) target(%dma_start3A_35 : memref<640xf32, #tpu.memory_space<hbm>>) target_semaphore(%run_scoped3A : memref<!tpu.dma_semaphore, #tpu.memory_space<semaphore_mem>>)
      %dma_wait3A = tpu.memref_slice %arg3[%arg0, %mul3A_32] : memref<2x10240xf32, #tpu.memory_space<hbm>> -> memref<1x640xf32, #tpu.memory_space<hbm>>
      %dma_wait3A_36 = tpu.memref_squeeze %dma_wait3A : memref<1x640xf32, #tpu.memory_space<hbm>> -> memref<640xf32, #tpu.memory_space<hbm>>
      %dma_wait3A_37 = tpu.memref_slice %arg3[%arg0, %mul3A_32] : memref<2x10240xf32, #tpu.memory_space<hbm>> -> memref<1x640xf32, #tpu.memory_space<hbm>>
      %dma_wait3A_38 = tpu.memref_squeeze %dma_wait3A_37 : memref<1x640xf32, #tpu.memory_space<hbm>> -> memref<640xf32, #tpu.memory_space<hbm>>
      tpu.wait_dma2 semaphore(%run_scoped3A : memref<!tpu.dma_semaphore, #tpu.memory_space<semaphore_mem>>) src(%arg6 : memref<640xf32, #tpu.memory_space<vmem>>) dst(%dma_wait3A_38 : memref<640xf32, #tpu.memory_space<hbm>>)
      tpu.yield
    }) : () -> ()
    return
  }
}

#map = affine_map<(d0, d1) -> (0, 0)>
#map1 = affine_map<(d0, d1) -> (0, 0, 0)>
module attributes {stable_mosaic.version = 14 : i64} {
  func.func @_sc_agg(%arg0: i32, %arg1: i32, %arg2: memref<10240x16xf32, #tpu.memory_space<hbm>>, %arg3: memref<2x640x512xi32, #tpu.memory_space<hbm>>, %arg4: memref<640x16xf32, #tpu.memory_space<hbm>>, %arg5: memref<2x10240x16xf32, #tpu.memory_space<hbm>>, %arg6: memref<20x512xi32, #tpu.memory_space<vmem>>, %arg7: memref<20x512xi32, #tpu.memory_space<vmem>>, %arg8: memref<4x512x16xf32, #tpu.memory_space<vmem>>, %arg9: memref<10240x16xf32, #tpu.memory_space<vmem_shared>>, %arg10: memref<4x!tpu.dma_semaphore, #tpu.memory_space<semaphore_mem>>, %arg11: memref<4x!tpu.dma_semaphore, #tpu.memory_space<semaphore_mem>>) attributes {dimension_semantics = [#tpu.dimension_semantics<core_parallel>, #tpu.dimension_semantics<subcore_parallel>], iteration_bounds = array<i64: 2, 16>, scalar_prefetch = 0 : i64, scratch_operands = 6 : i64, tpu.core_type = #tpu.core_type<sc_vector_subcore>, window_params = [{transform_indices = #map}, {transform_indices = #map1}, {transform_indices = #map}, {transform_indices = #map1}]} {
    %mul3A = arith.constant 16 : i32
    %mul3A_0 = arith.muli %arg0, %mul3A : i32
    %add3A = arith.addi %mul3A_0, %arg1 : i32
    %mul3A_1 = arith.constant 640 : i32
    %mul3A_2 = arith.muli %arg1, %mul3A_1 : i32
    "tpu.region"() ({
      %run_scoped3A_77 = tpu.sem_alloc : memref<!tpu.dma_semaphore, #tpu.memory_space<semaphore_mem>>
      %dma_start3A = arith.constant 0 : i32
      %dma_start3A_78 = tpu.memref_slice %arg9[%mul3A_2, %dma_start3A] : memref<10240x16xf32, #tpu.memory_space<vmem_shared>> -> memref<640x16xf32, #tpu.memory_space<vmem_shared>>
      tpu.enqueue_dma source(%arg4 : memref<640x16xf32, #tpu.memory_space<hbm>>) target(%dma_start3A_78 : memref<640x16xf32, #tpu.memory_space<vmem_shared>>) target_semaphore(%run_scoped3A_77 : memref<!tpu.dma_semaphore, #tpu.memory_space<semaphore_mem>>)
      %dma_wait3A_79 = arith.constant 0 : i32
      %dma_wait3A_80 = tpu.memref_slice %arg9[%mul3A_2, %dma_wait3A_79] : memref<10240x16xf32, #tpu.memory_space<vmem_shared>> -> memref<640x16xf32, #tpu.memory_space<vmem_shared>>
      tpu.wait_dma2 semaphore(%run_scoped3A_77 : memref<!tpu.dma_semaphore, #tpu.memory_space<semaphore_mem>>) src(%arg4 : memref<640x16xf32, #tpu.memory_space<hbm>>) dst(%dma_wait3A_80 : memref<640x16xf32, #tpu.memory_space<vmem_shared>>)
      tpu.yield
    }) : () -> ()
    %mul3A_3 = arith.constant 20 : i32
    %mul3A_4 = arith.muli %add3A, %mul3A_3 : i32
    %run_scoped3A = arith.constant 0 : i32
    "tpu.region"() ({
      %run_scoped3A_77 = tpu.sem_alloc : memref<!tpu.dma_semaphore, #tpu.memory_space<semaphore_mem>>
      %dma_start3A = arith.constant 0 : i32
      %dma_start3A_78 = tpu.memref_slice %arg3[%run_scoped3A, %mul3A_4, %dma_start3A] : memref<2x640x512xi32, #tpu.memory_space<hbm>> -> memref<1x20x512xi32, #tpu.memory_space<hbm>>
      %dma_start3A_79 = tpu.memref_squeeze %dma_start3A_78 : memref<1x20x512xi32, #tpu.memory_space<hbm>> -> memref<20x512xi32, #tpu.memory_space<hbm>>
      %dma_start3A_80 = arith.constant 0 : i32
      %dma_start3A_81 = tpu.memref_slice %arg3[%run_scoped3A, %mul3A_4, %dma_start3A_80] : memref<2x640x512xi32, #tpu.memory_space<hbm>> -> memref<1x20x512xi32, #tpu.memory_space<hbm>>
      %dma_start3A_82 = tpu.memref_squeeze %dma_start3A_81 : memref<1x20x512xi32, #tpu.memory_space<hbm>> -> memref<20x512xi32, #tpu.memory_space<hbm>>
      tpu.enqueue_dma source(%dma_start3A_82 : memref<20x512xi32, #tpu.memory_space<hbm>>) target(%arg6 : memref<20x512xi32, #tpu.memory_space<vmem>>) target_semaphore(%run_scoped3A_77 : memref<!tpu.dma_semaphore, #tpu.memory_space<semaphore_mem>>)
      %dma_wait3A_83 = arith.constant 0 : i32
      %dma_wait3A_84 = tpu.memref_slice %arg3[%run_scoped3A, %mul3A_4, %dma_wait3A_83] : memref<2x640x512xi32, #tpu.memory_space<hbm>> -> memref<1x20x512xi32, #tpu.memory_space<hbm>>
      %dma_wait3A_85 = tpu.memref_squeeze %dma_wait3A_84 : memref<1x20x512xi32, #tpu.memory_space<hbm>> -> memref<20x512xi32, #tpu.memory_space<hbm>>
      %dma_wait3A_86 = arith.constant 0 : i32
      %dma_wait3A_87 = tpu.memref_slice %arg3[%run_scoped3A, %mul3A_4, %dma_wait3A_86] : memref<2x640x512xi32, #tpu.memory_space<hbm>> -> memref<1x20x512xi32, #tpu.memory_space<hbm>>
      %dma_wait3A_88 = tpu.memref_squeeze %dma_wait3A_87 : memref<1x20x512xi32, #tpu.memory_space<hbm>> -> memref<20x512xi32, #tpu.memory_space<hbm>>
      tpu.wait_dma2 semaphore(%run_scoped3A_77 : memref<!tpu.dma_semaphore, #tpu.memory_space<semaphore_mem>>) src(%dma_wait3A_88 : memref<20x512xi32, #tpu.memory_space<hbm>>) dst(%arg6 : memref<20x512xi32, #tpu.memory_space<vmem>>)
      tpu.yield
    }) : () -> ()
    %mul3A_5 = arith.constant 20 : i32
    %mul3A_6 = arith.muli %add3A, %mul3A_5 : i32
    %run_scoped3A_7 = arith.constant 1 : i32
    "tpu.region"() ({
      %run_scoped3A_77 = tpu.sem_alloc : memref<!tpu.dma_semaphore, #tpu.memory_space<semaphore_mem>>
      %dma_start3A = arith.constant 0 : i32
      %dma_start3A_78 = tpu.memref_slice %arg3[%run_scoped3A_7, %mul3A_6, %dma_start3A] : memref<2x640x512xi32, #tpu.memory_space<hbm>> -> memref<1x20x512xi32, #tpu.memory_space<hbm>>
      %dma_start3A_79 = tpu.memref_squeeze %dma_start3A_78 : memref<1x20x512xi32, #tpu.memory_space<hbm>> -> memref<20x512xi32, #tpu.memory_space<hbm>>
      %dma_start3A_80 = arith.constant 0 : i32
      %dma_start3A_81 = tpu.memref_slice %arg3[%run_scoped3A_7, %mul3A_6, %dma_start3A_80] : memref<2x640x512xi32, #tpu.memory_space<hbm>> -> memref<1x20x512xi32, #tpu.memory_space<hbm>>
      %dma_start3A_82 = tpu.memref_squeeze %dma_start3A_81 : memref<1x20x512xi32, #tpu.memory_space<hbm>> -> memref<20x512xi32, #tpu.memory_space<hbm>>
      tpu.enqueue_dma source(%dma_start3A_82 : memref<20x512xi32, #tpu.memory_space<hbm>>) target(%arg7 : memref<20x512xi32, #tpu.memory_space<vmem>>) target_semaphore(%run_scoped3A_77 : memref<!tpu.dma_semaphore, #tpu.memory_space<semaphore_mem>>)
      %dma_wait3A_83 = arith.constant 0 : i32
      %dma_wait3A_84 = tpu.memref_slice %arg3[%run_scoped3A_7, %mul3A_6, %dma_wait3A_83] : memref<2x640x512xi32, #tpu.memory_space<hbm>> -> memref<1x20x512xi32, #tpu.memory_space<hbm>>
      %dma_wait3A_85 = tpu.memref_squeeze %dma_wait3A_84 : memref<1x20x512xi32, #tpu.memory_space<hbm>> -> memref<20x512xi32, #tpu.memory_space<hbm>>
      %dma_wait3A_86 = arith.constant 0 : i32
      %dma_wait3A_87 = tpu.memref_slice %arg3[%run_scoped3A_7, %mul3A_6, %dma_wait3A_86] : memref<2x640x512xi32, #tpu.memory_space<hbm>> -> memref<1x20x512xi32, #tpu.memory_space<hbm>>
      %dma_wait3A_88 = tpu.memref_squeeze %dma_wait3A_87 : memref<1x20x512xi32, #tpu.memory_space<hbm>> -> memref<20x512xi32, #tpu.memory_space<hbm>>
      tpu.wait_dma2 semaphore(%run_scoped3A_77 : memref<!tpu.dma_semaphore, #tpu.memory_space<semaphore_mem>>) src(%dma_wait3A_88 : memref<20x512xi32, #tpu.memory_space<hbm>>) dst(%arg7 : memref<20x512xi32, #tpu.memory_space<vmem>>)
      tpu.yield
    }) : () -> ()
    %barrier3A = arith.constant 0 : index
    tpu.barrier barrier_id(%barrier3A)
    %scan3A = arith.constant 0 : i32
    %scan3A_8 = arith.constant 0 : i32
    %scan3A_9 = arith.constant 5 : i32
    %scan3A_10 = arith.addi %scan3A_8, %scan3A_9 : i32
    %scan3A_11 = arith.constant 1 : i32
    scf.for %scan3A_77 = %scan3A_8 to %scan3A_10 step %scan3A_11  : i32 {
      %mul3A_78 = arith.constant 4 : i32
      %mul3A_79 = arith.muli %scan3A_77, %mul3A_78 : i32
      %add3A_80 = arith.constant 0 : i32
      %add3A_81 = arith.addi %mul3A_79, %add3A_80 : i32
      %ge3A = arith.constant 1 : i32
      %ge3A_82 = arith.cmpi sge, %scan3A_77, %ge3A : i32
      %convert_element_type3A = arith.extui %ge3A_82 : i1 to i32
      %cond3A = arith.constant 0 : i32
      %cond3A_83 = arith.cmpi ne, %convert_element_type3A, %cond3A : i32
      scf.if %cond3A_83 {
        %dma_wait3A_294 = arith.constant 0 : i32
        %dma_wait3A_295 = arith.constant 0 : i32
        %dma_wait3A_296 = arith.constant 0 : i32
        %dma_wait3A_297 = arith.constant 0 : i32
        %dma_wait3A_298 = tpu.memref_slice %arg8[%dma_wait3A_294, %dma_wait3A_296, %dma_wait3A_297] : memref<4x512x16xf32, #tpu.memory_space<vmem>> -> memref<1x512x16xf32, #tpu.memory_space<vmem>>
        %dma_wait3A_299 = tpu.memref_squeeze %dma_wait3A_298 : memref<1x512x16xf32, #tpu.memory_space<vmem>> -> memref<512x16xf32, #tpu.memory_space<vmem>>
        %dma_wait3A_300 = arith.constant 0 : i32
        %dma_wait3A_301 = tpu.memref_slice %arg7[%add3A_81, %dma_wait3A_300] : memref<20x512xi32, #tpu.memory_space<vmem>> -> memref<1x512xi32, #tpu.memory_space<vmem>>
        %dma_wait3A_302 = tpu.memref_squeeze %dma_wait3A_301 : memref<1x512xi32, #tpu.memory_space<vmem>> -> memref<512xi32, #tpu.memory_space<vmem>>
        %dma_wait3A_303 = arith.constant 0 : i32
        %dma_wait3A_304 = arith.constant 0 : i32
        %dma_wait3A_305 = tpu.memref_slice %arg9[%dma_wait3A_303, %dma_wait3A_304] : memref<10240x16xf32, #tpu.memory_space<vmem_shared>> -> memref<10240x16xf32, #tpu.memory_space<vmem_shared>>
        %dma_wait3A_306 = tpu.memref_slice %arg11[%dma_wait3A_295] : memref<4x!tpu.dma_semaphore, #tpu.memory_space<semaphore_mem>> -> memref<1x!tpu.dma_semaphore, #tpu.memory_space<semaphore_mem>>
        %dma_wait3A_307 = tpu.memref_squeeze %dma_wait3A_306 : memref<1x!tpu.dma_semaphore, #tpu.memory_space<semaphore_mem>> -> memref<!tpu.dma_semaphore, #tpu.memory_space<semaphore_mem>>
        tpu.wait_indirect_dma semaphore(%dma_wait3A_307 : memref<!tpu.dma_semaphore, #tpu.memory_space<semaphore_mem>>) src(%dma_wait3A_299 : memref<512x16xf32, #tpu.memory_space<vmem>>) dst(%dma_wait3A_305 : memref<10240x16xf32, #tpu.memory_space<vmem_shared>>)
      } else {
      }
      %dma_start3A = arith.constant 0 : i32
      %dma_start3A_84 = arith.constant 0 : i32
      %dma_start3A_85 = arith.constant 0 : i32
      %dma_start3A_86 = arith.constant 0 : i32
      %dma_start3A_87 = tpu.memref_slice %arg8[%dma_start3A, %dma_start3A_85, %dma_start3A_86] : memref<4x512x16xf32, #tpu.memory_space<vmem>> -> memref<1x512x16xf32, #tpu.memory_space<vmem>>
      %dma_start3A_88 = tpu.memref_squeeze %dma_start3A_87 : memref<1x512x16xf32, #tpu.memory_space<vmem>> -> memref<512x16xf32, #tpu.memory_space<vmem>>
      %dma_start3A_89 = arith.constant 0 : i32
      %dma_start3A_90 = tpu.memref_slice %arg6[%add3A_81, %dma_start3A_89] : memref<20x512xi32, #tpu.memory_space<vmem>> -> memref<1x512xi32, #tpu.memory_space<vmem>>
      %dma_start3A_91 = tpu.memref_squeeze %dma_start3A_90 : memref<1x512xi32, #tpu.memory_space<vmem>> -> memref<512xi32, #tpu.memory_space<vmem>>
      %dma_start3A_92 = arith.constant 0 : i32
      %dma_start3A_93 = arith.constant 0 : i32
      %dma_start3A_94 = tpu.memref_slice %arg2[%dma_start3A_92, %dma_start3A_93] : memref<10240x16xf32, #tpu.memory_space<hbm>> -> memref<10240x16xf32, #tpu.memory_space<hbm>>
      %dma_start3A_95 = tpu.memref_slice %arg10[%dma_start3A_84] : memref<4x!tpu.dma_semaphore, #tpu.memory_space<semaphore_mem>> -> memref<1x!tpu.dma_semaphore, #tpu.memory_space<semaphore_mem>>
      %dma_start3A_96 = tpu.memref_squeeze %dma_start3A_95 : memref<1x!tpu.dma_semaphore, #tpu.memory_space<semaphore_mem>> -> memref<!tpu.dma_semaphore, #tpu.memory_space<semaphore_mem>>
      tpu.enqueue_indirect_dma source(%dma_start3A_94 : memref<10240x16xf32, #tpu.memory_space<hbm>>) target(%dma_start3A_88 : memref<512x16xf32, #tpu.memory_space<vmem>>) offsets(%dma_start3A_91 : memref<512xi32, #tpu.memory_space<vmem>>) semaphore(%dma_start3A_96 : memref<!tpu.dma_semaphore, #tpu.memory_space<semaphore_mem>>)
      %mul3A_97 = arith.constant 4 : i32
      %mul3A_98 = arith.muli %scan3A_77, %mul3A_97 : i32
      %add3A_99 = arith.constant 1 : i32
      %add3A_100 = arith.addi %mul3A_98, %add3A_99 : i32
      %ge3A_101 = arith.constant 1 : i32
      %ge3A_102 = arith.cmpi sge, %scan3A_77, %ge3A_101 : i32
      %convert_element_type3A_103 = arith.extui %ge3A_102 : i1 to i32
      %cond3A_104 = arith.constant 0 : i32
      %cond3A_105 = arith.cmpi ne, %convert_element_type3A_103, %cond3A_104 : i32
      scf.if %cond3A_105 {
        %dma_wait3A_294 = arith.constant 1 : i32
        %dma_wait3A_295 = arith.constant 1 : i32
        %dma_wait3A_296 = arith.constant 0 : i32
        %dma_wait3A_297 = arith.constant 0 : i32
        %dma_wait3A_298 = tpu.memref_slice %arg8[%dma_wait3A_294, %dma_wait3A_296, %dma_wait3A_297] : memref<4x512x16xf32, #tpu.memory_space<vmem>> -> memref<1x512x16xf32, #tpu.memory_space<vmem>>
        %dma_wait3A_299 = tpu.memref_squeeze %dma_wait3A_298 : memref<1x512x16xf32, #tpu.memory_space<vmem>> -> memref<512x16xf32, #tpu.memory_space<vmem>>
        %dma_wait3A_300 = arith.constant 0 : i32
        %dma_wait3A_301 = tpu.memref_slice %arg7[%add3A_100, %dma_wait3A_300] : memref<20x512xi32, #tpu.memory_space<vmem>> -> memref<1x512xi32, #tpu.memory_space<vmem>>
        %dma_wait3A_302 = tpu.memref_squeeze %dma_wait3A_301 : memref<1x512xi32, #tpu.memory_space<vmem>> -> memref<512xi32, #tpu.memory_space<vmem>>
        %dma_wait3A_303 = arith.constant 0 : i32
        %dma_wait3A_304 = arith.constant 0 : i32
        %dma_wait3A_305 = tpu.memref_slice %arg9[%dma_wait3A_303, %dma_wait3A_304] : memref<10240x16xf32, #tpu.memory_space<vmem_shared>> -> memref<10240x16xf32, #tpu.memory_space<vmem_shared>>
        %dma_wait3A_306 = tpu.memref_slice %arg11[%dma_wait3A_295] : memref<4x!tpu.dma_semaphore, #tpu.memory_space<semaphore_mem>> -> memref<1x!tpu.dma_semaphore, #tpu.memory_space<semaphore_mem>>
        %dma_wait3A_307 = tpu.memref_squeeze %dma_wait3A_306 : memref<1x!tpu.dma_semaphore, #tpu.memory_space<semaphore_mem>> -> memref<!tpu.dma_semaphore, #tpu.memory_space<semaphore_mem>>
        tpu.wait_indirect_dma semaphore(%dma_wait3A_307 : memref<!tpu.dma_semaphore, #tpu.memory_space<semaphore_mem>>) src(%dma_wait3A_299 : memref<512x16xf32, #tpu.memory_space<vmem>>) dst(%dma_wait3A_305 : memref<10240x16xf32, #tpu.memory_space<vmem_shared>>)
      } else {
      }
      %dma_start3A_106 = arith.constant 1 : i32
      %dma_start3A_107 = arith.constant 1 : i32
      %dma_start3A_108 = arith.constant 0 : i32
      %dma_start3A_109 = arith.constant 0 : i32
      %dma_start3A_110 = tpu.memref_slice %arg8[%dma_start3A_106, %dma_start3A_108, %dma_start3A_109] : memref<4x512x16xf32, #tpu.memory_space<vmem>> -> memref<1x512x16xf32, #tpu.memory_space<vmem>>
      %dma_start3A_111 = tpu.memref_squeeze %dma_start3A_110 : memref<1x512x16xf32, #tpu.memory_space<vmem>> -> memref<512x16xf32, #tpu.memory_space<vmem>>
      %dma_start3A_112 = arith.constant 0 : i32
      %dma_start3A_113 = tpu.memref_slice %arg6[%add3A_100, %dma_start3A_112] : memref<20x512xi32, #tpu.memory_space<vmem>> -> memref<1x512xi32, #tpu.memory_space<vmem>>
      %dma_start3A_114 = tpu.memref_squeeze %dma_start3A_113 : memref<1x512xi32, #tpu.memory_space<vmem>> -> memref<512xi32, #tpu.memory_space<vmem>>
      %dma_start3A_115 = arith.constant 0 : i32
      %dma_start3A_116 = arith.constant 0 : i32
      %dma_start3A_117 = tpu.memref_slice %arg2[%dma_start3A_115, %dma_start3A_116] : memref<10240x16xf32, #tpu.memory_space<hbm>> -> memref<10240x16xf32, #tpu.memory_space<hbm>>
      %dma_start3A_118 = tpu.memref_slice %arg10[%dma_start3A_107] : memref<4x!tpu.dma_semaphore, #tpu.memory_space<semaphore_mem>> -> memref<1x!tpu.dma_semaphore, #tpu.memory_space<semaphore_mem>>
      %dma_start3A_119 = tpu.memref_squeeze %dma_start3A_118 : memref<1x!tpu.dma_semaphore, #tpu.memory_space<semaphore_mem>> -> memref<!tpu.dma_semaphore, #tpu.memory_space<semaphore_mem>>
      tpu.enqueue_indirect_dma source(%dma_start3A_117 : memref<10240x16xf32, #tpu.memory_space<hbm>>) target(%dma_start3A_111 : memref<512x16xf32, #tpu.memory_space<vmem>>) offsets(%dma_start3A_114 : memref<512xi32, #tpu.memory_space<vmem>>) semaphore(%dma_start3A_119 : memref<!tpu.dma_semaphore, #tpu.memory_space<semaphore_mem>>)
      %mul3A_120 = arith.constant 4 : i32
      %mul3A_121 = arith.muli %scan3A_77, %mul3A_120 : i32
      %add3A_122 = arith.constant 2 : i32
      %add3A_123 = arith.addi %mul3A_121, %add3A_122 : i32
      %ge3A_124 = arith.constant 1 : i32
      %ge3A_125 = arith.cmpi sge, %scan3A_77, %ge3A_124 : i32
      %convert_element_type3A_126 = arith.extui %ge3A_125 : i1 to i32
      %cond3A_127 = arith.constant 0 : i32
      %cond3A_128 = arith.cmpi ne, %convert_element_type3A_126, %cond3A_127 : i32
      scf.if %cond3A_128 {
        %dma_wait3A_294 = arith.constant 2 : i32
        %dma_wait3A_295 = arith.constant 2 : i32
        %dma_wait3A_296 = arith.constant 0 : i32
        %dma_wait3A_297 = arith.constant 0 : i32
        %dma_wait3A_298 = tpu.memref_slice %arg8[%dma_wait3A_294, %dma_wait3A_296, %dma_wait3A_297] : memref<4x512x16xf32, #tpu.memory_space<vmem>> -> memref<1x512x16xf32, #tpu.memory_space<vmem>>
        %dma_wait3A_299 = tpu.memref_squeeze %dma_wait3A_298 : memref<1x512x16xf32, #tpu.memory_space<vmem>> -> memref<512x16xf32, #tpu.memory_space<vmem>>
        %dma_wait3A_300 = arith.constant 0 : i32
        %dma_wait3A_301 = tpu.memref_slice %arg7[%add3A_123, %dma_wait3A_300] : memref<20x512xi32, #tpu.memory_space<vmem>> -> memref<1x512xi32, #tpu.memory_space<vmem>>
        %dma_wait3A_302 = tpu.memref_squeeze %dma_wait3A_301 : memref<1x512xi32, #tpu.memory_space<vmem>> -> memref<512xi32, #tpu.memory_space<vmem>>
        %dma_wait3A_303 = arith.constant 0 : i32
        %dma_wait3A_304 = arith.constant 0 : i32
        %dma_wait3A_305 = tpu.memref_slice %arg9[%dma_wait3A_303, %dma_wait3A_304] : memref<10240x16xf32, #tpu.memory_space<vmem_shared>> -> memref<10240x16xf32, #tpu.memory_space<vmem_shared>>
        %dma_wait3A_306 = tpu.memref_slice %arg11[%dma_wait3A_295] : memref<4x!tpu.dma_semaphore, #tpu.memory_space<semaphore_mem>> -> memref<1x!tpu.dma_semaphore, #tpu.memory_space<semaphore_mem>>
        %dma_wait3A_307 = tpu.memref_squeeze %dma_wait3A_306 : memref<1x!tpu.dma_semaphore, #tpu.memory_space<semaphore_mem>> -> memref<!tpu.dma_semaphore, #tpu.memory_space<semaphore_mem>>
        tpu.wait_indirect_dma semaphore(%dma_wait3A_307 : memref<!tpu.dma_semaphore, #tpu.memory_space<semaphore_mem>>) src(%dma_wait3A_299 : memref<512x16xf32, #tpu.memory_space<vmem>>) dst(%dma_wait3A_305 : memref<10240x16xf32, #tpu.memory_space<vmem_shared>>)
      } else {
      }
      %dma_start3A_129 = arith.constant 2 : i32
      %dma_start3A_130 = arith.constant 2 : i32
      %dma_start3A_131 = arith.constant 0 : i32
      %dma_start3A_132 = arith.constant 0 : i32
      %dma_start3A_133 = tpu.memref_slice %arg8[%dma_start3A_129, %dma_start3A_131, %dma_start3A_132] : memref<4x512x16xf32, #tpu.memory_space<vmem>> -> memref<1x512x16xf32, #tpu.memory_space<vmem>>
      %dma_start3A_134 = tpu.memref_squeeze %dma_start3A_133 : memref<1x512x16xf32, #tpu.memory_space<vmem>> -> memref<512x16xf32, #tpu.memory_space<vmem>>
      %dma_start3A_135 = arith.constant 0 : i32
      %dma_start3A_136 = tpu.memref_slice %arg6[%add3A_123, %dma_start3A_135] : memref<20x512xi32, #tpu.memory_space<vmem>> -> memref<1x512xi32, #tpu.memory_space<vmem>>
      %dma_start3A_137 = tpu.memref_squeeze %dma_start3A_136 : memref<1x512xi32, #tpu.memory_space<vmem>> -> memref<512xi32, #tpu.memory_space<vmem>>
      %dma_start3A_138 = arith.constant 0 : i32
      %dma_start3A_139 = arith.constant 0 : i32
      %dma_start3A_140 = tpu.memref_slice %arg2[%dma_start3A_138, %dma_start3A_139] : memref<10240x16xf32, #tpu.memory_space<hbm>> -> memref<10240x16xf32, #tpu.memory_space<hbm>>
      %dma_start3A_141 = tpu.memref_slice %arg10[%dma_start3A_130] : memref<4x!tpu.dma_semaphore, #tpu.memory_space<semaphore_mem>> -> memref<1x!tpu.dma_semaphore, #tpu.memory_space<semaphore_mem>>
      %dma_start3A_142 = tpu.memref_squeeze %dma_start3A_141 : memref<1x!tpu.dma_semaphore, #tpu.memory_space<semaphore_mem>> -> memref<!tpu.dma_semaphore, #tpu.memory_space<semaphore_mem>>
      tpu.enqueue_indirect_dma source(%dma_start3A_140 : memref<10240x16xf32, #tpu.memory_space<hbm>>) target(%dma_start3A_134 : memref<512x16xf32, #tpu.memory_space<vmem>>) offsets(%dma_start3A_137 : memref<512xi32, #tpu.memory_space<vmem>>) semaphore(%dma_start3A_142 : memref<!tpu.dma_semaphore, #tpu.memory_space<semaphore_mem>>)
      %mul3A_143 = arith.constant 4 : i32
      %mul3A_144 = arith.muli %scan3A_77, %mul3A_143 : i32
      %add3A_145 = arith.constant 3 : i32
      %add3A_146 = arith.addi %mul3A_144, %add3A_145 : i32
      %ge3A_147 = arith.constant 1 : i32
      %ge3A_148 = arith.cmpi sge, %scan3A_77, %ge3A_147 : i32
      %convert_element_type3A_149 = arith.extui %ge3A_148 : i1 to i32
      %cond3A_150 = arith.constant 0 : i32
      %cond3A_151 = arith.cmpi ne, %convert_element_type3A_149, %cond3A_150 : i32
      scf.if %cond3A_151 {
        %dma_wait3A_294 = arith.constant 3 : i32
        %dma_wait3A_295 = arith.constant 3 : i32
        %dma_wait3A_296 = arith.constant 0 : i32
        %dma_wait3A_297 = arith.constant 0 : i32
        %dma_wait3A_298 = tpu.memref_slice %arg8[%dma_wait3A_294, %dma_wait3A_296, %dma_wait3A_297] : memref<4x512x16xf32, #tpu.memory_space<vmem>> -> memref<1x512x16xf32, #tpu.memory_space<vmem>>
        %dma_wait3A_299 = tpu.memref_squeeze %dma_wait3A_298 : memref<1x512x16xf32, #tpu.memory_space<vmem>> -> memref<512x16xf32, #tpu.memory_space<vmem>>
        %dma_wait3A_300 = arith.constant 0 : i32
        %dma_wait3A_301 = tpu.memref_slice %arg7[%add3A_146, %dma_wait3A_300] : memref<20x512xi32, #tpu.memory_space<vmem>> -> memref<1x512xi32, #tpu.memory_space<vmem>>
        %dma_wait3A_302 = tpu.memref_squeeze %dma_wait3A_301 : memref<1x512xi32, #tpu.memory_space<vmem>> -> memref<512xi32, #tpu.memory_space<vmem>>
        %dma_wait3A_303 = arith.constant 0 : i32
        %dma_wait3A_304 = arith.constant 0 : i32
        %dma_wait3A_305 = tpu.memref_slice %arg9[%dma_wait3A_303, %dma_wait3A_304] : memref<10240x16xf32, #tpu.memory_space<vmem_shared>> -> memref<10240x16xf32, #tpu.memory_space<vmem_shared>>
        %dma_wait3A_306 = tpu.memref_slice %arg11[%dma_wait3A_295] : memref<4x!tpu.dma_semaphore, #tpu.memory_space<semaphore_mem>> -> memref<1x!tpu.dma_semaphore, #tpu.memory_space<semaphore_mem>>
        %dma_wait3A_307 = tpu.memref_squeeze %dma_wait3A_306 : memref<1x!tpu.dma_semaphore, #tpu.memory_space<semaphore_mem>> -> memref<!tpu.dma_semaphore, #tpu.memory_space<semaphore_mem>>
        tpu.wait_indirect_dma semaphore(%dma_wait3A_307 : memref<!tpu.dma_semaphore, #tpu.memory_space<semaphore_mem>>) src(%dma_wait3A_299 : memref<512x16xf32, #tpu.memory_space<vmem>>) dst(%dma_wait3A_305 : memref<10240x16xf32, #tpu.memory_space<vmem_shared>>)
      } else {
      }
      %dma_start3A_152 = arith.constant 3 : i32
      %dma_start3A_153 = arith.constant 3 : i32
      %dma_start3A_154 = arith.constant 0 : i32
      %dma_start3A_155 = arith.constant 0 : i32
      %dma_start3A_156 = tpu.memref_slice %arg8[%dma_start3A_152, %dma_start3A_154, %dma_start3A_155] : memref<4x512x16xf32, #tpu.memory_space<vmem>> -> memref<1x512x16xf32, #tpu.memory_space<vmem>>
      %dma_start3A_157 = tpu.memref_squeeze %dma_start3A_156 : memref<1x512x16xf32, #tpu.memory_space<vmem>> -> memref<512x16xf32, #tpu.memory_space<vmem>>
      %dma_start3A_158 = arith.constant 0 : i32
      %dma_start3A_159 = tpu.memref_slice %arg6[%add3A_146, %dma_start3A_158] : memref<20x512xi32, #tpu.memory_space<vmem>> -> memref<1x512xi32, #tpu.memory_space<vmem>>
      %dma_start3A_160 = tpu.memref_squeeze %dma_start3A_159 : memref<1x512xi32, #tpu.memory_space<vmem>> -> memref<512xi32, #tpu.memory_space<vmem>>
      %dma_start3A_161 = arith.constant 0 : i32
      %dma_start3A_162 = arith.constant 0 : i32
      %dma_start3A_163 = tpu.memref_slice %arg2[%dma_start3A_161, %dma_start3A_162] : memref<10240x16xf32, #tpu.memory_space<hbm>> -> memref<10240x16xf32, #tpu.memory_space<hbm>>
      %dma_start3A_164 = tpu.memref_slice %arg10[%dma_start3A_153] : memref<4x!tpu.dma_semaphore, #tpu.memory_space<semaphore_mem>> -> memref<1x!tpu.dma_semaphore, #tpu.memory_space<semaphore_mem>>
      %dma_start3A_165 = tpu.memref_squeeze %dma_start3A_164 : memref<1x!tpu.dma_semaphore, #tpu.memory_space<semaphore_mem>> -> memref<!tpu.dma_semaphore, #tpu.memory_space<semaphore_mem>>
      tpu.enqueue_indirect_dma source(%dma_start3A_163 : memref<10240x16xf32, #tpu.memory_space<hbm>>) target(%dma_start3A_157 : memref<512x16xf32, #tpu.memory_space<vmem>>) offsets(%dma_start3A_160 : memref<512xi32, #tpu.memory_space<vmem>>) semaphore(%dma_start3A_165 : memref<!tpu.dma_semaphore, #tpu.memory_space<semaphore_mem>>)
      %mul3A_166 = arith.constant 4 : i32
      %mul3A_167 = arith.muli %scan3A_77, %mul3A_166 : i32
      %add3A_168 = arith.constant 0 : i32
      %add3A_169 = arith.addi %mul3A_167, %add3A_168 : i32
      %dma_wait3A_170 = arith.constant 0 : i32
      %dma_wait3A_171 = arith.constant 0 : i32
      %dma_wait3A_172 = arith.constant 0 : i32
      %dma_wait3A_173 = arith.constant 0 : i32
      %dma_wait3A_174 = tpu.memref_slice %arg8[%dma_wait3A_170, %dma_wait3A_172, %dma_wait3A_173] : memref<4x512x16xf32, #tpu.memory_space<vmem>> -> memref<1x512x16xf32, #tpu.memory_space<vmem>>
      %dma_wait3A_175 = tpu.memref_squeeze %dma_wait3A_174 : memref<1x512x16xf32, #tpu.memory_space<vmem>> -> memref<512x16xf32, #tpu.memory_space<vmem>>
      %dma_wait3A_176 = arith.constant 0 : i32
      %dma_wait3A_177 = tpu.memref_slice %arg6[%add3A_169, %dma_wait3A_176] : memref<20x512xi32, #tpu.memory_space<vmem>> -> memref<1x512xi32, #tpu.memory_space<vmem>>
      %dma_wait3A_178 = tpu.memref_squeeze %dma_wait3A_177 : memref<1x512xi32, #tpu.memory_space<vmem>> -> memref<512xi32, #tpu.memory_space<vmem>>
      %dma_wait3A_179 = arith.constant 0 : i32
      %dma_wait3A_180 = arith.constant 0 : i32
      %dma_wait3A_181 = tpu.memref_slice %arg2[%dma_wait3A_179, %dma_wait3A_180] : memref<10240x16xf32, #tpu.memory_space<hbm>> -> memref<10240x16xf32, #tpu.memory_space<hbm>>
      %dma_wait3A_182 = tpu.memref_slice %arg10[%dma_wait3A_171] : memref<4x!tpu.dma_semaphore, #tpu.memory_space<semaphore_mem>> -> memref<1x!tpu.dma_semaphore, #tpu.memory_space<semaphore_mem>>
      %dma_wait3A_183 = tpu.memref_squeeze %dma_wait3A_182 : memref<1x!tpu.dma_semaphore, #tpu.memory_space<semaphore_mem>> -> memref<!tpu.dma_semaphore, #tpu.memory_space<semaphore_mem>>
      tpu.wait_indirect_dma semaphore(%dma_wait3A_183 : memref<!tpu.dma_semaphore, #tpu.memory_space<semaphore_mem>>) src(%dma_wait3A_181 : memref<10240x16xf32, #tpu.memory_space<hbm>>) dst(%dma_wait3A_175 : memref<512x16xf32, #tpu.memory_space<vmem>>)
      %dma_start3A_184 = arith.constant 0 : i32
      %dma_start3A_185 = arith.constant 0 : i32
      %dma_start3A_186 = arith.constant 0 : i32
      %dma_start3A_187 = arith.constant 0 : i32
      %dma_start3A_188 = tpu.memref_slice %arg8[%dma_start3A_184, %dma_start3A_186, %dma_start3A_187] : memref<4x512x16xf32, #tpu.memory_space<vmem>> -> memref<1x512x16xf32, #tpu.memory_space<vmem>>
      %dma_start3A_189 = tpu.memref_squeeze %dma_start3A_188 : memref<1x512x16xf32, #tpu.memory_space<vmem>> -> memref<512x16xf32, #tpu.memory_space<vmem>>
      %dma_start3A_190 = arith.constant 0 : i32
      %dma_start3A_191 = tpu.memref_slice %arg7[%add3A_169, %dma_start3A_190] : memref<20x512xi32, #tpu.memory_space<vmem>> -> memref<1x512xi32, #tpu.memory_space<vmem>>
      %dma_start3A_192 = tpu.memref_squeeze %dma_start3A_191 : memref<1x512xi32, #tpu.memory_space<vmem>> -> memref<512xi32, #tpu.memory_space<vmem>>
      %dma_start3A_193 = arith.constant 0 : i32
      %dma_start3A_194 = arith.constant 0 : i32
      %dma_start3A_195 = tpu.memref_slice %arg9[%dma_start3A_193, %dma_start3A_194] : memref<10240x16xf32, #tpu.memory_space<vmem_shared>> -> memref<10240x16xf32, #tpu.memory_space<vmem_shared>>
      %dma_start3A_196 = tpu.memref_slice %arg11[%dma_start3A_185] : memref<4x!tpu.dma_semaphore, #tpu.memory_space<semaphore_mem>> -> memref<1x!tpu.dma_semaphore, #tpu.memory_space<semaphore_mem>>
      %dma_start3A_197 = tpu.memref_squeeze %dma_start3A_196 : memref<1x!tpu.dma_semaphore, #tpu.memory_space<semaphore_mem>> -> memref<!tpu.dma_semaphore, #tpu.memory_space<semaphore_mem>>
      tpu.enqueue_indirect_dma source(%dma_start3A_189 : memref<512x16xf32, #tpu.memory_space<vmem>>) target(%dma_start3A_195 : memref<10240x16xf32, #tpu.memory_space<vmem_shared>>) offsets(%dma_start3A_192 : memref<512xi32, #tpu.memory_space<vmem>>) semaphore(%dma_start3A_197 : memref<!tpu.dma_semaphore, #tpu.memory_space<semaphore_mem>>) {add = true}
      %mul3A_198 = arith.constant 4 : i32
      %mul3A_199 = arith.muli %scan3A_77, %mul3A_198 : i32
      %add3A_200 = arith.constant 1 : i32
      %add3A_201 = arith.addi %mul3A_199, %add3A_200 : i32
      %dma_wait3A_202 = arith.constant 1 : i32
      %dma_wait3A_203 = arith.constant 1 : i32
      %dma_wait3A_204 = arith.constant 0 : i32
      %dma_wait3A_205 = arith.constant 0 : i32
      %dma_wait3A_206 = tpu.memref_slice %arg8[%dma_wait3A_202, %dma_wait3A_204, %dma_wait3A_205] : memref<4x512x16xf32, #tpu.memory_space<vmem>> -> memref<1x512x16xf32, #tpu.memory_space<vmem>>
      %dma_wait3A_207 = tpu.memref_squeeze %dma_wait3A_206 : memref<1x512x16xf32, #tpu.memory_space<vmem>> -> memref<512x16xf32, #tpu.memory_space<vmem>>
      %dma_wait3A_208 = arith.constant 0 : i32
      %dma_wait3A_209 = tpu.memref_slice %arg6[%add3A_201, %dma_wait3A_208] : memref<20x512xi32, #tpu.memory_space<vmem>> -> memref<1x512xi32, #tpu.memory_space<vmem>>
      %dma_wait3A_210 = tpu.memref_squeeze %dma_wait3A_209 : memref<1x512xi32, #tpu.memory_space<vmem>> -> memref<512xi32, #tpu.memory_space<vmem>>
      %dma_wait3A_211 = arith.constant 0 : i32
      %dma_wait3A_212 = arith.constant 0 : i32
      %dma_wait3A_213 = tpu.memref_slice %arg2[%dma_wait3A_211, %dma_wait3A_212] : memref<10240x16xf32, #tpu.memory_space<hbm>> -> memref<10240x16xf32, #tpu.memory_space<hbm>>
      %dma_wait3A_214 = tpu.memref_slice %arg10[%dma_wait3A_203] : memref<4x!tpu.dma_semaphore, #tpu.memory_space<semaphore_mem>> -> memref<1x!tpu.dma_semaphore, #tpu.memory_space<semaphore_mem>>
      %dma_wait3A_215 = tpu.memref_squeeze %dma_wait3A_214 : memref<1x!tpu.dma_semaphore, #tpu.memory_space<semaphore_mem>> -> memref<!tpu.dma_semaphore, #tpu.memory_space<semaphore_mem>>
      tpu.wait_indirect_dma semaphore(%dma_wait3A_215 : memref<!tpu.dma_semaphore, #tpu.memory_space<semaphore_mem>>) src(%dma_wait3A_213 : memref<10240x16xf32, #tpu.memory_space<hbm>>) dst(%dma_wait3A_207 : memref<512x16xf32, #tpu.memory_space<vmem>>)
      %dma_start3A_216 = arith.constant 1 : i32
      %dma_start3A_217 = arith.constant 1 : i32
      %dma_start3A_218 = arith.constant 0 : i32
      %dma_start3A_219 = arith.constant 0 : i32
      %dma_start3A_220 = tpu.memref_slice %arg8[%dma_start3A_216, %dma_start3A_218, %dma_start3A_219] : memref<4x512x16xf32, #tpu.memory_space<vmem>> -> memref<1x512x16xf32, #tpu.memory_space<vmem>>
      %dma_start3A_221 = tpu.memref_squeeze %dma_start3A_220 : memref<1x512x16xf32, #tpu.memory_space<vmem>> -> memref<512x16xf32, #tpu.memory_space<vmem>>
      %dma_start3A_222 = arith.constant 0 : i32
      %dma_start3A_223 = tpu.memref_slice %arg7[%add3A_201, %dma_start3A_222] : memref<20x512xi32, #tpu.memory_space<vmem>> -> memref<1x512xi32, #tpu.memory_space<vmem>>
      %dma_start3A_224 = tpu.memref_squeeze %dma_start3A_223 : memref<1x512xi32, #tpu.memory_space<vmem>> -> memref<512xi32, #tpu.memory_space<vmem>>
      %dma_start3A_225 = arith.constant 0 : i32
      %dma_start3A_226 = arith.constant 0 : i32
      %dma_start3A_227 = tpu.memref_slice %arg9[%dma_start3A_225, %dma_start3A_226] : memref<10240x16xf32, #tpu.memory_space<vmem_shared>> -> memref<10240x16xf32, #tpu.memory_space<vmem_shared>>
      %dma_start3A_228 = tpu.memref_slice %arg11[%dma_start3A_217] : memref<4x!tpu.dma_semaphore, #tpu.memory_space<semaphore_mem>> -> memref<1x!tpu.dma_semaphore, #tpu.memory_space<semaphore_mem>>
      %dma_start3A_229 = tpu.memref_squeeze %dma_start3A_228 : memref<1x!tpu.dma_semaphore, #tpu.memory_space<semaphore_mem>> -> memref<!tpu.dma_semaphore, #tpu.memory_space<semaphore_mem>>
      tpu.enqueue_indirect_dma source(%dma_start3A_221 : memref<512x16xf32, #tpu.memory_space<vmem>>) target(%dma_start3A_227 : memref<10240x16xf32, #tpu.memory_space<vmem_shared>>) offsets(%dma_start3A_224 : memref<512xi32, #tpu.memory_space<vmem>>) semaphore(%dma_start3A_229 : memref<!tpu.dma_semaphore, #tpu.memory_space<semaphore_mem>>) {add = true}
      %mul3A_230 = arith.constant 4 : i32
      %mul3A_231 = arith.muli %scan3A_77, %mul3A_230 : i32
      %add3A_232 = arith.constant 2 : i32
      %add3A_233 = arith.addi %mul3A_231, %add3A_232 : i32
      %dma_wait3A_234 = arith.constant 2 : i32
      %dma_wait3A_235 = arith.constant 2 : i32
      %dma_wait3A_236 = arith.constant 0 : i32
      %dma_wait3A_237 = arith.constant 0 : i32
      %dma_wait3A_238 = tpu.memref_slice %arg8[%dma_wait3A_234, %dma_wait3A_236, %dma_wait3A_237] : memref<4x512x16xf32, #tpu.memory_space<vmem>> -> memref<1x512x16xf32, #tpu.memory_space<vmem>>
      %dma_wait3A_239 = tpu.memref_squeeze %dma_wait3A_238 : memref<1x512x16xf32, #tpu.memory_space<vmem>> -> memref<512x16xf32, #tpu.memory_space<vmem>>
      %dma_wait3A_240 = arith.constant 0 : i32
      %dma_wait3A_241 = tpu.memref_slice %arg6[%add3A_233, %dma_wait3A_240] : memref<20x512xi32, #tpu.memory_space<vmem>> -> memref<1x512xi32, #tpu.memory_space<vmem>>
      %dma_wait3A_242 = tpu.memref_squeeze %dma_wait3A_241 : memref<1x512xi32, #tpu.memory_space<vmem>> -> memref<512xi32, #tpu.memory_space<vmem>>
      %dma_wait3A_243 = arith.constant 0 : i32
      %dma_wait3A_244 = arith.constant 0 : i32
      %dma_wait3A_245 = tpu.memref_slice %arg2[%dma_wait3A_243, %dma_wait3A_244] : memref<10240x16xf32, #tpu.memory_space<hbm>> -> memref<10240x16xf32, #tpu.memory_space<hbm>>
      %dma_wait3A_246 = tpu.memref_slice %arg10[%dma_wait3A_235] : memref<4x!tpu.dma_semaphore, #tpu.memory_space<semaphore_mem>> -> memref<1x!tpu.dma_semaphore, #tpu.memory_space<semaphore_mem>>
      %dma_wait3A_247 = tpu.memref_squeeze %dma_wait3A_246 : memref<1x!tpu.dma_semaphore, #tpu.memory_space<semaphore_mem>> -> memref<!tpu.dma_semaphore, #tpu.memory_space<semaphore_mem>>
      tpu.wait_indirect_dma semaphore(%dma_wait3A_247 : memref<!tpu.dma_semaphore, #tpu.memory_space<semaphore_mem>>) src(%dma_wait3A_245 : memref<10240x16xf32, #tpu.memory_space<hbm>>) dst(%dma_wait3A_239 : memref<512x16xf32, #tpu.memory_space<vmem>>)
      %dma_start3A_248 = arith.constant 2 : i32
      %dma_start3A_249 = arith.constant 2 : i32
      %dma_start3A_250 = arith.constant 0 : i32
      %dma_start3A_251 = arith.constant 0 : i32
      %dma_start3A_252 = tpu.memref_slice %arg8[%dma_start3A_248, %dma_start3A_250, %dma_start3A_251] : memref<4x512x16xf32, #tpu.memory_space<vmem>> -> memref<1x512x16xf32, #tpu.memory_space<vmem>>
      %dma_start3A_253 = tpu.memref_squeeze %dma_start3A_252 : memref<1x512x16xf32, #tpu.memory_space<vmem>> -> memref<512x16xf32, #tpu.memory_space<vmem>>
      %dma_start3A_254 = arith.constant 0 : i32
      %dma_start3A_255 = tpu.memref_slice %arg7[%add3A_233, %dma_start3A_254] : memref<20x512xi32, #tpu.memory_space<vmem>> -> memref<1x512xi32, #tpu.memory_space<vmem>>
      %dma_start3A_256 = tpu.memref_squeeze %dma_start3A_255 : memref<1x512xi32, #tpu.memory_space<vmem>> -> memref<512xi32, #tpu.memory_space<vmem>>
      %dma_start3A_257 = arith.constant 0 : i32
      %dma_start3A_258 = arith.constant 0 : i32
      %dma_start3A_259 = tpu.memref_slice %arg9[%dma_start3A_257, %dma_start3A_258] : memref<10240x16xf32, #tpu.memory_space<vmem_shared>> -> memref<10240x16xf32, #tpu.memory_space<vmem_shared>>
      %dma_start3A_260 = tpu.memref_slice %arg11[%dma_start3A_249] : memref<4x!tpu.dma_semaphore, #tpu.memory_space<semaphore_mem>> -> memref<1x!tpu.dma_semaphore, #tpu.memory_space<semaphore_mem>>
      %dma_start3A_261 = tpu.memref_squeeze %dma_start3A_260 : memref<1x!tpu.dma_semaphore, #tpu.memory_space<semaphore_mem>> -> memref<!tpu.dma_semaphore, #tpu.memory_space<semaphore_mem>>
      tpu.enqueue_indirect_dma source(%dma_start3A_253 : memref<512x16xf32, #tpu.memory_space<vmem>>) target(%dma_start3A_259 : memref<10240x16xf32, #tpu.memory_space<vmem_shared>>) offsets(%dma_start3A_256 : memref<512xi32, #tpu.memory_space<vmem>>) semaphore(%dma_start3A_261 : memref<!tpu.dma_semaphore, #tpu.memory_space<semaphore_mem>>) {add = true}
      %mul3A_262 = arith.constant 4 : i32
      %mul3A_263 = arith.muli %scan3A_77, %mul3A_262 : i32
      %add3A_264 = arith.constant 3 : i32
      %add3A_265 = arith.addi %mul3A_263, %add3A_264 : i32
      %dma_wait3A_266 = arith.constant 3 : i32
      %dma_wait3A_267 = arith.constant 3 : i32
      %dma_wait3A_268 = arith.constant 0 : i32
      %dma_wait3A_269 = arith.constant 0 : i32
      %dma_wait3A_270 = tpu.memref_slice %arg8[%dma_wait3A_266, %dma_wait3A_268, %dma_wait3A_269] : memref<4x512x16xf32, #tpu.memory_space<vmem>> -> memref<1x512x16xf32, #tpu.memory_space<vmem>>
      %dma_wait3A_271 = tpu.memref_squeeze %dma_wait3A_270 : memref<1x512x16xf32, #tpu.memory_space<vmem>> -> memref<512x16xf32, #tpu.memory_space<vmem>>
      %dma_wait3A_272 = arith.constant 0 : i32
      %dma_wait3A_273 = tpu.memref_slice %arg6[%add3A_265, %dma_wait3A_272] : memref<20x512xi32, #tpu.memory_space<vmem>> -> memref<1x512xi32, #tpu.memory_space<vmem>>
      %dma_wait3A_274 = tpu.memref_squeeze %dma_wait3A_273 : memref<1x512xi32, #tpu.memory_space<vmem>> -> memref<512xi32, #tpu.memory_space<vmem>>
      %dma_wait3A_275 = arith.constant 0 : i32
      %dma_wait3A_276 = arith.constant 0 : i32
      %dma_wait3A_277 = tpu.memref_slice %arg2[%dma_wait3A_275, %dma_wait3A_276] : memref<10240x16xf32, #tpu.memory_space<hbm>> -> memref<10240x16xf32, #tpu.memory_space<hbm>>
      %dma_wait3A_278 = tpu.memref_slice %arg10[%dma_wait3A_267] : memref<4x!tpu.dma_semaphore, #tpu.memory_space<semaphore_mem>> -> memref<1x!tpu.dma_semaphore, #tpu.memory_space<semaphore_mem>>
      %dma_wait3A_279 = tpu.memref_squeeze %dma_wait3A_278 : memref<1x!tpu.dma_semaphore, #tpu.memory_space<semaphore_mem>> -> memref<!tpu.dma_semaphore, #tpu.memory_space<semaphore_mem>>
      tpu.wait_indirect_dma semaphore(%dma_wait3A_279 : memref<!tpu.dma_semaphore, #tpu.memory_space<semaphore_mem>>) src(%dma_wait3A_277 : memref<10240x16xf32, #tpu.memory_space<hbm>>) dst(%dma_wait3A_271 : memref<512x16xf32, #tpu.memory_space<vmem>>)
      %dma_start3A_280 = arith.constant 3 : i32
      %dma_start3A_281 = arith.constant 3 : i32
      %dma_start3A_282 = arith.constant 0 : i32
      %dma_start3A_283 = arith.constant 0 : i32
      %dma_start3A_284 = tpu.memref_slice %arg8[%dma_start3A_280, %dma_start3A_282, %dma_start3A_283] : memref<4x512x16xf32, #tpu.memory_space<vmem>> -> memref<1x512x16xf32, #tpu.memory_space<vmem>>
      %dma_start3A_285 = tpu.memref_squeeze %dma_start3A_284 : memref<1x512x16xf32, #tpu.memory_space<vmem>> -> memref<512x16xf32, #tpu.memory_space<vmem>>
      %dma_start3A_286 = arith.constant 0 : i32
      %dma_start3A_287 = tpu.memref_slice %arg7[%add3A_265, %dma_start3A_286] : memref<20x512xi32, #tpu.memory_space<vmem>> -> memref<1x512xi32, #tpu.memory_space<vmem>>
      %dma_start3A_288 = tpu.memref_squeeze %dma_start3A_287 : memref<1x512xi32, #tpu.memory_space<vmem>> -> memref<512xi32, #tpu.memory_space<vmem>>
      %dma_start3A_289 = arith.constant 0 : i32
      %dma_start3A_290 = arith.constant 0 : i32
      %dma_start3A_291 = tpu.memref_slice %arg9[%dma_start3A_289, %dma_start3A_290] : memref<10240x16xf32, #tpu.memory_space<vmem_shared>> -> memref<10240x16xf32, #tpu.memory_space<vmem_shared>>
      %dma_start3A_292 = tpu.memref_slice %arg11[%dma_start3A_281] : memref<4x!tpu.dma_semaphore, #tpu.memory_space<semaphore_mem>> -> memref<1x!tpu.dma_semaphore, #tpu.memory_space<semaphore_mem>>
      %dma_start3A_293 = tpu.memref_squeeze %dma_start3A_292 : memref<1x!tpu.dma_semaphore, #tpu.memory_space<semaphore_mem>> -> memref<!tpu.dma_semaphore, #tpu.memory_space<semaphore_mem>>
      tpu.enqueue_indirect_dma source(%dma_start3A_285 : memref<512x16xf32, #tpu.memory_space<vmem>>) target(%dma_start3A_291 : memref<10240x16xf32, #tpu.memory_space<vmem_shared>>) offsets(%dma_start3A_288 : memref<512xi32, #tpu.memory_space<vmem>>) semaphore(%dma_start3A_293 : memref<!tpu.dma_semaphore, #tpu.memory_space<semaphore_mem>>) {add = true}
    }
    %scan3A_12 = arith.constant 5 : i32
    %dma_wait3A = arith.constant 0 : i32
    %dma_wait3A_13 = arith.constant 16 : i32
    %dma_wait3A_14 = arith.constant 0 : i32
    %dma_wait3A_15 = arith.constant 0 : i32
    %dma_wait3A_16 = arith.constant 0 : i32
    %dma_wait3A_17 = tpu.memref_slice %arg8[%dma_wait3A, %dma_wait3A_15, %dma_wait3A_16] : memref<4x512x16xf32, #tpu.memory_space<vmem>> -> memref<1x512x16xf32, #tpu.memory_space<vmem>>
    %dma_wait3A_18 = tpu.memref_squeeze %dma_wait3A_17 : memref<1x512x16xf32, #tpu.memory_space<vmem>> -> memref<512x16xf32, #tpu.memory_space<vmem>>
    %dma_wait3A_19 = arith.constant 0 : i32
    %dma_wait3A_20 = tpu.memref_slice %arg7[%dma_wait3A_13, %dma_wait3A_19] : memref<20x512xi32, #tpu.memory_space<vmem>> -> memref<1x512xi32, #tpu.memory_space<vmem>>
    %dma_wait3A_21 = tpu.memref_squeeze %dma_wait3A_20 : memref<1x512xi32, #tpu.memory_space<vmem>> -> memref<512xi32, #tpu.memory_space<vmem>>
    %dma_wait3A_22 = arith.constant 0 : i32
    %dma_wait3A_23 = arith.constant 0 : i32
    %dma_wait3A_24 = tpu.memref_slice %arg9[%dma_wait3A_22, %dma_wait3A_23] : memref<10240x16xf32, #tpu.memory_space<vmem_shared>> -> memref<10240x16xf32, #tpu.memory_space<vmem_shared>>
    %dma_wait3A_25 = tpu.memref_slice %arg11[%dma_wait3A_14] : memref<4x!tpu.dma_semaphore, #tpu.memory_space<semaphore_mem>> -> memref<1x!tpu.dma_semaphore, #tpu.memory_space<semaphore_mem>>
    %dma_wait3A_26 = tpu.memref_squeeze %dma_wait3A_25 : memref<1x!tpu.dma_semaphore, #tpu.memory_space<semaphore_mem>> -> memref<!tpu.dma_semaphore, #tpu.memory_space<semaphore_mem>>
    tpu.wait_indirect_dma semaphore(%dma_wait3A_26 : memref<!tpu.dma_semaphore, #tpu.memory_space<semaphore_mem>>) src(%dma_wait3A_18 : memref<512x16xf32, #tpu.memory_space<vmem>>) dst(%dma_wait3A_24 : memref<10240x16xf32, #tpu.memory_space<vmem_shared>>)
    %dma_wait3A_27 = arith.constant 1 : i32
    %dma_wait3A_28 = arith.constant 17 : i32
    %dma_wait3A_29 = arith.constant 1 : i32
    %dma_wait3A_30 = arith.constant 0 : i32
    %dma_wait3A_31 = arith.constant 0 : i32
    %dma_wait3A_32 = tpu.memref_slice %arg8[%dma_wait3A_27, %dma_wait3A_30, %dma_wait3A_31] : memref<4x512x16xf32, #tpu.memory_space<vmem>> -> memref<1x512x16xf32, #tpu.memory_space<vmem>>
    %dma_wait3A_33 = tpu.memref_squeeze %dma_wait3A_32 : memref<1x512x16xf32, #tpu.memory_space<vmem>> -> memref<512x16xf32, #tpu.memory_space<vmem>>
    %dma_wait3A_34 = arith.constant 0 : i32
    %dma_wait3A_35 = tpu.memref_slice %arg7[%dma_wait3A_28, %dma_wait3A_34] : memref<20x512xi32, #tpu.memory_space<vmem>> -> memref<1x512xi32, #tpu.memory_space<vmem>>
    %dma_wait3A_36 = tpu.memref_squeeze %dma_wait3A_35 : memref<1x512xi32, #tpu.memory_space<vmem>> -> memref<512xi32, #tpu.memory_space<vmem>>
    %dma_wait3A_37 = arith.constant 0 : i32
    %dma_wait3A_38 = arith.constant 0 : i32
    %dma_wait3A_39 = tpu.memref_slice %arg9[%dma_wait3A_37, %dma_wait3A_38] : memref<10240x16xf32, #tpu.memory_space<vmem_shared>> -> memref<10240x16xf32, #tpu.memory_space<vmem_shared>>
    %dma_wait3A_40 = tpu.memref_slice %arg11[%dma_wait3A_29] : memref<4x!tpu.dma_semaphore, #tpu.memory_space<semaphore_mem>> -> memref<1x!tpu.dma_semaphore, #tpu.memory_space<semaphore_mem>>
    %dma_wait3A_41 = tpu.memref_squeeze %dma_wait3A_40 : memref<1x!tpu.dma_semaphore, #tpu.memory_space<semaphore_mem>> -> memref<!tpu.dma_semaphore, #tpu.memory_space<semaphore_mem>>
    tpu.wait_indirect_dma semaphore(%dma_wait3A_41 : memref<!tpu.dma_semaphore, #tpu.memory_space<semaphore_mem>>) src(%dma_wait3A_33 : memref<512x16xf32, #tpu.memory_space<vmem>>) dst(%dma_wait3A_39 : memref<10240x16xf32, #tpu.memory_space<vmem_shared>>)
    %dma_wait3A_42 = arith.constant 2 : i32
    %dma_wait3A_43 = arith.constant 18 : i32
    %dma_wait3A_44 = arith.constant 2 : i32
    %dma_wait3A_45 = arith.constant 0 : i32
    %dma_wait3A_46 = arith.constant 0 : i32
    %dma_wait3A_47 = tpu.memref_slice %arg8[%dma_wait3A_42, %dma_wait3A_45, %dma_wait3A_46] : memref<4x512x16xf32, #tpu.memory_space<vmem>> -> memref<1x512x16xf32, #tpu.memory_space<vmem>>
    %dma_wait3A_48 = tpu.memref_squeeze %dma_wait3A_47 : memref<1x512x16xf32, #tpu.memory_space<vmem>> -> memref<512x16xf32, #tpu.memory_space<vmem>>
    %dma_wait3A_49 = arith.constant 0 : i32
    %dma_wait3A_50 = tpu.memref_slice %arg7[%dma_wait3A_43, %dma_wait3A_49] : memref<20x512xi32, #tpu.memory_space<vmem>> -> memref<1x512xi32, #tpu.memory_space<vmem>>
    %dma_wait3A_51 = tpu.memref_squeeze %dma_wait3A_50 : memref<1x512xi32, #tpu.memory_space<vmem>> -> memref<512xi32, #tpu.memory_space<vmem>>
    %dma_wait3A_52 = arith.constant 0 : i32
    %dma_wait3A_53 = arith.constant 0 : i32
    %dma_wait3A_54 = tpu.memref_slice %arg9[%dma_wait3A_52, %dma_wait3A_53] : memref<10240x16xf32, #tpu.memory_space<vmem_shared>> -> memref<10240x16xf32, #tpu.memory_space<vmem_shared>>
    %dma_wait3A_55 = tpu.memref_slice %arg11[%dma_wait3A_44] : memref<4x!tpu.dma_semaphore, #tpu.memory_space<semaphore_mem>> -> memref<1x!tpu.dma_semaphore, #tpu.memory_space<semaphore_mem>>
    %dma_wait3A_56 = tpu.memref_squeeze %dma_wait3A_55 : memref<1x!tpu.dma_semaphore, #tpu.memory_space<semaphore_mem>> -> memref<!tpu.dma_semaphore, #tpu.memory_space<semaphore_mem>>
    tpu.wait_indirect_dma semaphore(%dma_wait3A_56 : memref<!tpu.dma_semaphore, #tpu.memory_space<semaphore_mem>>) src(%dma_wait3A_48 : memref<512x16xf32, #tpu.memory_space<vmem>>) dst(%dma_wait3A_54 : memref<10240x16xf32, #tpu.memory_space<vmem_shared>>)
    %dma_wait3A_57 = arith.constant 3 : i32
    %dma_wait3A_58 = arith.constant 19 : i32
    %dma_wait3A_59 = arith.constant 3 : i32
    %dma_wait3A_60 = arith.constant 0 : i32
    %dma_wait3A_61 = arith.constant 0 : i32
    %dma_wait3A_62 = tpu.memref_slice %arg8[%dma_wait3A_57, %dma_wait3A_60, %dma_wait3A_61] : memref<4x512x16xf32, #tpu.memory_space<vmem>> -> memref<1x512x16xf32, #tpu.memory_space<vmem>>
    %dma_wait3A_63 = tpu.memref_squeeze %dma_wait3A_62 : memref<1x512x16xf32, #tpu.memory_space<vmem>> -> memref<512x16xf32, #tpu.memory_space<vmem>>
    %dma_wait3A_64 = arith.constant 0 : i32
    %dma_wait3A_65 = tpu.memref_slice %arg7[%dma_wait3A_58, %dma_wait3A_64] : memref<20x512xi32, #tpu.memory_space<vmem>> -> memref<1x512xi32, #tpu.memory_space<vmem>>
    %dma_wait3A_66 = tpu.memref_squeeze %dma_wait3A_65 : memref<1x512xi32, #tpu.memory_space<vmem>> -> memref<512xi32, #tpu.memory_space<vmem>>
    %dma_wait3A_67 = arith.constant 0 : i32
    %dma_wait3A_68 = arith.constant 0 : i32
    %dma_wait3A_69 = tpu.memref_slice %arg9[%dma_wait3A_67, %dma_wait3A_68] : memref<10240x16xf32, #tpu.memory_space<vmem_shared>> -> memref<10240x16xf32, #tpu.memory_space<vmem_shared>>
    %dma_wait3A_70 = tpu.memref_slice %arg11[%dma_wait3A_59] : memref<4x!tpu.dma_semaphore, #tpu.memory_space<semaphore_mem>> -> memref<1x!tpu.dma_semaphore, #tpu.memory_space<semaphore_mem>>
    %dma_wait3A_71 = tpu.memref_squeeze %dma_wait3A_70 : memref<1x!tpu.dma_semaphore, #tpu.memory_space<semaphore_mem>> -> memref<!tpu.dma_semaphore, #tpu.memory_space<semaphore_mem>>
    tpu.wait_indirect_dma semaphore(%dma_wait3A_71 : memref<!tpu.dma_semaphore, #tpu.memory_space<semaphore_mem>>) src(%dma_wait3A_63 : memref<512x16xf32, #tpu.memory_space<vmem>>) dst(%dma_wait3A_69 : memref<10240x16xf32, #tpu.memory_space<vmem_shared>>)
    %barrier3A_72 = arith.constant 0 : index
    tpu.barrier barrier_id(%barrier3A_72)
    %mul3A_73 = arith.constant 640 : i32
    %mul3A_74 = arith.muli %arg1, %mul3A_73 : i32
    %mul3A_75 = arith.constant 640 : i32
    %mul3A_76 = arith.muli %arg1, %mul3A_75 : i32
    "tpu.region"() ({
      %run_scoped3A_77 = tpu.sem_alloc : memref<!tpu.dma_semaphore, #tpu.memory_space<semaphore_mem>>
      %dma_start3A = arith.constant 0 : i32
      %dma_start3A_78 = tpu.memref_slice %arg5[%arg0, %mul3A_76, %dma_start3A] : memref<2x10240x16xf32, #tpu.memory_space<hbm>> -> memref<1x640x16xf32, #tpu.memory_space<hbm>>
      %dma_start3A_79 = tpu.memref_squeeze %dma_start3A_78 : memref<1x640x16xf32, #tpu.memory_space<hbm>> -> memref<640x16xf32, #tpu.memory_space<hbm>>
      %dma_start3A_80 = arith.constant 0 : i32
      %dma_start3A_81 = tpu.memref_slice %arg9[%mul3A_74, %dma_start3A_80] : memref<10240x16xf32, #tpu.memory_space<vmem_shared>> -> memref<640x16xf32, #tpu.memory_space<vmem_shared>>
      tpu.enqueue_dma source(%dma_start3A_81 : memref<640x16xf32, #tpu.memory_space<vmem_shared>>) target(%dma_start3A_79 : memref<640x16xf32, #tpu.memory_space<hbm>>) target_semaphore(%run_scoped3A_77 : memref<!tpu.dma_semaphore, #tpu.memory_space<semaphore_mem>>)
      %dma_wait3A_82 = arith.constant 0 : i32
      %dma_wait3A_83 = tpu.memref_slice %arg5[%arg0, %mul3A_76, %dma_wait3A_82] : memref<2x10240x16xf32, #tpu.memory_space<hbm>> -> memref<1x640x16xf32, #tpu.memory_space<hbm>>
      %dma_wait3A_84 = tpu.memref_squeeze %dma_wait3A_83 : memref<1x640x16xf32, #tpu.memory_space<hbm>> -> memref<640x16xf32, #tpu.memory_space<hbm>>
      %dma_wait3A_85 = arith.constant 0 : i32
      %dma_wait3A_86 = tpu.memref_slice %arg9[%mul3A_74, %dma_wait3A_85] : memref<10240x16xf32, #tpu.memory_space<vmem_shared>> -> memref<640x16xf32, #tpu.memory_space<vmem_shared>>
      tpu.wait_dma2 semaphore(%run_scoped3A_77 : memref<!tpu.dma_semaphore, #tpu.memory_space<semaphore_mem>>) src(%dma_wait3A_86 : memref<640x16xf32, #tpu.memory_space<vmem_shared>>) dst(%dma_wait3A_84 : memref<640x16xf32, #tpu.memory_space<hbm>>)
      tpu.yield
    }) : () -> ()
    return
  }
}

#map = affine_map<(d0, d1) -> (0, 0)>
#map1 = affine_map<(d0, d1) -> (0, 0, 0)>
module attributes {stable_mosaic.version = 14 : i64} {
  func.func @_sc_agg(%arg0: i32, %arg1: i32, %arg2: memref<10240x16xf32, #tpu.memory_space<hbm>>, %arg3: memref<2x640x512xi32, #tpu.memory_space<hbm>>, %arg4: memref<640x16xf32, #tpu.memory_space<hbm>>, %arg5: memref<2x10240x16xf32, #tpu.memory_space<hbm>>, %arg6: memref<20x512xi32, #tpu.memory_space<vmem>>, %arg7: memref<20x512xi32, #tpu.memory_space<vmem>>, %arg8: memref<4x512x16xf32, #tpu.memory_space<vmem>>, %arg9: memref<10240x16xf32, #tpu.memory_space<vmem_shared>>, %arg10: memref<4x!tpu.dma_semaphore, #tpu.memory_space<semaphore_mem>>, %arg11: memref<4x!tpu.dma_semaphore, #tpu.memory_space<semaphore_mem>>) attributes {dimension_semantics = [#tpu.dimension_semantics<core_parallel>, #tpu.dimension_semantics<subcore_parallel>], iteration_bounds = array<i64: 2, 16>, scalar_prefetch = 0 : i64, scratch_operands = 6 : i64, tpu.core_type = #tpu.core_type<sc_vector_subcore>, window_params = [{transform_indices = #map}, {transform_indices = #map1}, {transform_indices = #map}, {transform_indices = #map1}]} {
    %mul3A = arith.constant 16 : i32
    %mul3A_0 = arith.muli %arg0, %mul3A : i32
    %add3A = arith.addi %mul3A_0, %arg1 : i32
    %mul3A_1 = arith.constant 640 : i32
    %mul3A_2 = arith.muli %arg1, %mul3A_1 : i32
    "tpu.region"() ({
      %run_scoped3A_77 = tpu.sem_alloc : memref<!tpu.dma_semaphore, #tpu.memory_space<semaphore_mem>>
      %dma_start3A = arith.constant 0 : i32
      %dma_start3A_78 = tpu.memref_slice %arg9[%mul3A_2, %dma_start3A] : memref<10240x16xf32, #tpu.memory_space<vmem_shared>> -> memref<640x16xf32, #tpu.memory_space<vmem_shared>>
      tpu.enqueue_dma source(%arg4 : memref<640x16xf32, #tpu.memory_space<hbm>>) target(%dma_start3A_78 : memref<640x16xf32, #tpu.memory_space<vmem_shared>>) target_semaphore(%run_scoped3A_77 : memref<!tpu.dma_semaphore, #tpu.memory_space<semaphore_mem>>)
      %dma_wait3A_79 = arith.constant 0 : i32
      %dma_wait3A_80 = tpu.memref_slice %arg9[%mul3A_2, %dma_wait3A_79] : memref<10240x16xf32, #tpu.memory_space<vmem_shared>> -> memref<640x16xf32, #tpu.memory_space<vmem_shared>>
      tpu.wait_dma2 semaphore(%run_scoped3A_77 : memref<!tpu.dma_semaphore, #tpu.memory_space<semaphore_mem>>) src(%arg4 : memref<640x16xf32, #tpu.memory_space<hbm>>) dst(%dma_wait3A_80 : memref<640x16xf32, #tpu.memory_space<vmem_shared>>)
      tpu.yield
    }) : () -> ()
    %mul3A_3 = arith.constant 20 : i32
    %mul3A_4 = arith.muli %add3A, %mul3A_3 : i32
    %run_scoped3A = arith.constant 0 : i32
    "tpu.region"() ({
      %run_scoped3A_77 = tpu.sem_alloc : memref<!tpu.dma_semaphore, #tpu.memory_space<semaphore_mem>>
      %dma_start3A = arith.constant 0 : i32
      %dma_start3A_78 = tpu.memref_slice %arg3[%run_scoped3A, %mul3A_4, %dma_start3A] : memref<2x640x512xi32, #tpu.memory_space<hbm>> -> memref<1x20x512xi32, #tpu.memory_space<hbm>>
      %dma_start3A_79 = tpu.memref_squeeze %dma_start3A_78 : memref<1x20x512xi32, #tpu.memory_space<hbm>> -> memref<20x512xi32, #tpu.memory_space<hbm>>
      %dma_start3A_80 = arith.constant 0 : i32
      %dma_start3A_81 = tpu.memref_slice %arg3[%run_scoped3A, %mul3A_4, %dma_start3A_80] : memref<2x640x512xi32, #tpu.memory_space<hbm>> -> memref<1x20x512xi32, #tpu.memory_space<hbm>>
      %dma_start3A_82 = tpu.memref_squeeze %dma_start3A_81 : memref<1x20x512xi32, #tpu.memory_space<hbm>> -> memref<20x512xi32, #tpu.memory_space<hbm>>
      tpu.enqueue_dma source(%dma_start3A_82 : memref<20x512xi32, #tpu.memory_space<hbm>>) target(%arg6 : memref<20x512xi32, #tpu.memory_space<vmem>>) target_semaphore(%run_scoped3A_77 : memref<!tpu.dma_semaphore, #tpu.memory_space<semaphore_mem>>)
      %dma_wait3A_83 = arith.constant 0 : i32
      %dma_wait3A_84 = tpu.memref_slice %arg3[%run_scoped3A, %mul3A_4, %dma_wait3A_83] : memref<2x640x512xi32, #tpu.memory_space<hbm>> -> memref<1x20x512xi32, #tpu.memory_space<hbm>>
      %dma_wait3A_85 = tpu.memref_squeeze %dma_wait3A_84 : memref<1x20x512xi32, #tpu.memory_space<hbm>> -> memref<20x512xi32, #tpu.memory_space<hbm>>
      %dma_wait3A_86 = arith.constant 0 : i32
      %dma_wait3A_87 = tpu.memref_slice %arg3[%run_scoped3A, %mul3A_4, %dma_wait3A_86] : memref<2x640x512xi32, #tpu.memory_space<hbm>> -> memref<1x20x512xi32, #tpu.memory_space<hbm>>
      %dma_wait3A_88 = tpu.memref_squeeze %dma_wait3A_87 : memref<1x20x512xi32, #tpu.memory_space<hbm>> -> memref<20x512xi32, #tpu.memory_space<hbm>>
      tpu.wait_dma2 semaphore(%run_scoped3A_77 : memref<!tpu.dma_semaphore, #tpu.memory_space<semaphore_mem>>) src(%dma_wait3A_88 : memref<20x512xi32, #tpu.memory_space<hbm>>) dst(%arg6 : memref<20x512xi32, #tpu.memory_space<vmem>>)
      tpu.yield
    }) : () -> ()
    %mul3A_5 = arith.constant 20 : i32
    %mul3A_6 = arith.muli %add3A, %mul3A_5 : i32
    %run_scoped3A_7 = arith.constant 1 : i32
    "tpu.region"() ({
      %run_scoped3A_77 = tpu.sem_alloc : memref<!tpu.dma_semaphore, #tpu.memory_space<semaphore_mem>>
      %dma_start3A = arith.constant 0 : i32
      %dma_start3A_78 = tpu.memref_slice %arg3[%run_scoped3A_7, %mul3A_6, %dma_start3A] : memref<2x640x512xi32, #tpu.memory_space<hbm>> -> memref<1x20x512xi32, #tpu.memory_space<hbm>>
      %dma_start3A_79 = tpu.memref_squeeze %dma_start3A_78 : memref<1x20x512xi32, #tpu.memory_space<hbm>> -> memref<20x512xi32, #tpu.memory_space<hbm>>
      %dma_start3A_80 = arith.constant 0 : i32
      %dma_start3A_81 = tpu.memref_slice %arg3[%run_scoped3A_7, %mul3A_6, %dma_start3A_80] : memref<2x640x512xi32, #tpu.memory_space<hbm>> -> memref<1x20x512xi32, #tpu.memory_space<hbm>>
      %dma_start3A_82 = tpu.memref_squeeze %dma_start3A_81 : memref<1x20x512xi32, #tpu.memory_space<hbm>> -> memref<20x512xi32, #tpu.memory_space<hbm>>
      tpu.enqueue_dma source(%dma_start3A_82 : memref<20x512xi32, #tpu.memory_space<hbm>>) target(%arg7 : memref<20x512xi32, #tpu.memory_space<vmem>>) target_semaphore(%run_scoped3A_77 : memref<!tpu.dma_semaphore, #tpu.memory_space<semaphore_mem>>)
      %dma_wait3A_83 = arith.constant 0 : i32
      %dma_wait3A_84 = tpu.memref_slice %arg3[%run_scoped3A_7, %mul3A_6, %dma_wait3A_83] : memref<2x640x512xi32, #tpu.memory_space<hbm>> -> memref<1x20x512xi32, #tpu.memory_space<hbm>>
      %dma_wait3A_85 = tpu.memref_squeeze %dma_wait3A_84 : memref<1x20x512xi32, #tpu.memory_space<hbm>> -> memref<20x512xi32, #tpu.memory_space<hbm>>
      %dma_wait3A_86 = arith.constant 0 : i32
      %dma_wait3A_87 = tpu.memref_slice %arg3[%run_scoped3A_7, %mul3A_6, %dma_wait3A_86] : memref<2x640x512xi32, #tpu.memory_space<hbm>> -> memref<1x20x512xi32, #tpu.memory_space<hbm>>
      %dma_wait3A_88 = tpu.memref_squeeze %dma_wait3A_87 : memref<1x20x512xi32, #tpu.memory_space<hbm>> -> memref<20x512xi32, #tpu.memory_space<hbm>>
      tpu.wait_dma2 semaphore(%run_scoped3A_77 : memref<!tpu.dma_semaphore, #tpu.memory_space<semaphore_mem>>) src(%dma_wait3A_88 : memref<20x512xi32, #tpu.memory_space<hbm>>) dst(%arg7 : memref<20x512xi32, #tpu.memory_space<vmem>>)
      tpu.yield
    }) : () -> ()
    %barrier3A = arith.constant 0 : index
    tpu.barrier barrier_id(%barrier3A)
    %scan3A = arith.constant 0 : i32
    %scan3A_8 = arith.constant 0 : i32
    %scan3A_9 = arith.constant 5 : i32
    %scan3A_10 = arith.addi %scan3A_8, %scan3A_9 : i32
    %scan3A_11 = arith.constant 1 : i32
    scf.for %scan3A_77 = %scan3A_8 to %scan3A_10 step %scan3A_11  : i32 {
      %mul3A_78 = arith.constant 4 : i32
      %mul3A_79 = arith.muli %scan3A_77, %mul3A_78 : i32
      %add3A_80 = arith.constant 0 : i32
      %add3A_81 = arith.addi %mul3A_79, %add3A_80 : i32
      %ge3A = arith.constant 1 : i32
      %ge3A_82 = arith.cmpi sge, %scan3A_77, %ge3A : i32
      %convert_element_type3A = arith.extui %ge3A_82 : i1 to i32
      %cond3A = arith.constant 0 : i32
      %cond3A_83 = arith.cmpi ne, %convert_element_type3A, %cond3A : i32
      scf.if %cond3A_83 {
        %dma_wait3A_294 = arith.constant 0 : i32
        %dma_wait3A_295 = arith.constant 0 : i32
        %dma_wait3A_296 = arith.constant 0 : i32
        %dma_wait3A_297 = arith.constant 0 : i32
        %dma_wait3A_298 = tpu.memref_slice %arg8[%dma_wait3A_294, %dma_wait3A_296, %dma_wait3A_297] : memref<4x512x16xf32, #tpu.memory_space<vmem>> -> memref<1x512x16xf32, #tpu.memory_space<vmem>>
        %dma_wait3A_299 = tpu.memref_squeeze %dma_wait3A_298 : memref<1x512x16xf32, #tpu.memory_space<vmem>> -> memref<512x16xf32, #tpu.memory_space<vmem>>
        %dma_wait3A_300 = arith.constant 0 : i32
        %dma_wait3A_301 = tpu.memref_slice %arg7[%add3A_81, %dma_wait3A_300] : memref<20x512xi32, #tpu.memory_space<vmem>> -> memref<1x512xi32, #tpu.memory_space<vmem>>
        %dma_wait3A_302 = tpu.memref_squeeze %dma_wait3A_301 : memref<1x512xi32, #tpu.memory_space<vmem>> -> memref<512xi32, #tpu.memory_space<vmem>>
        %dma_wait3A_303 = arith.constant 0 : i32
        %dma_wait3A_304 = arith.constant 0 : i32
        %dma_wait3A_305 = tpu.memref_slice %arg9[%dma_wait3A_303, %dma_wait3A_304] : memref<10240x16xf32, #tpu.memory_space<vmem_shared>> -> memref<10240x16xf32, #tpu.memory_space<vmem_shared>>
        %dma_wait3A_306 = tpu.memref_slice %arg11[%dma_wait3A_295] : memref<4x!tpu.dma_semaphore, #tpu.memory_space<semaphore_mem>> -> memref<1x!tpu.dma_semaphore, #tpu.memory_space<semaphore_mem>>
        %dma_wait3A_307 = tpu.memref_squeeze %dma_wait3A_306 : memref<1x!tpu.dma_semaphore, #tpu.memory_space<semaphore_mem>> -> memref<!tpu.dma_semaphore, #tpu.memory_space<semaphore_mem>>
        tpu.wait_indirect_dma semaphore(%dma_wait3A_307 : memref<!tpu.dma_semaphore, #tpu.memory_space<semaphore_mem>>) src(%dma_wait3A_299 : memref<512x16xf32, #tpu.memory_space<vmem>>) dst(%dma_wait3A_305 : memref<10240x16xf32, #tpu.memory_space<vmem_shared>>)
      } else {
      }
      %dma_start3A = arith.constant 0 : i32
      %dma_start3A_84 = arith.constant 0 : i32
      %dma_start3A_85 = arith.constant 0 : i32
      %dma_start3A_86 = arith.constant 0 : i32
      %dma_start3A_87 = tpu.memref_slice %arg8[%dma_start3A, %dma_start3A_85, %dma_start3A_86] : memref<4x512x16xf32, #tpu.memory_space<vmem>> -> memref<1x512x16xf32, #tpu.memory_space<vmem>>
      %dma_start3A_88 = tpu.memref_squeeze %dma_start3A_87 : memref<1x512x16xf32, #tpu.memory_space<vmem>> -> memref<512x16xf32, #tpu.memory_space<vmem>>
      %dma_start3A_89 = arith.constant 0 : i32
      %dma_start3A_90 = tpu.memref_slice %arg6[%add3A_81, %dma_start3A_89] : memref<20x512xi32, #tpu.memory_space<vmem>> -> memref<1x512xi32, #tpu.memory_space<vmem>>
      %dma_start3A_91 = tpu.memref_squeeze %dma_start3A_90 : memref<1x512xi32, #tpu.memory_space<vmem>> -> memref<512xi32, #tpu.memory_space<vmem>>
      %dma_start3A_92 = arith.constant 0 : i32
      %dma_start3A_93 = arith.constant 0 : i32
      %dma_start3A_94 = tpu.memref_slice %arg2[%dma_start3A_92, %dma_start3A_93] : memref<10240x16xf32, #tpu.memory_space<hbm>> -> memref<10240x16xf32, #tpu.memory_space<hbm>>
      %dma_start3A_95 = tpu.memref_slice %arg10[%dma_start3A_84] : memref<4x!tpu.dma_semaphore, #tpu.memory_space<semaphore_mem>> -> memref<1x!tpu.dma_semaphore, #tpu.memory_space<semaphore_mem>>
      %dma_start3A_96 = tpu.memref_squeeze %dma_start3A_95 : memref<1x!tpu.dma_semaphore, #tpu.memory_space<semaphore_mem>> -> memref<!tpu.dma_semaphore, #tpu.memory_space<semaphore_mem>>
      tpu.enqueue_indirect_dma source(%dma_start3A_94 : memref<10240x16xf32, #tpu.memory_space<hbm>>) target(%dma_start3A_88 : memref<512x16xf32, #tpu.memory_space<vmem>>) offsets(%dma_start3A_91 : memref<512xi32, #tpu.memory_space<vmem>>) semaphore(%dma_start3A_96 : memref<!tpu.dma_semaphore, #tpu.memory_space<semaphore_mem>>)
      %mul3A_97 = arith.constant 4 : i32
      %mul3A_98 = arith.muli %scan3A_77, %mul3A_97 : i32
      %add3A_99 = arith.constant 1 : i32
      %add3A_100 = arith.addi %mul3A_98, %add3A_99 : i32
      %ge3A_101 = arith.constant 1 : i32
      %ge3A_102 = arith.cmpi sge, %scan3A_77, %ge3A_101 : i32
      %convert_element_type3A_103 = arith.extui %ge3A_102 : i1 to i32
      %cond3A_104 = arith.constant 0 : i32
      %cond3A_105 = arith.cmpi ne, %convert_element_type3A_103, %cond3A_104 : i32
      scf.if %cond3A_105 {
        %dma_wait3A_294 = arith.constant 1 : i32
        %dma_wait3A_295 = arith.constant 1 : i32
        %dma_wait3A_296 = arith.constant 0 : i32
        %dma_wait3A_297 = arith.constant 0 : i32
        %dma_wait3A_298 = tpu.memref_slice %arg8[%dma_wait3A_294, %dma_wait3A_296, %dma_wait3A_297] : memref<4x512x16xf32, #tpu.memory_space<vmem>> -> memref<1x512x16xf32, #tpu.memory_space<vmem>>
        %dma_wait3A_299 = tpu.memref_squeeze %dma_wait3A_298 : memref<1x512x16xf32, #tpu.memory_space<vmem>> -> memref<512x16xf32, #tpu.memory_space<vmem>>
        %dma_wait3A_300 = arith.constant 0 : i32
        %dma_wait3A_301 = tpu.memref_slice %arg7[%add3A_100, %dma_wait3A_300] : memref<20x512xi32, #tpu.memory_space<vmem>> -> memref<1x512xi32, #tpu.memory_space<vmem>>
        %dma_wait3A_302 = tpu.memref_squeeze %dma_wait3A_301 : memref<1x512xi32, #tpu.memory_space<vmem>> -> memref<512xi32, #tpu.memory_space<vmem>>
        %dma_wait3A_303 = arith.constant 0 : i32
        %dma_wait3A_304 = arith.constant 0 : i32
        %dma_wait3A_305 = tpu.memref_slice %arg9[%dma_wait3A_303, %dma_wait3A_304] : memref<10240x16xf32, #tpu.memory_space<vmem_shared>> -> memref<10240x16xf32, #tpu.memory_space<vmem_shared>>
        %dma_wait3A_306 = tpu.memref_slice %arg11[%dma_wait3A_295] : memref<4x!tpu.dma_semaphore, #tpu.memory_space<semaphore_mem>> -> memref<1x!tpu.dma_semaphore, #tpu.memory_space<semaphore_mem>>
        %dma_wait3A_307 = tpu.memref_squeeze %dma_wait3A_306 : memref<1x!tpu.dma_semaphore, #tpu.memory_space<semaphore_mem>> -> memref<!tpu.dma_semaphore, #tpu.memory_space<semaphore_mem>>
        tpu.wait_indirect_dma semaphore(%dma_wait3A_307 : memref<!tpu.dma_semaphore, #tpu.memory_space<semaphore_mem>>) src(%dma_wait3A_299 : memref<512x16xf32, #tpu.memory_space<vmem>>) dst(%dma_wait3A_305 : memref<10240x16xf32, #tpu.memory_space<vmem_shared>>)
      } else {
      }
      %dma_start3A_106 = arith.constant 1 : i32
      %dma_start3A_107 = arith.constant 1 : i32
      %dma_start3A_108 = arith.constant 0 : i32
      %dma_start3A_109 = arith.constant 0 : i32
      %dma_start3A_110 = tpu.memref_slice %arg8[%dma_start3A_106, %dma_start3A_108, %dma_start3A_109] : memref<4x512x16xf32, #tpu.memory_space<vmem>> -> memref<1x512x16xf32, #tpu.memory_space<vmem>>
      %dma_start3A_111 = tpu.memref_squeeze %dma_start3A_110 : memref<1x512x16xf32, #tpu.memory_space<vmem>> -> memref<512x16xf32, #tpu.memory_space<vmem>>
      %dma_start3A_112 = arith.constant 0 : i32
      %dma_start3A_113 = tpu.memref_slice %arg6[%add3A_100, %dma_start3A_112] : memref<20x512xi32, #tpu.memory_space<vmem>> -> memref<1x512xi32, #tpu.memory_space<vmem>>
      %dma_start3A_114 = tpu.memref_squeeze %dma_start3A_113 : memref<1x512xi32, #tpu.memory_space<vmem>> -> memref<512xi32, #tpu.memory_space<vmem>>
      %dma_start3A_115 = arith.constant 0 : i32
      %dma_start3A_116 = arith.constant 0 : i32
      %dma_start3A_117 = tpu.memref_slice %arg2[%dma_start3A_115, %dma_start3A_116] : memref<10240x16xf32, #tpu.memory_space<hbm>> -> memref<10240x16xf32, #tpu.memory_space<hbm>>
      %dma_start3A_118 = tpu.memref_slice %arg10[%dma_start3A_107] : memref<4x!tpu.dma_semaphore, #tpu.memory_space<semaphore_mem>> -> memref<1x!tpu.dma_semaphore, #tpu.memory_space<semaphore_mem>>
      %dma_start3A_119 = tpu.memref_squeeze %dma_start3A_118 : memref<1x!tpu.dma_semaphore, #tpu.memory_space<semaphore_mem>> -> memref<!tpu.dma_semaphore, #tpu.memory_space<semaphore_mem>>
      tpu.enqueue_indirect_dma source(%dma_start3A_117 : memref<10240x16xf32, #tpu.memory_space<hbm>>) target(%dma_start3A_111 : memref<512x16xf32, #tpu.memory_space<vmem>>) offsets(%dma_start3A_114 : memref<512xi32, #tpu.memory_space<vmem>>) semaphore(%dma_start3A_119 : memref<!tpu.dma_semaphore, #tpu.memory_space<semaphore_mem>>)
      %mul3A_120 = arith.constant 4 : i32
      %mul3A_121 = arith.muli %scan3A_77, %mul3A_120 : i32
      %add3A_122 = arith.constant 2 : i32
      %add3A_123 = arith.addi %mul3A_121, %add3A_122 : i32
      %ge3A_124 = arith.constant 1 : i32
      %ge3A_125 = arith.cmpi sge, %scan3A_77, %ge3A_124 : i32
      %convert_element_type3A_126 = arith.extui %ge3A_125 : i1 to i32
      %cond3A_127 = arith.constant 0 : i32
      %cond3A_128 = arith.cmpi ne, %convert_element_type3A_126, %cond3A_127 : i32
      scf.if %cond3A_128 {
        %dma_wait3A_294 = arith.constant 2 : i32
        %dma_wait3A_295 = arith.constant 2 : i32
        %dma_wait3A_296 = arith.constant 0 : i32
        %dma_wait3A_297 = arith.constant 0 : i32
        %dma_wait3A_298 = tpu.memref_slice %arg8[%dma_wait3A_294, %dma_wait3A_296, %dma_wait3A_297] : memref<4x512x16xf32, #tpu.memory_space<vmem>> -> memref<1x512x16xf32, #tpu.memory_space<vmem>>
        %dma_wait3A_299 = tpu.memref_squeeze %dma_wait3A_298 : memref<1x512x16xf32, #tpu.memory_space<vmem>> -> memref<512x16xf32, #tpu.memory_space<vmem>>
        %dma_wait3A_300 = arith.constant 0 : i32
        %dma_wait3A_301 = tpu.memref_slice %arg7[%add3A_123, %dma_wait3A_300] : memref<20x512xi32, #tpu.memory_space<vmem>> -> memref<1x512xi32, #tpu.memory_space<vmem>>
        %dma_wait3A_302 = tpu.memref_squeeze %dma_wait3A_301 : memref<1x512xi32, #tpu.memory_space<vmem>> -> memref<512xi32, #tpu.memory_space<vmem>>
        %dma_wait3A_303 = arith.constant 0 : i32
        %dma_wait3A_304 = arith.constant 0 : i32
        %dma_wait3A_305 = tpu.memref_slice %arg9[%dma_wait3A_303, %dma_wait3A_304] : memref<10240x16xf32, #tpu.memory_space<vmem_shared>> -> memref<10240x16xf32, #tpu.memory_space<vmem_shared>>
        %dma_wait3A_306 = tpu.memref_slice %arg11[%dma_wait3A_295] : memref<4x!tpu.dma_semaphore, #tpu.memory_space<semaphore_mem>> -> memref<1x!tpu.dma_semaphore, #tpu.memory_space<semaphore_mem>>
        %dma_wait3A_307 = tpu.memref_squeeze %dma_wait3A_306 : memref<1x!tpu.dma_semaphore, #tpu.memory_space<semaphore_mem>> -> memref<!tpu.dma_semaphore, #tpu.memory_space<semaphore_mem>>
        tpu.wait_indirect_dma semaphore(%dma_wait3A_307 : memref<!tpu.dma_semaphore, #tpu.memory_space<semaphore_mem>>) src(%dma_wait3A_299 : memref<512x16xf32, #tpu.memory_space<vmem>>) dst(%dma_wait3A_305 : memref<10240x16xf32, #tpu.memory_space<vmem_shared>>)
      } else {
      }
      %dma_start3A_129 = arith.constant 2 : i32
      %dma_start3A_130 = arith.constant 2 : i32
      %dma_start3A_131 = arith.constant 0 : i32
      %dma_start3A_132 = arith.constant 0 : i32
      %dma_start3A_133 = tpu.memref_slice %arg8[%dma_start3A_129, %dma_start3A_131, %dma_start3A_132] : memref<4x512x16xf32, #tpu.memory_space<vmem>> -> memref<1x512x16xf32, #tpu.memory_space<vmem>>
      %dma_start3A_134 = tpu.memref_squeeze %dma_start3A_133 : memref<1x512x16xf32, #tpu.memory_space<vmem>> -> memref<512x16xf32, #tpu.memory_space<vmem>>
      %dma_start3A_135 = arith.constant 0 : i32
      %dma_start3A_136 = tpu.memref_slice %arg6[%add3A_123, %dma_start3A_135] : memref<20x512xi32, #tpu.memory_space<vmem>> -> memref<1x512xi32, #tpu.memory_space<vmem>>
      %dma_start3A_137 = tpu.memref_squeeze %dma_start3A_136 : memref<1x512xi32, #tpu.memory_space<vmem>> -> memref<512xi32, #tpu.memory_space<vmem>>
      %dma_start3A_138 = arith.constant 0 : i32
      %dma_start3A_139 = arith.constant 0 : i32
      %dma_start3A_140 = tpu.memref_slice %arg2[%dma_start3A_138, %dma_start3A_139] : memref<10240x16xf32, #tpu.memory_space<hbm>> -> memref<10240x16xf32, #tpu.memory_space<hbm>>
      %dma_start3A_141 = tpu.memref_slice %arg10[%dma_start3A_130] : memref<4x!tpu.dma_semaphore, #tpu.memory_space<semaphore_mem>> -> memref<1x!tpu.dma_semaphore, #tpu.memory_space<semaphore_mem>>
      %dma_start3A_142 = tpu.memref_squeeze %dma_start3A_141 : memref<1x!tpu.dma_semaphore, #tpu.memory_space<semaphore_mem>> -> memref<!tpu.dma_semaphore, #tpu.memory_space<semaphore_mem>>
      tpu.enqueue_indirect_dma source(%dma_start3A_140 : memref<10240x16xf32, #tpu.memory_space<hbm>>) target(%dma_start3A_134 : memref<512x16xf32, #tpu.memory_space<vmem>>) offsets(%dma_start3A_137 : memref<512xi32, #tpu.memory_space<vmem>>) semaphore(%dma_start3A_142 : memref<!tpu.dma_semaphore, #tpu.memory_space<semaphore_mem>>)
      %mul3A_143 = arith.constant 4 : i32
      %mul3A_144 = arith.muli %scan3A_77, %mul3A_143 : i32
      %add3A_145 = arith.constant 3 : i32
      %add3A_146 = arith.addi %mul3A_144, %add3A_145 : i32
      %ge3A_147 = arith.constant 1 : i32
      %ge3A_148 = arith.cmpi sge, %scan3A_77, %ge3A_147 : i32
      %convert_element_type3A_149 = arith.extui %ge3A_148 : i1 to i32
      %cond3A_150 = arith.constant 0 : i32
      %cond3A_151 = arith.cmpi ne, %convert_element_type3A_149, %cond3A_150 : i32
      scf.if %cond3A_151 {
        %dma_wait3A_294 = arith.constant 3 : i32
        %dma_wait3A_295 = arith.constant 3 : i32
        %dma_wait3A_296 = arith.constant 0 : i32
        %dma_wait3A_297 = arith.constant 0 : i32
        %dma_wait3A_298 = tpu.memref_slice %arg8[%dma_wait3A_294, %dma_wait3A_296, %dma_wait3A_297] : memref<4x512x16xf32, #tpu.memory_space<vmem>> -> memref<1x512x16xf32, #tpu.memory_space<vmem>>
        %dma_wait3A_299 = tpu.memref_squeeze %dma_wait3A_298 : memref<1x512x16xf32, #tpu.memory_space<vmem>> -> memref<512x16xf32, #tpu.memory_space<vmem>>
        %dma_wait3A_300 = arith.constant 0 : i32
        %dma_wait3A_301 = tpu.memref_slice %arg7[%add3A_146, %dma_wait3A_300] : memref<20x512xi32, #tpu.memory_space<vmem>> -> memref<1x512xi32, #tpu.memory_space<vmem>>
        %dma_wait3A_302 = tpu.memref_squeeze %dma_wait3A_301 : memref<1x512xi32, #tpu.memory_space<vmem>> -> memref<512xi32, #tpu.memory_space<vmem>>
        %dma_wait3A_303 = arith.constant 0 : i32
        %dma_wait3A_304 = arith.constant 0 : i32
        %dma_wait3A_305 = tpu.memref_slice %arg9[%dma_wait3A_303, %dma_wait3A_304] : memref<10240x16xf32, #tpu.memory_space<vmem_shared>> -> memref<10240x16xf32, #tpu.memory_space<vmem_shared>>
        %dma_wait3A_306 = tpu.memref_slice %arg11[%dma_wait3A_295] : memref<4x!tpu.dma_semaphore, #tpu.memory_space<semaphore_mem>> -> memref<1x!tpu.dma_semaphore, #tpu.memory_space<semaphore_mem>>
        %dma_wait3A_307 = tpu.memref_squeeze %dma_wait3A_306 : memref<1x!tpu.dma_semaphore, #tpu.memory_space<semaphore_mem>> -> memref<!tpu.dma_semaphore, #tpu.memory_space<semaphore_mem>>
        tpu.wait_indirect_dma semaphore(%dma_wait3A_307 : memref<!tpu.dma_semaphore, #tpu.memory_space<semaphore_mem>>) src(%dma_wait3A_299 : memref<512x16xf32, #tpu.memory_space<vmem>>) dst(%dma_wait3A_305 : memref<10240x16xf32, #tpu.memory_space<vmem_shared>>)
      } else {
      }
      %dma_start3A_152 = arith.constant 3 : i32
      %dma_start3A_153 = arith.constant 3 : i32
      %dma_start3A_154 = arith.constant 0 : i32
      %dma_start3A_155 = arith.constant 0 : i32
      %dma_start3A_156 = tpu.memref_slice %arg8[%dma_start3A_152, %dma_start3A_154, %dma_start3A_155] : memref<4x512x16xf32, #tpu.memory_space<vmem>> -> memref<1x512x16xf32, #tpu.memory_space<vmem>>
      %dma_start3A_157 = tpu.memref_squeeze %dma_start3A_156 : memref<1x512x16xf32, #tpu.memory_space<vmem>> -> memref<512x16xf32, #tpu.memory_space<vmem>>
      %dma_start3A_158 = arith.constant 0 : i32
      %dma_start3A_159 = tpu.memref_slice %arg6[%add3A_146, %dma_start3A_158] : memref<20x512xi32, #tpu.memory_space<vmem>> -> memref<1x512xi32, #tpu.memory_space<vmem>>
      %dma_start3A_160 = tpu.memref_squeeze %dma_start3A_159 : memref<1x512xi32, #tpu.memory_space<vmem>> -> memref<512xi32, #tpu.memory_space<vmem>>
      %dma_start3A_161 = arith.constant 0 : i32
      %dma_start3A_162 = arith.constant 0 : i32
      %dma_start3A_163 = tpu.memref_slice %arg2[%dma_start3A_161, %dma_start3A_162] : memref<10240x16xf32, #tpu.memory_space<hbm>> -> memref<10240x16xf32, #tpu.memory_space<hbm>>
      %dma_start3A_164 = tpu.memref_slice %arg10[%dma_start3A_153] : memref<4x!tpu.dma_semaphore, #tpu.memory_space<semaphore_mem>> -> memref<1x!tpu.dma_semaphore, #tpu.memory_space<semaphore_mem>>
      %dma_start3A_165 = tpu.memref_squeeze %dma_start3A_164 : memref<1x!tpu.dma_semaphore, #tpu.memory_space<semaphore_mem>> -> memref<!tpu.dma_semaphore, #tpu.memory_space<semaphore_mem>>
      tpu.enqueue_indirect_dma source(%dma_start3A_163 : memref<10240x16xf32, #tpu.memory_space<hbm>>) target(%dma_start3A_157 : memref<512x16xf32, #tpu.memory_space<vmem>>) offsets(%dma_start3A_160 : memref<512xi32, #tpu.memory_space<vmem>>) semaphore(%dma_start3A_165 : memref<!tpu.dma_semaphore, #tpu.memory_space<semaphore_mem>>)
      %mul3A_166 = arith.constant 4 : i32
      %mul3A_167 = arith.muli %scan3A_77, %mul3A_166 : i32
      %add3A_168 = arith.constant 0 : i32
      %add3A_169 = arith.addi %mul3A_167, %add3A_168 : i32
      %dma_wait3A_170 = arith.constant 0 : i32
      %dma_wait3A_171 = arith.constant 0 : i32
      %dma_wait3A_172 = arith.constant 0 : i32
      %dma_wait3A_173 = arith.constant 0 : i32
      %dma_wait3A_174 = tpu.memref_slice %arg8[%dma_wait3A_170, %dma_wait3A_172, %dma_wait3A_173] : memref<4x512x16xf32, #tpu.memory_space<vmem>> -> memref<1x512x16xf32, #tpu.memory_space<vmem>>
      %dma_wait3A_175 = tpu.memref_squeeze %dma_wait3A_174 : memref<1x512x16xf32, #tpu.memory_space<vmem>> -> memref<512x16xf32, #tpu.memory_space<vmem>>
      %dma_wait3A_176 = arith.constant 0 : i32
      %dma_wait3A_177 = tpu.memref_slice %arg6[%add3A_169, %dma_wait3A_176] : memref<20x512xi32, #tpu.memory_space<vmem>> -> memref<1x512xi32, #tpu.memory_space<vmem>>
      %dma_wait3A_178 = tpu.memref_squeeze %dma_wait3A_177 : memref<1x512xi32, #tpu.memory_space<vmem>> -> memref<512xi32, #tpu.memory_space<vmem>>
      %dma_wait3A_179 = arith.constant 0 : i32
      %dma_wait3A_180 = arith.constant 0 : i32
      %dma_wait3A_181 = tpu.memref_slice %arg2[%dma_wait3A_179, %dma_wait3A_180] : memref<10240x16xf32, #tpu.memory_space<hbm>> -> memref<10240x16xf32, #tpu.memory_space<hbm>>
      %dma_wait3A_182 = tpu.memref_slice %arg10[%dma_wait3A_171] : memref<4x!tpu.dma_semaphore, #tpu.memory_space<semaphore_mem>> -> memref<1x!tpu.dma_semaphore, #tpu.memory_space<semaphore_mem>>
      %dma_wait3A_183 = tpu.memref_squeeze %dma_wait3A_182 : memref<1x!tpu.dma_semaphore, #tpu.memory_space<semaphore_mem>> -> memref<!tpu.dma_semaphore, #tpu.memory_space<semaphore_mem>>
      tpu.wait_indirect_dma semaphore(%dma_wait3A_183 : memref<!tpu.dma_semaphore, #tpu.memory_space<semaphore_mem>>) src(%dma_wait3A_181 : memref<10240x16xf32, #tpu.memory_space<hbm>>) dst(%dma_wait3A_175 : memref<512x16xf32, #tpu.memory_space<vmem>>)
      %dma_start3A_184 = arith.constant 0 : i32
      %dma_start3A_185 = arith.constant 0 : i32
      %dma_start3A_186 = arith.constant 0 : i32
      %dma_start3A_187 = arith.constant 0 : i32
      %dma_start3A_188 = tpu.memref_slice %arg8[%dma_start3A_184, %dma_start3A_186, %dma_start3A_187] : memref<4x512x16xf32, #tpu.memory_space<vmem>> -> memref<1x512x16xf32, #tpu.memory_space<vmem>>
      %dma_start3A_189 = tpu.memref_squeeze %dma_start3A_188 : memref<1x512x16xf32, #tpu.memory_space<vmem>> -> memref<512x16xf32, #tpu.memory_space<vmem>>
      %dma_start3A_190 = arith.constant 0 : i32
      %dma_start3A_191 = tpu.memref_slice %arg7[%add3A_169, %dma_start3A_190] : memref<20x512xi32, #tpu.memory_space<vmem>> -> memref<1x512xi32, #tpu.memory_space<vmem>>
      %dma_start3A_192 = tpu.memref_squeeze %dma_start3A_191 : memref<1x512xi32, #tpu.memory_space<vmem>> -> memref<512xi32, #tpu.memory_space<vmem>>
      %dma_start3A_193 = arith.constant 0 : i32
      %dma_start3A_194 = arith.constant 0 : i32
      %dma_start3A_195 = tpu.memref_slice %arg9[%dma_start3A_193, %dma_start3A_194] : memref<10240x16xf32, #tpu.memory_space<vmem_shared>> -> memref<10240x16xf32, #tpu.memory_space<vmem_shared>>
      %dma_start3A_196 = tpu.memref_slice %arg11[%dma_start3A_185] : memref<4x!tpu.dma_semaphore, #tpu.memory_space<semaphore_mem>> -> memref<1x!tpu.dma_semaphore, #tpu.memory_space<semaphore_mem>>
      %dma_start3A_197 = tpu.memref_squeeze %dma_start3A_196 : memref<1x!tpu.dma_semaphore, #tpu.memory_space<semaphore_mem>> -> memref<!tpu.dma_semaphore, #tpu.memory_space<semaphore_mem>>
      tpu.enqueue_indirect_dma source(%dma_start3A_189 : memref<512x16xf32, #tpu.memory_space<vmem>>) target(%dma_start3A_195 : memref<10240x16xf32, #tpu.memory_space<vmem_shared>>) offsets(%dma_start3A_192 : memref<512xi32, #tpu.memory_space<vmem>>) semaphore(%dma_start3A_197 : memref<!tpu.dma_semaphore, #tpu.memory_space<semaphore_mem>>) {add = true}
      %mul3A_198 = arith.constant 4 : i32
      %mul3A_199 = arith.muli %scan3A_77, %mul3A_198 : i32
      %add3A_200 = arith.constant 1 : i32
      %add3A_201 = arith.addi %mul3A_199, %add3A_200 : i32
      %dma_wait3A_202 = arith.constant 1 : i32
      %dma_wait3A_203 = arith.constant 1 : i32
      %dma_wait3A_204 = arith.constant 0 : i32
      %dma_wait3A_205 = arith.constant 0 : i32
      %dma_wait3A_206 = tpu.memref_slice %arg8[%dma_wait3A_202, %dma_wait3A_204, %dma_wait3A_205] : memref<4x512x16xf32, #tpu.memory_space<vmem>> -> memref<1x512x16xf32, #tpu.memory_space<vmem>>
      %dma_wait3A_207 = tpu.memref_squeeze %dma_wait3A_206 : memref<1x512x16xf32, #tpu.memory_space<vmem>> -> memref<512x16xf32, #tpu.memory_space<vmem>>
      %dma_wait3A_208 = arith.constant 0 : i32
      %dma_wait3A_209 = tpu.memref_slice %arg6[%add3A_201, %dma_wait3A_208] : memref<20x512xi32, #tpu.memory_space<vmem>> -> memref<1x512xi32, #tpu.memory_space<vmem>>
      %dma_wait3A_210 = tpu.memref_squeeze %dma_wait3A_209 : memref<1x512xi32, #tpu.memory_space<vmem>> -> memref<512xi32, #tpu.memory_space<vmem>>
      %dma_wait3A_211 = arith.constant 0 : i32
      %dma_wait3A_212 = arith.constant 0 : i32
      %dma_wait3A_213 = tpu.memref_slice %arg2[%dma_wait3A_211, %dma_wait3A_212] : memref<10240x16xf32, #tpu.memory_space<hbm>> -> memref<10240x16xf32, #tpu.memory_space<hbm>>
      %dma_wait3A_214 = tpu.memref_slice %arg10[%dma_wait3A_203] : memref<4x!tpu.dma_semaphore, #tpu.memory_space<semaphore_mem>> -> memref<1x!tpu.dma_semaphore, #tpu.memory_space<semaphore_mem>>
      %dma_wait3A_215 = tpu.memref_squeeze %dma_wait3A_214 : memref<1x!tpu.dma_semaphore, #tpu.memory_space<semaphore_mem>> -> memref<!tpu.dma_semaphore, #tpu.memory_space<semaphore_mem>>
      tpu.wait_indirect_dma semaphore(%dma_wait3A_215 : memref<!tpu.dma_semaphore, #tpu.memory_space<semaphore_mem>>) src(%dma_wait3A_213 : memref<10240x16xf32, #tpu.memory_space<hbm>>) dst(%dma_wait3A_207 : memref<512x16xf32, #tpu.memory_space<vmem>>)
      %dma_start3A_216 = arith.constant 1 : i32
      %dma_start3A_217 = arith.constant 1 : i32
      %dma_start3A_218 = arith.constant 0 : i32
      %dma_start3A_219 = arith.constant 0 : i32
      %dma_start3A_220 = tpu.memref_slice %arg8[%dma_start3A_216, %dma_start3A_218, %dma_start3A_219] : memref<4x512x16xf32, #tpu.memory_space<vmem>> -> memref<1x512x16xf32, #tpu.memory_space<vmem>>
      %dma_start3A_221 = tpu.memref_squeeze %dma_start3A_220 : memref<1x512x16xf32, #tpu.memory_space<vmem>> -> memref<512x16xf32, #tpu.memory_space<vmem>>
      %dma_start3A_222 = arith.constant 0 : i32
      %dma_start3A_223 = tpu.memref_slice %arg7[%add3A_201, %dma_start3A_222] : memref<20x512xi32, #tpu.memory_space<vmem>> -> memref<1x512xi32, #tpu.memory_space<vmem>>
      %dma_start3A_224 = tpu.memref_squeeze %dma_start3A_223 : memref<1x512xi32, #tpu.memory_space<vmem>> -> memref<512xi32, #tpu.memory_space<vmem>>
      %dma_start3A_225 = arith.constant 0 : i32
      %dma_start3A_226 = arith.constant 0 : i32
      %dma_start3A_227 = tpu.memref_slice %arg9[%dma_start3A_225, %dma_start3A_226] : memref<10240x16xf32, #tpu.memory_space<vmem_shared>> -> memref<10240x16xf32, #tpu.memory_space<vmem_shared>>
      %dma_start3A_228 = tpu.memref_slice %arg11[%dma_start3A_217] : memref<4x!tpu.dma_semaphore, #tpu.memory_space<semaphore_mem>> -> memref<1x!tpu.dma_semaphore, #tpu.memory_space<semaphore_mem>>
      %dma_start3A_229 = tpu.memref_squeeze %dma_start3A_228 : memref<1x!tpu.dma_semaphore, #tpu.memory_space<semaphore_mem>> -> memref<!tpu.dma_semaphore, #tpu.memory_space<semaphore_mem>>
      tpu.enqueue_indirect_dma source(%dma_start3A_221 : memref<512x16xf32, #tpu.memory_space<vmem>>) target(%dma_start3A_227 : memref<10240x16xf32, #tpu.memory_space<vmem_shared>>) offsets(%dma_start3A_224 : memref<512xi32, #tpu.memory_space<vmem>>) semaphore(%dma_start3A_229 : memref<!tpu.dma_semaphore, #tpu.memory_space<semaphore_mem>>) {add = true}
      %mul3A_230 = arith.constant 4 : i32
      %mul3A_231 = arith.muli %scan3A_77, %mul3A_230 : i32
      %add3A_232 = arith.constant 2 : i32
      %add3A_233 = arith.addi %mul3A_231, %add3A_232 : i32
      %dma_wait3A_234 = arith.constant 2 : i32
      %dma_wait3A_235 = arith.constant 2 : i32
      %dma_wait3A_236 = arith.constant 0 : i32
      %dma_wait3A_237 = arith.constant 0 : i32
      %dma_wait3A_238 = tpu.memref_slice %arg8[%dma_wait3A_234, %dma_wait3A_236, %dma_wait3A_237] : memref<4x512x16xf32, #tpu.memory_space<vmem>> -> memref<1x512x16xf32, #tpu.memory_space<vmem>>
      %dma_wait3A_239 = tpu.memref_squeeze %dma_wait3A_238 : memref<1x512x16xf32, #tpu.memory_space<vmem>> -> memref<512x16xf32, #tpu.memory_space<vmem>>
      %dma_wait3A_240 = arith.constant 0 : i32
      %dma_wait3A_241 = tpu.memref_slice %arg6[%add3A_233, %dma_wait3A_240] : memref<20x512xi32, #tpu.memory_space<vmem>> -> memref<1x512xi32, #tpu.memory_space<vmem>>
      %dma_wait3A_242 = tpu.memref_squeeze %dma_wait3A_241 : memref<1x512xi32, #tpu.memory_space<vmem>> -> memref<512xi32, #tpu.memory_space<vmem>>
      %dma_wait3A_243 = arith.constant 0 : i32
      %dma_wait3A_244 = arith.constant 0 : i32
      %dma_wait3A_245 = tpu.memref_slice %arg2[%dma_wait3A_243, %dma_wait3A_244] : memref<10240x16xf32, #tpu.memory_space<hbm>> -> memref<10240x16xf32, #tpu.memory_space<hbm>>
      %dma_wait3A_246 = tpu.memref_slice %arg10[%dma_wait3A_235] : memref<4x!tpu.dma_semaphore, #tpu.memory_space<semaphore_mem>> -> memref<1x!tpu.dma_semaphore, #tpu.memory_space<semaphore_mem>>
      %dma_wait3A_247 = tpu.memref_squeeze %dma_wait3A_246 : memref<1x!tpu.dma_semaphore, #tpu.memory_space<semaphore_mem>> -> memref<!tpu.dma_semaphore, #tpu.memory_space<semaphore_mem>>
      tpu.wait_indirect_dma semaphore(%dma_wait3A_247 : memref<!tpu.dma_semaphore, #tpu.memory_space<semaphore_mem>>) src(%dma_wait3A_245 : memref<10240x16xf32, #tpu.memory_space<hbm>>) dst(%dma_wait3A_239 : memref<512x16xf32, #tpu.memory_space<vmem>>)
      %dma_start3A_248 = arith.constant 2 : i32
      %dma_start3A_249 = arith.constant 2 : i32
      %dma_start3A_250 = arith.constant 0 : i32
      %dma_start3A_251 = arith.constant 0 : i32
      %dma_start3A_252 = tpu.memref_slice %arg8[%dma_start3A_248, %dma_start3A_250, %dma_start3A_251] : memref<4x512x16xf32, #tpu.memory_space<vmem>> -> memref<1x512x16xf32, #tpu.memory_space<vmem>>
      %dma_start3A_253 = tpu.memref_squeeze %dma_start3A_252 : memref<1x512x16xf32, #tpu.memory_space<vmem>> -> memref<512x16xf32, #tpu.memory_space<vmem>>
      %dma_start3A_254 = arith.constant 0 : i32
      %dma_start3A_255 = tpu.memref_slice %arg7[%add3A_233, %dma_start3A_254] : memref<20x512xi32, #tpu.memory_space<vmem>> -> memref<1x512xi32, #tpu.memory_space<vmem>>
      %dma_start3A_256 = tpu.memref_squeeze %dma_start3A_255 : memref<1x512xi32, #tpu.memory_space<vmem>> -> memref<512xi32, #tpu.memory_space<vmem>>
      %dma_start3A_257 = arith.constant 0 : i32
      %dma_start3A_258 = arith.constant 0 : i32
      %dma_start3A_259 = tpu.memref_slice %arg9[%dma_start3A_257, %dma_start3A_258] : memref<10240x16xf32, #tpu.memory_space<vmem_shared>> -> memref<10240x16xf32, #tpu.memory_space<vmem_shared>>
      %dma_start3A_260 = tpu.memref_slice %arg11[%dma_start3A_249] : memref<4x!tpu.dma_semaphore, #tpu.memory_space<semaphore_mem>> -> memref<1x!tpu.dma_semaphore, #tpu.memory_space<semaphore_mem>>
      %dma_start3A_261 = tpu.memref_squeeze %dma_start3A_260 : memref<1x!tpu.dma_semaphore, #tpu.memory_space<semaphore_mem>> -> memref<!tpu.dma_semaphore, #tpu.memory_space<semaphore_mem>>
      tpu.enqueue_indirect_dma source(%dma_start3A_253 : memref<512x16xf32, #tpu.memory_space<vmem>>) target(%dma_start3A_259 : memref<10240x16xf32, #tpu.memory_space<vmem_shared>>) offsets(%dma_start3A_256 : memref<512xi32, #tpu.memory_space<vmem>>) semaphore(%dma_start3A_261 : memref<!tpu.dma_semaphore, #tpu.memory_space<semaphore_mem>>) {add = true}
      %mul3A_262 = arith.constant 4 : i32
      %mul3A_263 = arith.muli %scan3A_77, %mul3A_262 : i32
      %add3A_264 = arith.constant 3 : i32
      %add3A_265 = arith.addi %mul3A_263, %add3A_264 : i32
      %dma_wait3A_266 = arith.constant 3 : i32
      %dma_wait3A_267 = arith.constant 3 : i32
      %dma_wait3A_268 = arith.constant 0 : i32
      %dma_wait3A_269 = arith.constant 0 : i32
      %dma_wait3A_270 = tpu.memref_slice %arg8[%dma_wait3A_266, %dma_wait3A_268, %dma_wait3A_269] : memref<4x512x16xf32, #tpu.memory_space<vmem>> -> memref<1x512x16xf32, #tpu.memory_space<vmem>>
      %dma_wait3A_271 = tpu.memref_squeeze %dma_wait3A_270 : memref<1x512x16xf32, #tpu.memory_space<vmem>> -> memref<512x16xf32, #tpu.memory_space<vmem>>
      %dma_wait3A_272 = arith.constant 0 : i32
      %dma_wait3A_273 = tpu.memref_slice %arg6[%add3A_265, %dma_wait3A_272] : memref<20x512xi32, #tpu.memory_space<vmem>> -> memref<1x512xi32, #tpu.memory_space<vmem>>
      %dma_wait3A_274 = tpu.memref_squeeze %dma_wait3A_273 : memref<1x512xi32, #tpu.memory_space<vmem>> -> memref<512xi32, #tpu.memory_space<vmem>>
      %dma_wait3A_275 = arith.constant 0 : i32
      %dma_wait3A_276 = arith.constant 0 : i32
      %dma_wait3A_277 = tpu.memref_slice %arg2[%dma_wait3A_275, %dma_wait3A_276] : memref<10240x16xf32, #tpu.memory_space<hbm>> -> memref<10240x16xf32, #tpu.memory_space<hbm>>
      %dma_wait3A_278 = tpu.memref_slice %arg10[%dma_wait3A_267] : memref<4x!tpu.dma_semaphore, #tpu.memory_space<semaphore_mem>> -> memref<1x!tpu.dma_semaphore, #tpu.memory_space<semaphore_mem>>
      %dma_wait3A_279 = tpu.memref_squeeze %dma_wait3A_278 : memref<1x!tpu.dma_semaphore, #tpu.memory_space<semaphore_mem>> -> memref<!tpu.dma_semaphore, #tpu.memory_space<semaphore_mem>>
      tpu.wait_indirect_dma semaphore(%dma_wait3A_279 : memref<!tpu.dma_semaphore, #tpu.memory_space<semaphore_mem>>) src(%dma_wait3A_277 : memref<10240x16xf32, #tpu.memory_space<hbm>>) dst(%dma_wait3A_271 : memref<512x16xf32, #tpu.memory_space<vmem>>)
      %dma_start3A_280 = arith.constant 3 : i32
      %dma_start3A_281 = arith.constant 3 : i32
      %dma_start3A_282 = arith.constant 0 : i32
      %dma_start3A_283 = arith.constant 0 : i32
      %dma_start3A_284 = tpu.memref_slice %arg8[%dma_start3A_280, %dma_start3A_282, %dma_start3A_283] : memref<4x512x16xf32, #tpu.memory_space<vmem>> -> memref<1x512x16xf32, #tpu.memory_space<vmem>>
      %dma_start3A_285 = tpu.memref_squeeze %dma_start3A_284 : memref<1x512x16xf32, #tpu.memory_space<vmem>> -> memref<512x16xf32, #tpu.memory_space<vmem>>
      %dma_start3A_286 = arith.constant 0 : i32
      %dma_start3A_287 = tpu.memref_slice %arg7[%add3A_265, %dma_start3A_286] : memref<20x512xi32, #tpu.memory_space<vmem>> -> memref<1x512xi32, #tpu.memory_space<vmem>>
      %dma_start3A_288 = tpu.memref_squeeze %dma_start3A_287 : memref<1x512xi32, #tpu.memory_space<vmem>> -> memref<512xi32, #tpu.memory_space<vmem>>
      %dma_start3A_289 = arith.constant 0 : i32
      %dma_start3A_290 = arith.constant 0 : i32
      %dma_start3A_291 = tpu.memref_slice %arg9[%dma_start3A_289, %dma_start3A_290] : memref<10240x16xf32, #tpu.memory_space<vmem_shared>> -> memref<10240x16xf32, #tpu.memory_space<vmem_shared>>
      %dma_start3A_292 = tpu.memref_slice %arg11[%dma_start3A_281] : memref<4x!tpu.dma_semaphore, #tpu.memory_space<semaphore_mem>> -> memref<1x!tpu.dma_semaphore, #tpu.memory_space<semaphore_mem>>
      %dma_start3A_293 = tpu.memref_squeeze %dma_start3A_292 : memref<1x!tpu.dma_semaphore, #tpu.memory_space<semaphore_mem>> -> memref<!tpu.dma_semaphore, #tpu.memory_space<semaphore_mem>>
      tpu.enqueue_indirect_dma source(%dma_start3A_285 : memref<512x16xf32, #tpu.memory_space<vmem>>) target(%dma_start3A_291 : memref<10240x16xf32, #tpu.memory_space<vmem_shared>>) offsets(%dma_start3A_288 : memref<512xi32, #tpu.memory_space<vmem>>) semaphore(%dma_start3A_293 : memref<!tpu.dma_semaphore, #tpu.memory_space<semaphore_mem>>) {add = true}
    }
    %scan3A_12 = arith.constant 5 : i32
    %dma_wait3A = arith.constant 0 : i32
    %dma_wait3A_13 = arith.constant 16 : i32
    %dma_wait3A_14 = arith.constant 0 : i32
    %dma_wait3A_15 = arith.constant 0 : i32
    %dma_wait3A_16 = arith.constant 0 : i32
    %dma_wait3A_17 = tpu.memref_slice %arg8[%dma_wait3A, %dma_wait3A_15, %dma_wait3A_16] : memref<4x512x16xf32, #tpu.memory_space<vmem>> -> memref<1x512x16xf32, #tpu.memory_space<vmem>>
    %dma_wait3A_18 = tpu.memref_squeeze %dma_wait3A_17 : memref<1x512x16xf32, #tpu.memory_space<vmem>> -> memref<512x16xf32, #tpu.memory_space<vmem>>
    %dma_wait3A_19 = arith.constant 0 : i32
    %dma_wait3A_20 = tpu.memref_slice %arg7[%dma_wait3A_13, %dma_wait3A_19] : memref<20x512xi32, #tpu.memory_space<vmem>> -> memref<1x512xi32, #tpu.memory_space<vmem>>
    %dma_wait3A_21 = tpu.memref_squeeze %dma_wait3A_20 : memref<1x512xi32, #tpu.memory_space<vmem>> -> memref<512xi32, #tpu.memory_space<vmem>>
    %dma_wait3A_22 = arith.constant 0 : i32
    %dma_wait3A_23 = arith.constant 0 : i32
    %dma_wait3A_24 = tpu.memref_slice %arg9[%dma_wait3A_22, %dma_wait3A_23] : memref<10240x16xf32, #tpu.memory_space<vmem_shared>> -> memref<10240x16xf32, #tpu.memory_space<vmem_shared>>
    %dma_wait3A_25 = tpu.memref_slice %arg11[%dma_wait3A_14] : memref<4x!tpu.dma_semaphore, #tpu.memory_space<semaphore_mem>> -> memref<1x!tpu.dma_semaphore, #tpu.memory_space<semaphore_mem>>
    %dma_wait3A_26 = tpu.memref_squeeze %dma_wait3A_25 : memref<1x!tpu.dma_semaphore, #tpu.memory_space<semaphore_mem>> -> memref<!tpu.dma_semaphore, #tpu.memory_space<semaphore_mem>>
    tpu.wait_indirect_dma semaphore(%dma_wait3A_26 : memref<!tpu.dma_semaphore, #tpu.memory_space<semaphore_mem>>) src(%dma_wait3A_18 : memref<512x16xf32, #tpu.memory_space<vmem>>) dst(%dma_wait3A_24 : memref<10240x16xf32, #tpu.memory_space<vmem_shared>>)
    %dma_wait3A_27 = arith.constant 1 : i32
    %dma_wait3A_28 = arith.constant 17 : i32
    %dma_wait3A_29 = arith.constant 1 : i32
    %dma_wait3A_30 = arith.constant 0 : i32
    %dma_wait3A_31 = arith.constant 0 : i32
    %dma_wait3A_32 = tpu.memref_slice %arg8[%dma_wait3A_27, %dma_wait3A_30, %dma_wait3A_31] : memref<4x512x16xf32, #tpu.memory_space<vmem>> -> memref<1x512x16xf32, #tpu.memory_space<vmem>>
    %dma_wait3A_33 = tpu.memref_squeeze %dma_wait3A_32 : memref<1x512x16xf32, #tpu.memory_space<vmem>> -> memref<512x16xf32, #tpu.memory_space<vmem>>
    %dma_wait3A_34 = arith.constant 0 : i32
    %dma_wait3A_35 = tpu.memref_slice %arg7[%dma_wait3A_28, %dma_wait3A_34] : memref<20x512xi32, #tpu.memory_space<vmem>> -> memref<1x512xi32, #tpu.memory_space<vmem>>
    %dma_wait3A_36 = tpu.memref_squeeze %dma_wait3A_35 : memref<1x512xi32, #tpu.memory_space<vmem>> -> memref<512xi32, #tpu.memory_space<vmem>>
    %dma_wait3A_37 = arith.constant 0 : i32
    %dma_wait3A_38 = arith.constant 0 : i32
    %dma_wait3A_39 = tpu.memref_slice %arg9[%dma_wait3A_37, %dma_wait3A_38] : memref<10240x16xf32, #tpu.memory_space<vmem_shared>> -> memref<10240x16xf32, #tpu.memory_space<vmem_shared>>
    %dma_wait3A_40 = tpu.memref_slice %arg11[%dma_wait3A_29] : memref<4x!tpu.dma_semaphore, #tpu.memory_space<semaphore_mem>> -> memref<1x!tpu.dma_semaphore, #tpu.memory_space<semaphore_mem>>
    %dma_wait3A_41 = tpu.memref_squeeze %dma_wait3A_40 : memref<1x!tpu.dma_semaphore, #tpu.memory_space<semaphore_mem>> -> memref<!tpu.dma_semaphore, #tpu.memory_space<semaphore_mem>>
    tpu.wait_indirect_dma semaphore(%dma_wait3A_41 : memref<!tpu.dma_semaphore, #tpu.memory_space<semaphore_mem>>) src(%dma_wait3A_33 : memref<512x16xf32, #tpu.memory_space<vmem>>) dst(%dma_wait3A_39 : memref<10240x16xf32, #tpu.memory_space<vmem_shared>>)
    %dma_wait3A_42 = arith.constant 2 : i32
    %dma_wait3A_43 = arith.constant 18 : i32
    %dma_wait3A_44 = arith.constant 2 : i32
    %dma_wait3A_45 = arith.constant 0 : i32
    %dma_wait3A_46 = arith.constant 0 : i32
    %dma_wait3A_47 = tpu.memref_slice %arg8[%dma_wait3A_42, %dma_wait3A_45, %dma_wait3A_46] : memref<4x512x16xf32, #tpu.memory_space<vmem>> -> memref<1x512x16xf32, #tpu.memory_space<vmem>>
    %dma_wait3A_48 = tpu.memref_squeeze %dma_wait3A_47 : memref<1x512x16xf32, #tpu.memory_space<vmem>> -> memref<512x16xf32, #tpu.memory_space<vmem>>
    %dma_wait3A_49 = arith.constant 0 : i32
    %dma_wait3A_50 = tpu.memref_slice %arg7[%dma_wait3A_43, %dma_wait3A_49] : memref<20x512xi32, #tpu.memory_space<vmem>> -> memref<1x512xi32, #tpu.memory_space<vmem>>
    %dma_wait3A_51 = tpu.memref_squeeze %dma_wait3A_50 : memref<1x512xi32, #tpu.memory_space<vmem>> -> memref<512xi32, #tpu.memory_space<vmem>>
    %dma_wait3A_52 = arith.constant 0 : i32
    %dma_wait3A_53 = arith.constant 0 : i32
    %dma_wait3A_54 = tpu.memref_slice %arg9[%dma_wait3A_52, %dma_wait3A_53] : memref<10240x16xf32, #tpu.memory_space<vmem_shared>> -> memref<10240x16xf32, #tpu.memory_space<vmem_shared>>
    %dma_wait3A_55 = tpu.memref_slice %arg11[%dma_wait3A_44] : memref<4x!tpu.dma_semaphore, #tpu.memory_space<semaphore_mem>> -> memref<1x!tpu.dma_semaphore, #tpu.memory_space<semaphore_mem>>
    %dma_wait3A_56 = tpu.memref_squeeze %dma_wait3A_55 : memref<1x!tpu.dma_semaphore, #tpu.memory_space<semaphore_mem>> -> memref<!tpu.dma_semaphore, #tpu.memory_space<semaphore_mem>>
    tpu.wait_indirect_dma semaphore(%dma_wait3A_56 : memref<!tpu.dma_semaphore, #tpu.memory_space<semaphore_mem>>) src(%dma_wait3A_48 : memref<512x16xf32, #tpu.memory_space<vmem>>) dst(%dma_wait3A_54 : memref<10240x16xf32, #tpu.memory_space<vmem_shared>>)
    %dma_wait3A_57 = arith.constant 3 : i32
    %dma_wait3A_58 = arith.constant 19 : i32
    %dma_wait3A_59 = arith.constant 3 : i32
    %dma_wait3A_60 = arith.constant 0 : i32
    %dma_wait3A_61 = arith.constant 0 : i32
    %dma_wait3A_62 = tpu.memref_slice %arg8[%dma_wait3A_57, %dma_wait3A_60, %dma_wait3A_61] : memref<4x512x16xf32, #tpu.memory_space<vmem>> -> memref<1x512x16xf32, #tpu.memory_space<vmem>>
    %dma_wait3A_63 = tpu.memref_squeeze %dma_wait3A_62 : memref<1x512x16xf32, #tpu.memory_space<vmem>> -> memref<512x16xf32, #tpu.memory_space<vmem>>
    %dma_wait3A_64 = arith.constant 0 : i32
    %dma_wait3A_65 = tpu.memref_slice %arg7[%dma_wait3A_58, %dma_wait3A_64] : memref<20x512xi32, #tpu.memory_space<vmem>> -> memref<1x512xi32, #tpu.memory_space<vmem>>
    %dma_wait3A_66 = tpu.memref_squeeze %dma_wait3A_65 : memref<1x512xi32, #tpu.memory_space<vmem>> -> memref<512xi32, #tpu.memory_space<vmem>>
    %dma_wait3A_67 = arith.constant 0 : i32
    %dma_wait3A_68 = arith.constant 0 : i32
    %dma_wait3A_69 = tpu.memref_slice %arg9[%dma_wait3A_67, %dma_wait3A_68] : memref<10240x16xf32, #tpu.memory_space<vmem_shared>> -> memref<10240x16xf32, #tpu.memory_space<vmem_shared>>
    %dma_wait3A_70 = tpu.memref_slice %arg11[%dma_wait3A_59] : memref<4x!tpu.dma_semaphore, #tpu.memory_space<semaphore_mem>> -> memref<1x!tpu.dma_semaphore, #tpu.memory_space<semaphore_mem>>
    %dma_wait3A_71 = tpu.memref_squeeze %dma_wait3A_70 : memref<1x!tpu.dma_semaphore, #tpu.memory_space<semaphore_mem>> -> memref<!tpu.dma_semaphore, #tpu.memory_space<semaphore_mem>>
    tpu.wait_indirect_dma semaphore(%dma_wait3A_71 : memref<!tpu.dma_semaphore, #tpu.memory_space<semaphore_mem>>) src(%dma_wait3A_63 : memref<512x16xf32, #tpu.memory_space<vmem>>) dst(%dma_wait3A_69 : memref<10240x16xf32, #tpu.memory_space<vmem_shared>>)
    %barrier3A_72 = arith.constant 0 : index
    tpu.barrier barrier_id(%barrier3A_72)
    %mul3A_73 = arith.constant 640 : i32
    %mul3A_74 = arith.muli %arg1, %mul3A_73 : i32
    %mul3A_75 = arith.constant 640 : i32
    %mul3A_76 = arith.muli %arg1, %mul3A_75 : i32
    "tpu.region"() ({
      %run_scoped3A_77 = tpu.sem_alloc : memref<!tpu.dma_semaphore, #tpu.memory_space<semaphore_mem>>
      %dma_start3A = arith.constant 0 : i32
      %dma_start3A_78 = tpu.memref_slice %arg5[%arg0, %mul3A_76, %dma_start3A] : memref<2x10240x16xf32, #tpu.memory_space<hbm>> -> memref<1x640x16xf32, #tpu.memory_space<hbm>>
      %dma_start3A_79 = tpu.memref_squeeze %dma_start3A_78 : memref<1x640x16xf32, #tpu.memory_space<hbm>> -> memref<640x16xf32, #tpu.memory_space<hbm>>
      %dma_start3A_80 = arith.constant 0 : i32
      %dma_start3A_81 = tpu.memref_slice %arg9[%mul3A_74, %dma_start3A_80] : memref<10240x16xf32, #tpu.memory_space<vmem_shared>> -> memref<640x16xf32, #tpu.memory_space<vmem_shared>>
      tpu.enqueue_dma source(%dma_start3A_81 : memref<640x16xf32, #tpu.memory_space<vmem_shared>>) target(%dma_start3A_79 : memref<640x16xf32, #tpu.memory_space<hbm>>) target_semaphore(%run_scoped3A_77 : memref<!tpu.dma_semaphore, #tpu.memory_space<semaphore_mem>>)
      %dma_wait3A_82 = arith.constant 0 : i32
      %dma_wait3A_83 = tpu.memref_slice %arg5[%arg0, %mul3A_76, %dma_wait3A_82] : memref<2x10240x16xf32, #tpu.memory_space<hbm>> -> memref<1x640x16xf32, #tpu.memory_space<hbm>>
      %dma_wait3A_84 = tpu.memref_squeeze %dma_wait3A_83 : memref<1x640x16xf32, #tpu.memory_space<hbm>> -> memref<640x16xf32, #tpu.memory_space<hbm>>
      %dma_wait3A_85 = arith.constant 0 : i32
      %dma_wait3A_86 = tpu.memref_slice %arg9[%mul3A_74, %dma_wait3A_85] : memref<10240x16xf32, #tpu.memory_space<vmem_shared>> -> memref<640x16xf32, #tpu.memory_space<vmem_shared>>
      tpu.wait_dma2 semaphore(%run_scoped3A_77 : memref<!tpu.dma_semaphore, #tpu.memory_space<semaphore_mem>>) src(%dma_wait3A_86 : memref<640x16xf32, #tpu.memory_space<vmem_shared>>) dst(%dma_wait3A_84 : memref<640x16xf32, #tpu.memory_space<hbm>>)
      tpu.yield
    }) : () -> ()
    return
  }
}

module attributes {stable_mosaic.version = 14 : i64} {
  func.func @_tc1a_body(%arg0: i32, %arg1: memref<2048x128xf32, #tpu.memory_space<vmem>>, %arg2: memref<128x16xf32, #tpu.memory_space<vmem>>, %arg3: memref<2048x16xf32, #tpu.memory_space<vmem>>) attributes {dimension_semantics = [#tpu.dimension_semantics<arbitrary>], iteration_bounds = array<i64: 5>, scalar_prefetch = 0 : i64, scratch_operands = 0 : i64, tpu.core_type = #tpu.core_type<tc>, window_params = [{transform_indices = @transform_0, window_bounds = array<i64: 2048, 128>}, {pipeline_mode = #tpu.pipeline_mode<synchronous>, transform_indices = @transform_1, window_bounds = array<i64: 128, 16>}, {transform_indices = @transform_2, window_bounds = array<i64: 2048, 16>}]} {
    %get3A = arith.constant 0 : index
    %get3A_0 = arith.constant 0 : index
    %get3A_1 = vector.load %arg1[%get3A, %get3A_0] : memref<2048x128xf32, #tpu.memory_space<vmem>>, vector<2048x128xf32>
    %get3A_2 = arith.constant 0 : index
    %get3A_3 = arith.constant 0 : index
    %get3A_4 = vector.load %arg2[%get3A_2, %get3A_3] : memref<128x16xf32, #tpu.memory_space<vmem>>, vector<128x16xf32>
    %dot_general3A = arith.constant dense<0.000000e+00> : vector<2048x16xf32>
    %dot_general3A_5 = tpu.matmul %get3A_1, %get3A_4, %dot_general3A {dimension_numbers = #tpu.dot_dimension_numbers<[1], [0], [0], [1], [0, 0, 1, 1], [], []>, transpose_lhs_hint = false} : vector<2048x128xf32>, vector<128x16xf32>, vector<2048x16xf32> -> vector<2048x16xf32>
    %swap3A = arith.constant 0 : index
    %swap3A_6 = arith.constant 0 : index
    %swap3A_7 = vector.load %arg3[%swap3A, %swap3A_6] : memref<2048x16xf32, #tpu.memory_space<vmem>>, vector<2048x16xf32>
    tpu.vector_store %arg3[%swap3A, %swap3A_6], %dot_general3A_5 {strides = array<i32>} : memref<2048x16xf32, #tpu.memory_space<vmem>>, vector<2048x16xf32>,
    return
  }
  func.func @transform_0(%arg0: i32) -> (i32, i32) {
    %c0_i32 = arith.constant 0 : i32
    %c0_i32_0 = arith.constant 0 : i32
    return %arg0, %c0_i32 : i32, i32
  }
  func.func @transform_1(%arg0: i32) -> (i32, i32) {
    %c0_i32 = arith.constant 0 : i32
    %c0_i32_0 = arith.constant 0 : i32
    %c0_i32_1 = arith.constant 0 : i32
    return %c0_i32, %c0_i32_0 : i32, i32
  }
  func.func @transform_2(%arg0: i32) -> (i32, i32) {
    %c0_i32 = arith.constant 0 : i32
    %c0_i32_0 = arith.constant 0 : i32
    return %arg0, %c0_i32 : i32, i32
  }
}

module attributes {stable_mosaic.version = 14 : i64} {
  func.func @_tc1b_body(%arg0: i32, %arg1: memref<2x2048xf32, #tpu.memory_space<vmem>>, %arg2: memref<2048x16xf32, #tpu.memory_space<vmem>>, %arg3: memref<2048x16xf32, #tpu.memory_space<vmem>>, %arg4: memref<2048x1xf32, #tpu.memory_space<vmem>>) attributes {dimension_semantics = [#tpu.dimension_semantics<arbitrary>], iteration_bounds = array<i64: 5>, scalar_prefetch = 0 : i64, scratch_operands = 0 : i64, tpu.core_type = #tpu.core_type<tc>, window_params = [{transform_indices = @transform_0, window_bounds = array<i64: 2, 2048>}, {transform_indices = @transform_1, window_bounds = array<i64: 2048, 16>}, {transform_indices = @transform_2, window_bounds = array<i64: 2048, 16>}, {transform_indices = @transform_3, window_bounds = array<i64: 2048, 1>}]} {
    %get3A = arith.constant 0 : index
    %get3A_0 = arith.constant 0 : index
    %get3A_1 = vector.load %arg1[%get3A, %get3A_0] : memref<2x2048xf32, #tpu.memory_space<vmem>>, vector<1x2048xf32>
    %get3A_2 = vector.shape_cast %get3A_1 : vector<1x2048xf32> to vector<2048xf32>
    %get3A_3 = arith.constant 1 : index
    %get3A_4 = arith.constant 0 : index
    %get3A_5 = vector.load %arg1[%get3A_3, %get3A_4] : memref<2x2048xf32, #tpu.memory_space<vmem>>, vector<1x2048xf32>
    %get3A_6 = vector.shape_cast %get3A_5 : vector<1x2048xf32> to vector<2048xf32>
    %add3A = arith.addf %get3A_2, %get3A_6 : vector<2048xf32>
    %add3A_7 = arith.constant 1.000000e+00 : f32
    %add3A_8 = vector.broadcast %add3A_7 : f32 to vector<2048xf32>
    %add3A_9 = arith.addf %add3A, %add3A_8 : vector<2048xf32>
    %max3A = arith.constant 1.000000e+00 : f32
    %max3A_10 = vector.broadcast %max3A : f32 to vector<2048xf32>
    %max3A_11 = arith.maximumf %add3A_9, %max3A_10 : vector<2048xf32>
    %rsqrt3A = math.rsqrt %max3A_11 : vector<2048xf32>
    %iota3A = tpu.iota {dimensions = array<i32: 1>} : vector<1x2048xi32>
    %iota3A_12 = vector.shape_cast %iota3A : vector<1x2048xi32> to vector<2048xi32>
    %mul3A = arith.constant 2048 : i32
    %mul3A_13 = arith.muli %arg0, %mul3A : i32
    %add3A_14 = vector.broadcast %mul3A_13 : i32 to vector<2048xi32>
    %add3A_15 = arith.addi %iota3A_12, %add3A_14 : vector<2048xi32>
    %lt3A = arith.constant 10000 : i32
    %lt3A_16 = vector.broadcast %lt3A : i32 to vector<2048xi32>
    %lt3A_17 = arith.cmpi slt, %add3A_15, %lt3A_16 : vector<2048xi32>
    %jit3A = arith.constant 0.000000e+00 : f32
    %broadcast_in_dim3A = vector.broadcast %jit3A : f32 to vector<2048xf32>
    %select_n3A = arith.select %lt3A_17, %rsqrt3A, %broadcast_in_dim3A : vector<2048xi1>, vector<2048xf32>
    %broadcast_in_dim3A_18 = vector.shape_cast %select_n3A : vector<2048xf32> to vector<2048x1xf32>
    %get3A_19 = arith.constant 0 : index
    %get3A_20 = arith.constant 0 : index
    %get3A_21 = vector.load %arg2[%get3A_19, %get3A_20] : memref<2048x16xf32, #tpu.memory_space<vmem>>, vector<2048x16xf32>
    %mul3A_22 = vector.broadcast %broadcast_in_dim3A_18 : vector<2048x1xf32> to vector<2048x16xf32>
    %mul3A_23 = arith.mulf %mul3A_22, %get3A_21 : vector<2048x16xf32>
    %swap3A = arith.constant 0 : index
    %swap3A_24 = arith.constant 0 : index
    %swap3A_25 = vector.load %arg3[%swap3A, %swap3A_24] : memref<2048x16xf32, #tpu.memory_space<vmem>>, vector<2048x16xf32>
    tpu.vector_store %arg3[%swap3A, %swap3A_24], %mul3A_23 {strides = array<i32>} : memref<2048x16xf32, #tpu.memory_space<vmem>>, vector<2048x16xf32>,
    %swap3A_26 = arith.constant 0 : index
    %swap3A_27 = arith.constant 0 : index
    %swap3A_28 = vector.load %arg4[%swap3A_26, %swap3A_27] : memref<2048x1xf32, #tpu.memory_space<vmem>>, vector<2048x1xf32>
    tpu.vector_store %arg4[%swap3A_26, %swap3A_27], %broadcast_in_dim3A_18 {strides = array<i32>} : memref<2048x1xf32, #tpu.memory_space<vmem>>, vector<2048x1xf32>,
    return
  }
  func.func @transform_0(%arg0: i32) -> (i32, i32) {
    %c0_i32 = arith.constant 0 : i32
    %c0_i32_0 = arith.constant 0 : i32
    return %c0_i32, %arg0 : i32, i32
  }
  func.func @transform_1(%arg0: i32) -> (i32, i32) {
    %c0_i32 = arith.constant 0 : i32
    %c0_i32_0 = arith.constant 0 : i32
    return %arg0, %c0_i32 : i32, i32
  }
  func.func @transform_2(%arg0: i32) -> (i32, i32) {
    %c0_i32 = arith.constant 0 : i32
    %c0_i32_0 = arith.constant 0 : i32
    return %arg0, %c0_i32 : i32, i32
  }
  func.func @transform_3(%arg0: i32) -> (i32, i32) {
    %c0_i32 = arith.constant 0 : i32
    %c0_i32_0 = arith.constant 0 : i32
    return %arg0, %c0_i32 : i32, i32
  }
}

module attributes {stable_mosaic.version = 14 : i64} {
  func.func @_tc2_body(%arg0: i32, %arg1: memref<2x2048x16xf32, #tpu.memory_space<vmem>>, %arg2: memref<2048x16xf32, #tpu.memory_space<vmem>>, %arg3: memref<2048x1xf32, #tpu.memory_space<vmem>>, %arg4: memref<1x16xf32, #tpu.memory_space<vmem>>, %arg5: memref<16x16xf32, #tpu.memory_space<vmem>>, %arg6: memref<2048x16xf32, #tpu.memory_space<vmem>>, %arg7: memref<2048x16xf32, #tpu.memory_space<vmem>>) attributes {dimension_semantics = [#tpu.dimension_semantics<arbitrary>], iteration_bounds = array<i64: 5>, scalar_prefetch = 0 : i64, scratch_operands = 0 : i64, tpu.core_type = #tpu.core_type<tc>, window_params = [{transform_indices = @transform_0, window_bounds = array<i64: 2, 2048, 16>}, {transform_indices = @transform_1, window_bounds = array<i64: 2048, 16>}, {transform_indices = @transform_2, window_bounds = array<i64: 2048, 1>}, {pipeline_mode = #tpu.pipeline_mode<synchronous>, transform_indices = @transform_3, window_bounds = array<i64: 1, 16>}, {pipeline_mode = #tpu.pipeline_mode<synchronous>, transform_indices = @transform_4, window_bounds = array<i64: 16, 16>}, {transform_indices = @transform_5, window_bounds = array<i64: 2048, 16>}, {transform_indices = @transform_6, window_bounds = array<i64: 2048, 16>}]} {
    %get3A = arith.constant 0 : index
    %get3A_0 = arith.constant 0 : index
    %get3A_1 = vector.load %arg3[%get3A, %get3A_0] : memref<2048x1xf32, #tpu.memory_space<vmem>>, vector<2048x1xf32>
    %get3A_2 = arith.constant 0 : index
    %get3A_3 = arith.constant 0 : index
    %get3A_4 = arith.constant 0 : index
    %get3A_5 = vector.load %arg1[%get3A_2, %get3A_3, %get3A_4] : memref<2x2048x16xf32, #tpu.memory_space<vmem>>, vector<1x2048x16xf32>
    %get3A_6 = vector.shape_cast %get3A_5 : vector<1x2048x16xf32> to vector<2048x16xf32>
    %get3A_7 = arith.constant 1 : index
    %get3A_8 = arith.constant 0 : index
    %get3A_9 = arith.constant 0 : index
    %get3A_10 = vector.load %arg1[%get3A_7, %get3A_8, %get3A_9] : memref<2x2048x16xf32, #tpu.memory_space<vmem>>, vector<1x2048x16xf32>
    %get3A_11 = vector.shape_cast %get3A_10 : vector<1x2048x16xf32> to vector<2048x16xf32>
    %add3A = arith.addf %get3A_6, %get3A_11 : vector<2048x16xf32>
    %mul3A = vector.broadcast %get3A_1 : vector<2048x1xf32> to vector<2048x16xf32>
    %mul3A_12 = arith.mulf %mul3A, %add3A : vector<2048x16xf32>
    %mul3A_13 = arith.mulf %get3A_1, %get3A_1 : vector<2048x1xf32>
    %get3A_14 = arith.constant 0 : index
    %get3A_15 = arith.constant 0 : index
    %get3A_16 = vector.load %arg2[%get3A_14, %get3A_15] : memref<2048x16xf32, #tpu.memory_space<vmem>>, vector<2048x16xf32>
    %mul3A_17 = vector.broadcast %mul3A_13 : vector<2048x1xf32> to vector<2048x16xf32>
    %mul3A_18 = arith.mulf %mul3A_17, %get3A_16 : vector<2048x16xf32>
    %add3A_19 = arith.addf %mul3A_12, %mul3A_18 : vector<2048x16xf32>
    %get3A_20 = arith.constant 0 : index
    %get3A_21 = arith.constant 0 : index
    %get3A_22 = vector.load %arg4[%get3A_20, %get3A_21] : memref<1x16xf32, #tpu.memory_space<vmem>>, vector<1x16xf32>
    %add3A_23 = vector.broadcast %get3A_22 : vector<1x16xf32> to vector<2048x16xf32>
    %add3A_24 = arith.addf %add3A_19, %add3A_23 : vector<2048x16xf32>
    %max3A = arith.constant 0.000000e+00 : f32
    %max3A_25 = vector.broadcast %max3A : f32 to vector<2048x16xf32>
    %max3A_26 = arith.maximumf %add3A_24, %max3A_25 : vector<2048x16xf32>
    %iota3A = tpu.iota {dimensions = array<i32: 0>} : vector<2048x1xi32>
    %mul3A_27 = arith.constant 2048 : i32
    %mul3A_28 = arith.muli %arg0, %mul3A_27 : i32
    %add3A_29 = vector.broadcast %mul3A_28 : i32 to vector<2048x1xi32>
    %add3A_30 = arith.addi %iota3A, %add3A_29 : vector<2048x1xi32>
    %lt3A = arith.constant 10000 : i32
    %lt3A_31 = vector.broadcast %lt3A : i32 to vector<2048x1xi32>
    %lt3A_32 = arith.cmpi slt, %add3A_30, %lt3A_31 : vector<2048x1xi32>
    %jit3A = arith.constant 0.000000e+00 : f32
    %broadcast_in_dim3A = vector.shape_cast %lt3A_32 : vector<2048x1xi1> to vector<2048x1xi1>
    %broadcast_in_dim3A_33 = vector.broadcast %broadcast_in_dim3A : vector<2048x1xi1> to vector<2048x16xi1>
    %broadcast_in_dim3A_34 = vector.broadcast %jit3A : f32 to vector<2048x16xf32>
    %select_n3A = arith.select %broadcast_in_dim3A_33, %max3A_26, %broadcast_in_dim3A_34 : vector<2048x16xi1>, vector<2048x16xf32>
    %get3A_35 = arith.constant 0 : index
    %get3A_36 = arith.constant 0 : index
    %get3A_37 = vector.load %arg5[%get3A_35, %get3A_36] : memref<16x16xf32, #tpu.memory_space<vmem>>, vector<16x16xf32>
    %dot_general3A = arith.constant dense<0.000000e+00> : vector<2048x16xf32>
    %dot_general3A_38 = tpu.matmul %select_n3A, %get3A_37, %dot_general3A {dimension_numbers = #tpu.dot_dimension_numbers<[1], [0], [0], [1], [0, 0, 1, 1], [], []>, transpose_lhs_hint = false} : vector<2048x16xf32>, vector<16x16xf32>, vector<2048x16xf32> -> vector<2048x16xf32>
    %swap3A = arith.constant 0 : index
    %swap3A_39 = arith.constant 0 : index
    %swap3A_40 = vector.load %arg7[%swap3A, %swap3A_39] : memref<2048x16xf32, #tpu.memory_space<vmem>>, vector<2048x16xf32>
    tpu.vector_store %arg7[%swap3A, %swap3A_39], %dot_general3A_38 {strides = array<i32>} : memref<2048x16xf32, #tpu.memory_space<vmem>>, vector<2048x16xf32>,
    %mul3A_41 = vector.broadcast %get3A_1 : vector<2048x1xf32> to vector<2048x16xf32>
    %mul3A_42 = arith.mulf %mul3A_41, %dot_general3A_38 : vector<2048x16xf32>
    %swap3A_43 = arith.constant 0 : index
    %swap3A_44 = arith.constant 0 : index
    %swap3A_45 = vector.load %arg6[%swap3A_43, %swap3A_44] : memref<2048x16xf32, #tpu.memory_space<vmem>>, vector<2048x16xf32>
    tpu.vector_store %arg6[%swap3A_43, %swap3A_44], %mul3A_42 {strides = array<i32>} : memref<2048x16xf32, #tpu.memory_space<vmem>>, vector<2048x16xf32>,
    return
  }
  func.func @transform_0(%arg0: i32) -> (i32, i32, i32) {
    %c0_i32 = arith.constant 0 : i32
    %c0_i32_0 = arith.constant 0 : i32
    %c0_i32_1 = arith.constant 0 : i32
    return %c0_i32, %arg0, %c0_i32_0 : i32, i32, i32
  }
  func.func @transform_1(%arg0: i32) -> (i32, i32) {
    %c0_i32 = arith.constant 0 : i32
    %c0_i32_0 = arith.constant 0 : i32
    return %arg0, %c0_i32 : i32, i32
  }
  func.func @transform_2(%arg0: i32) -> (i32, i32) {
    %c0_i32 = arith.constant 0 : i32
    %c0_i32_0 = arith.constant 0 : i32
    return %arg0, %c0_i32 : i32, i32
  }
  func.func @transform_3(%arg0: i32) -> (i32, i32) {
    %c0_i32 = arith.constant 0 : i32
    %c0_i32_0 = arith.constant 0 : i32
    %c0_i32_1 = arith.constant 0 : i32
    return %c0_i32, %c0_i32_0 : i32, i32
  }
  func.func @transform_4(%arg0: i32) -> (i32, i32) {
    %c0_i32 = arith.constant 0 : i32
    %c0_i32_0 = arith.constant 0 : i32
    %c0_i32_1 = arith.constant 0 : i32
    return %c0_i32, %c0_i32_0 : i32, i32
  }
  func.func @transform_5(%arg0: i32) -> (i32, i32) {
    %c0_i32 = arith.constant 0 : i32
    %c0_i32_0 = arith.constant 0 : i32
    return %arg0, %c0_i32 : i32, i32
  }
  func.func @transform_6(%arg0: i32) -> (i32, i32) {
    %c0_i32 = arith.constant 0 : i32
    %c0_i32_0 = arith.constant 0 : i32
    return %arg0, %c0_i32 : i32, i32
  }
}

module attributes {stable_mosaic.version = 14 : i64} {
  func.func @_tc3_body(%arg0: i32, %arg1: memref<2x2048x16xf32, #tpu.memory_space<vmem>>, %arg2: memref<2048x16xf32, #tpu.memory_space<vmem>>, %arg3: memref<2048x1xf32, #tpu.memory_space<vmem>>, %arg4: memref<1x16xf32, #tpu.memory_space<vmem>>, %arg5: memref<1x1x2048xi32, #tpu.memory_space<vmem>>, %arg6: memref<64x16xf32, #tpu.memory_space<vmem>>, %arg7: memref<64x16xf32, #tpu.memory_space<vmem>>) attributes {dimension_semantics = [#tpu.dimension_semantics<arbitrary>], iteration_bounds = array<i64: 5>, scalar_prefetch = 0 : i64, scratch_operands = 1 : i64, tpu.core_type = #tpu.core_type<tc>, window_params = [{transform_indices = @transform_0, window_bounds = array<i64: 2, 2048, 16>}, {transform_indices = @transform_1, window_bounds = array<i64: 2048, 16>}, {transform_indices = @transform_2, window_bounds = array<i64: 2048, 1>}, {pipeline_mode = #tpu.pipeline_mode<synchronous>, transform_indices = @transform_3, window_bounds = array<i64: 1, 16>}, {transform_indices = @transform_4, window_bounds = array<i64: 1, 1, 2048>}, {pipeline_mode = #tpu.pipeline_mode<synchronous>, transform_indices = @transform_5, window_bounds = array<i64: 64, 16>}]} {
    %eq3A = arith.constant 0 : i32
    %eq3A_0 = arith.cmpi eq, %arg0, %eq3A : i32
    %convert_element_type3A = arith.extui %eq3A_0 : i1 to i32
    %cond3A = arith.constant 0 : i32
    %cond3A_1 = arith.cmpi ne, %convert_element_type3A, %cond3A : i32
    scf.if %cond3A_1 {
      %broadcast_in_dim3A_65 = arith.constant 0.000000e+00 : f32
      %broadcast_in_dim3A_66 = vector.broadcast %broadcast_in_dim3A_65 : f32 to vector<64x16xf32>
      %swap3A_67 = arith.constant 0 : index
      %swap3A_68 = arith.constant 0 : index
      %swap3A_69 = vector.load %arg7[%swap3A_67, %swap3A_68] : memref<64x16xf32, #tpu.memory_space<vmem>>, vector<64x16xf32>
      tpu.vector_store %arg7[%swap3A_67, %swap3A_68], %broadcast_in_dim3A_66 {strides = array<i32>} : memref<64x16xf32, #tpu.memory_space<vmem>>, vector<64x16xf32>,
    } else {
    }
    %get3A = arith.constant 0 : index
    %get3A_2 = arith.constant 0 : index
    %get3A_3 = vector.load %arg3[%get3A, %get3A_2] : memref<2048x1xf32, #tpu.memory_space<vmem>>, vector<2048x1xf32>
    %get3A_4 = arith.constant 0 : index
    %get3A_5 = arith.constant 0 : index
    %get3A_6 = arith.constant 0 : index
    %get3A_7 = vector.load %arg1[%get3A_4, %get3A_5, %get3A_6] : memref<2x2048x16xf32, #tpu.memory_space<vmem>>, vector<1x2048x16xf32>
    %get3A_8 = vector.shape_cast %get3A_7 : vector<1x2048x16xf32> to vector<2048x16xf32>
    %get3A_9 = arith.constant 1 : index
    %get3A_10 = arith.constant 0 : index
    %get3A_11 = arith.constant 0 : index
    %get3A_12 = vector.load %arg1[%get3A_9, %get3A_10, %get3A_11] : memref<2x2048x16xf32, #tpu.memory_space<vmem>>, vector<1x2048x16xf32>
    %get3A_13 = vector.shape_cast %get3A_12 : vector<1x2048x16xf32> to vector<2048x16xf32>
    %add3A = arith.addf %get3A_8, %get3A_13 : vector<2048x16xf32>
    %mul3A = vector.broadcast %get3A_3 : vector<2048x1xf32> to vector<2048x16xf32>
    %mul3A_14 = arith.mulf %mul3A, %add3A : vector<2048x16xf32>
    %mul3A_15 = arith.mulf %get3A_3, %get3A_3 : vector<2048x1xf32>
    %get3A_16 = arith.constant 0 : index
    %get3A_17 = arith.constant 0 : index
    %get3A_18 = vector.load %arg2[%get3A_16, %get3A_17] : memref<2048x16xf32, #tpu.memory_space<vmem>>, vector<2048x16xf32>
    %mul3A_19 = vector.broadcast %mul3A_15 : vector<2048x1xf32> to vector<2048x16xf32>
    %mul3A_20 = arith.mulf %mul3A_19, %get3A_18 : vector<2048x16xf32>
    %add3A_21 = arith.addf %mul3A_14, %mul3A_20 : vector<2048x16xf32>
    %get3A_22 = arith.constant 0 : index
    %get3A_23 = arith.constant 0 : index
    %get3A_24 = vector.load %arg4[%get3A_22, %get3A_23] : memref<1x16xf32, #tpu.memory_space<vmem>>, vector<1x16xf32>
    %add3A_25 = vector.broadcast %get3A_24 : vector<1x16xf32> to vector<2048x16xf32>
    %add3A_26 = arith.addf %add3A_21, %add3A_25 : vector<2048x16xf32>
    %iota3A = tpu.iota {dimensions = array<i32: 0>} : vector<2048x1xi32>
    %mul3A_27 = arith.constant 2048 : i32
    %mul3A_28 = arith.muli %arg0, %mul3A_27 : i32
    %add3A_29 = vector.broadcast %mul3A_28 : i32 to vector<2048x1xi32>
    %add3A_30 = arith.addi %iota3A, %add3A_29 : vector<2048x1xi32>
    %lt3A = arith.constant 10000 : i32
    %lt3A_31 = vector.broadcast %lt3A : i32 to vector<2048x1xi32>
    %lt3A_32 = arith.cmpi slt, %add3A_30, %lt3A_31 : vector<2048x1xi32>
    %convert_element_type3A_33 = arith.extui %lt3A_32 : vector<2048x1xi1> to vector<2048x1xi32>
    %convert_element_type3A_34 = arith.sitofp %convert_element_type3A_33 : vector<2048x1xi32> to vector<2048x1xf32>
    %mul3A_35 = vector.broadcast %convert_element_type3A_34 : vector<2048x1xf32> to vector<2048x16xf32>
    %mul3A_36 = arith.mulf %add3A_26, %mul3A_35 : vector<2048x16xf32>
    %iota3A_37 = tpu.iota {dimensions = array<i32: 1>} : vector<2048x16xi32>
    %eq3A_38 = arith.constant 15 : i32
    %eq3A_39 = vector.broadcast %eq3A_38 : i32 to vector<2048x16xi32>
    %eq3A_40 = arith.cmpi eq, %iota3A_37, %eq3A_39 : vector<2048x16xi32>
    %broadcast_in_dim3A = vector.shape_cast %convert_element_type3A_34 : vector<2048x1xf32> to vector<2048x1xf32>
    %broadcast_in_dim3A_41 = vector.broadcast %broadcast_in_dim3A : vector<2048x1xf32> to vector<2048x16xf32>
    %select_n3A = arith.select %eq3A_40, %broadcast_in_dim3A_41, %mul3A_36 : vector<2048x16xi1>, vector<2048x16xf32>
    %get3A_42 = arith.constant 0 : index
    %get3A_43 = arith.constant 0 : index
    %get3A_44 = arith.constant 0 : index
    %get3A_45 = vector.load %arg5[%get3A_42, %get3A_43, %get3A_44] : memref<1x1x2048xi32, #tpu.memory_space<vmem>>, vector<1x1x2048xi32>
    %get3A_46 = vector.shape_cast %get3A_45 : vector<1x1x2048xi32> to vector<2048xi32>
    %broadcast_in_dim3A_47 = vector.shape_cast %get3A_46 : vector<2048xi32> to vector<1x2048xi32>
    %iota3A_48 = tpu.iota {dimensions = array<i32: 0>} : vector<64x2048xi32>
    %eq3A_49 = vector.broadcast %broadcast_in_dim3A_47 : vector<1x2048xi32> to vector<64x2048xi32>
    %eq3A_50 = arith.cmpi eq, %eq3A_49, %iota3A_48 : vector<64x2048xi32>
    %convert_element_type3A_51 = arith.extui %eq3A_50 : vector<64x2048xi1> to vector<64x2048xi32>
    %convert_element_type3A_52 = arith.sitofp %convert_element_type3A_51 : vector<64x2048xi32> to vector<64x2048xf32>
    %get3A_53 = arith.constant 0 : index
    %get3A_54 = arith.constant 0 : index
    %get3A_55 = vector.load %arg7[%get3A_53, %get3A_54] : memref<64x16xf32, #tpu.memory_space<vmem>>, vector<64x16xf32>
    %dot_general3A = arith.constant dense<0.000000e+00> : vector<64x16xf32>
    %dot_general3A_56 = tpu.matmul %convert_element_type3A_52, %select_n3A, %dot_general3A {dimension_numbers = #tpu.dot_dimension_numbers<[1], [0], [0], [1], [0, 0, 1, 1], [], []>, transpose_lhs_hint = false} : vector<64x2048xf32>, vector<2048x16xf32>, vector<64x16xf32> -> vector<64x16xf32>
    %add3A_57 = arith.addf %get3A_55, %dot_general3A_56 : vector<64x16xf32>
    %swap3A = arith.constant 0 : index
    %swap3A_58 = arith.constant 0 : index
    %swap3A_59 = vector.load %arg7[%swap3A, %swap3A_58] : memref<64x16xf32, #tpu.memory_space<vmem>>, vector<64x16xf32>
    tpu.vector_store %arg7[%swap3A, %swap3A_58], %add3A_57 {strides = array<i32>} : memref<64x16xf32, #tpu.memory_space<vmem>>, vector<64x16xf32>,
    %eq3A_60 = arith.constant 4 : i32
    %eq3A_61 = arith.cmpi eq, %arg0, %eq3A_60 : i32
    %convert_element_type3A_62 = arith.extui %eq3A_61 : i1 to i32
    %cond3A_63 = arith.constant 0 : i32
    %cond3A_64 = arith.cmpi ne, %convert_element_type3A_62, %cond3A_63 : i32
    scf.if %cond3A_64 {
      %get3A_65 = arith.constant 0 : index
      %get3A_66 = arith.constant 0 : index
      %get3A_67 = vector.load %arg7[%get3A_65, %get3A_66] : memref<64x16xf32, #tpu.memory_space<vmem>>, vector<64x16xf32>
      %slice3A = vector.extract_strided_slice %get3A_67 {offsets = [0, 15], sizes = [64, 1], strides = [1, 1]} : vector<64x16xf32> to vector<64x1xf32>
      %max3A = arith.constant 1.000000e+00 : f32
      %max3A_68 = vector.broadcast %max3A : f32 to vector<64x1xf32>
      %max3A_69 = arith.maximumf %slice3A, %max3A_68 : vector<64x1xf32>
      %div3A = vector.broadcast %max3A_69 : vector<64x1xf32> to vector<64x16xf32>
      %div3A_70 = arith.divf %get3A_67, %div3A : vector<64x16xf32>
      %logistic3A = arith.negf %div3A_70 : vector<64x16xf32>
      %logistic3A_71 = math.exp %logistic3A : vector<64x16xf32>
      %logistic3A_72 = arith.constant 1.000000e+00 : f32
      %logistic3A_73 = vector.broadcast %logistic3A_72 : f32 to vector<64x16xf32>
      %logistic3A_74 = arith.addf %logistic3A_73, %logistic3A_71 : vector<64x16xf32>
      %logistic3A_75 = arith.divf %logistic3A_73, %logistic3A_74 : vector<64x16xf32>
      %swap3A_76 = arith.constant 0 : index
      %swap3A_77 = arith.constant 0 : index
      %swap3A_78 = vector.load %arg6[%swap3A_76, %swap3A_77] : memref<64x16xf32, #tpu.memory_space<vmem>>, vector<64x16xf32>
      tpu.vector_store %arg6[%swap3A_76, %swap3A_77], %logistic3A_75 {strides = array<i32>} : memref<64x16xf32, #tpu.memory_space<vmem>>, vector<64x16xf32>,
    } else {
    }
    return
  }
  func.func @transform_0(%arg0: i32) -> (i32, i32, i32) {
    %c0_i32 = arith.constant 0 : i32
    %c0_i32_0 = arith.constant 0 : i32
    %c0_i32_1 = arith.constant 0 : i32
    return %c0_i32, %arg0, %c0_i32_0 : i32, i32, i32
  }
  func.func @transform_1(%arg0: i32) -> (i32, i32) {
    %c0_i32 = arith.constant 0 : i32
    %c0_i32_0 = arith.constant 0 : i32
    return %arg0, %c0_i32 : i32, i32
  }
  func.func @transform_2(%arg0: i32) -> (i32, i32) {
    %c0_i32 = arith.constant 0 : i32
    %c0_i32_0 = arith.constant 0 : i32
    return %arg0, %c0_i32 : i32, i32
  }
  func.func @transform_3(%arg0: i32) -> (i32, i32) {
    %c0_i32 = arith.constant 0 : i32
    %c0_i32_0 = arith.constant 0 : i32
    %c0_i32_1 = arith.constant 0 : i32
    return %c0_i32, %c0_i32_0 : i32, i32
  }
  func.func @transform_4(%arg0: i32) -> (i32, i32, i32) {
    %c0_i32 = arith.constant 0 : i32
    %c0_i32_0 = arith.constant 0 : i32
    %c0_i32_1 = arith.constant 0 : i32
    return %arg0, %c0_i32, %c0_i32_0 : i32, i32, i32
  }
  func.func @transform_5(%arg0: i32) -> (i32, i32) {
    %c0_i32 = arith.constant 0 : i32
    %c0_i32_0 = arith.constant 0 : i32
    %c0_i32_1 = arith.constant 0 : i32
    return %c0_i32, %c0_i32_0 : i32, i32
  }
}

</mosaic_0001>

<sc_bundles>
// kernel: kernel.12.cloned.1.call-start
scs
__scs_entry_jumppad:
0x0: {  	(pc) =	sbr.rel $0x88, $3  }
0x1: {  	(tag) =	ssettag $0x0;
	lr =	simm.s32 $0x1  }
0x2: {  	[smem:$0x3F9A] =	sst lr;
	_ =	strace $0xD0000000  }
0x3: {  	_ = 	snop  }
0x4: {  	_ = 	snop  }
0x5: {  	_ = 	snop  }
0x6: {  	_ = 	snop  }
0x7: {  	_ = 	snop  }
__scs_overlays_trampoline_lowered:
0x8: {  	[smem:$0x3FA9] =	sst s0  }
0x9: {  	[smem:$0x3FAA] =	sst s1  }
0xa: {  	[smem:$0x3FAB] =	sst s2  }
0xb: {  	[smem:$0x3FAC] =	sst s3  }
0xc: {  	[smem:$0x3FAD] =	sst s4  }
0xd: {  	[smem:$0x3FAE] =	sst s5  }
0xe: {  	[smem:$0x3FAF] =	sst s6  }
0xf: {  	[smem:$0x3FB0] =	sst s7  }
0x10: {  	[smem:$0x3FB1] =	sst s8  }
0x11: {  	[smem:$0x3FB2] =	sst s9;
	s0 =	simm.s32 @!p0 $0x0  }
0x12: {  	s1 =	sld [smem:$0x3F98];
	s0 =	simm.s32 @p0 $0x1  }
0x13: {  	[smem:$0x3FB3] =	sst s0;
	s0 =	simm.s32 @!p1 $0x0  }
0x14: {  	s2 =	sld [smem:$0x3F97];
	s0 =	simm.s32 @p1 $0x1  }
0x15: {  	[smem:$0x3FB4] =	sst s0;
	s0 =	simm.s32 @!p2 $0x0  }
0x16: {  	s3 =	sld [smem:$0x3FDB];
	s0 =	simm.s32 @p2 $0x1  }
0x17: {  	s4 =	simm.s32 $0x1BF5;
	[smem:$0x3FB6] =	sst s0  }
0x18: {  	s0 =	sld [smem:$0x3F99];
	_ =	swait.ge [sflag:s4], $0x0  }
0x19: {  	s7 =	sld [smem:$0x3F9A]  }
0x1a: {  	s8 =	sadd.s32 $0xFFFFE003, lr  }
0x1b: {  	s9 =	sadd.s32 $0xFFFFFEF7, lr;
	s5 =	simm.s32 $0xFFFFFFFF;
	p2 =	slt.u32 s8, $0xFFFFF086  }
0x1c: {  	p1 =	slt.u32 s9, $0xF7A;
	s5 =	simm.s32 @!p2 $0x0  }
0x1d: {  	s5 =	simm.s32 @p1 $0x1;
	p0 =	seq.s32 s7, s2  }
0x1e: {  	s7 =	smul.u32 @!p0 $0xF7A, s2;
	p2 =	seq.s32 @!p0 s5, $0x0  }
0x1f: {  	s9 =	smul.u32 $0xF7A, s1;
	s8 =	simm.s32 @!p0 $0x1BF5;
	p2 =	por !p2, p0  }
0x20: {  	[sflag:s8] =	ssyncset.s32 @!p0 $0xFFFFF086;
	s6 =	sadd.s32 @!p0 s3, s7;
	s7 =	simm.s32 @!p0 $0x108  }
0x21: {  	s3 =	sadd.s32 s3, s9;
	s6 =	sadd.s32 @!p0 $0x88, s6;
	s7 =	simm.s32 @p2 $0x1082  }
0x22: {  	[simem:s7], [sflag:s8] =	dma.local @!p0 [hbm:s6], $0xF7A  }
0x23: {  	s9 =	sor.u32 $0xD0000000, s2;
	s6 =	simm.s32 $0x108;
	_ =	swait.ge @!p0 [sflag:s8], $0x0  }
0x24: {  	s3 =	sadd.s32 $0x88, s3;
	s6 =	simm.s32 @!p1 $0x1082;
	[sflag:s4] =	ssyncset.s32 $0xFFFFF086  }
0x25: {  	[simem:s6], [sflag:s4] =	dma.local [hbm:s3], $0xF7A  }
0x26: {  	[smem:$0x3F9A] =	sst s1;
	(tag) =	ssettag s2;
	_ =	strace s9  }
0x27: {  	s1 =	sld [smem:$0x3FAA]  }
0x28: {  	s2 =	sld [smem:$0x3FAB]  }
0x29: {  	s4 =	sld [smem:$0x3FAD]  }
0x2a: {  	p0 =	seq.s32 s5, $0x0;
	s5 =	sld [smem:$0x3FAE]  }
0x2b: {  	s6 =	sld [smem:$0x3FAF]  }
0x2c: {  	s7 =	sld [smem:$0x3FB0]  }
0x2d: {  	s3 =	simm.s32 $0x108;
	s8 =	sld [smem:$0x3FB1]  }
0x2e: {  	s3 =	simm.s32 @!p0 $0x1082;
	s9 =	sld [smem:$0x3FB2]  }
0x2f: {  	lr =	sadd.s32 s0, s3;
	s0 =	sld [smem:$0x3FA9]  }
0x30: {  	s3 =	sld [smem:$0x3FAC]  }
0x31: {  	[smem:$0x3FB5] =	sst s10  }
0x32: {  	s10 =	sld [smem:$0x3FB3];
	_ =	sdelay $0x3  }
0x33: {  	p0 =	seq.s32 s10, $0x1;
	s10 =	sld [smem:$0x3FB5];
	_ =	sdelay $0x3  }
0x34: {  	[smem:$0x3FB5] =	sst s10  }
0x35: {  	s10 =	sld [smem:$0x3FB4];
	_ =	sdelay $0x3  }
0x36: {  	p1 =	seq.s32 s10, $0x1;
	s10 =	sld [smem:$0x3FB5];
	_ =	sdelay $0x3  }
0x37: {  	[smem:$0x3FB5] =	sst s10  }
0x38: {  	s10 =	sld [smem:$0x3FB6]  }
0x39: {  	_ = 	snop;
	(pc) =	sbr.ind lr, $3  }
0x3a: {  	_ = 	snop  }
0x3b: {  	_ = 	snop  }
0x3c: {  	p2 =	seq.s32 s10, $0x1;
	s10 =	sld [smem:$0x3FB5]  }
0x3d: {  	_ =	shalt  }
0x3e: {  	_ =	shalt  }
0x3f: {  	_ =	shalt  }
0x40: {  	_ =	shalt  }
0x41: {  	_ =	shalt  }
0x42: {  	_ =	shalt  }
0x43: {  	_ =	shalt  }
0x44: {  	_ =	shalt  }
0x45: {  	_ =	shalt  }
0x46: {  	_ =	shalt  }
0x47: {  	_ =	shalt  }
0x48: {  	_ =	shalt  }
0x49: {  	_ =	shalt  }
0x4a: {  	_ =	shalt  }
0x4b: {  	_ =	shalt  }
0x4c: {  	_ =	shalt  }
0x4d: {  	_ =	shalt  }
0x4e: {  	_ =	shalt  }
0x4f: {  	_ =	shalt  }
0x50: {  	_ =	shalt  }
0x51: {  	_ =	shalt  }
0x52: {  	_ =	shalt  }
0x53: {  	_ =	shalt  }
0x54: {  	_ =	shalt  }
0x55: {  	_ =	shalt  }
0x56: {  	_ =	shalt  }
0x57: {  	_ =	shalt  }
0x58: {  	_ =	shalt  }
0x59: {  	_ =	shalt  }
0x5a: {  	_ =	shalt  }
0x5b: {  	_ =	shalt  }
0x5c: {  	_ =	shalt  }
0x5d: {  	_ =	shalt  }
0x5e: {  	_ =	shalt  }
0x5f: {  	_ =	shalt  }
0x60: {  	_ =	shalt  }
0x61: {  	_ =	shalt  }
0x62: {  	_ =	shalt  }
0x63: {  	_ =	shalt  }
0x64: {  	_ =	shalt  }
0x65: {  	_ =	shalt  }
0x66: {  	_ =	shalt  }
0x67: {  	_ =	shalt  }
0x68: {  	_ =	shalt  }
0x69: {  	_ =	shalt  }
0x6a: {  	_ =	shalt  }
0x6b: {  	_ =	shalt  }
0x6c: {  	_ =	shalt  }
0x6d: {  	_ =	shalt  }
0x6e: {  	_ =	shalt  }
0x6f: {  	_ =	shalt  }
0x70: {  	_ =	shalt  }
0x71: {  	_ =	shalt  }
0x72: {  	_ =	shalt  }
0x73: {  	_ =	shalt  }
0x74: {  	_ =	shalt  }
0x75: {  	_ =	shalt  }
0x76: {  	_ =	shalt  }
0x77: {  	_ =	shalt  }
0x78: {  	_ =	shalt  }
0x79: {  	_ =	shalt  }
0x7a: {  	_ =	shalt  }
0x7b: {  	_ =	shalt  }
0x7c: {  	_ =	shalt  }
0x7d: {  	_ =	shalt  }
0x7e: {  	_ =	shalt  }
0x7f: {  	_ =	shalt  }
0x80: {  	_ =	shalt  }
0x81: {  	_ =	shalt  }
0x82: {  	_ =	shalt  }
0x83: {  	_ =	shalt  }
0x84: {  	_ =	shalt  }
0x85: {  	_ =	shalt  }
0x86: {  	_ =	shalt  }
0x87: {  	_ =	shalt  }
.Lfunc_end0:
.L_simem_size_0:
called_computation.1_lowered:
.L_overlay_start_0:
0x88: {  	s2 =	sld [smem:$0x3FD9]  }
0x89: {  	s3 =	sld [smem:$0x3FFE];
	_ =	sdelay $0x1  }
0x8a: {  	s1 =	srdreg.scid  }
0x8b: {  	s0 =	sand.u32 $0x1, s1  }
0x8c: {  	s16 =	sshll.u32 s0, $0xA;
	s2 =	sadd.s32 s3, s2  }
0x8d: {  	s2 =	sadd.s32 s2, s16  }
0x8e: {  	[smem:$0x3FC1] =	sst s2  }
0x8f: {  	_ = 	snop  }
0x90: {  	(tm) =	ssettm $0x1  }
0x91: {  	s17 =	sld [smem:$0x3FFB];
	_ =	sdelay $0x3  }
0x92: {  	_ =	strace s17  }
0x93: {  	s2 =	sld [smem:$0x3FFC];
	_ =	sdelay $0x3  }
0x94: {  	_ =	strace s2  }
0x95: {  	s2 =	sld [smem:$0x3FFD];
	_ =	sdelay $0x3  }
0x96: {  	_ =	strace s2  }
0x97: {  	_ =	strace $0x8FFFFFFF  }
0x98: {  	s18 =	sld [smem:$0x3FDB];
	_ =	sdelay $0x1  }
0x99: {  	s19 =	simm.s32 $_scs_section_size  }
0x9a: {  	s4 =	simm.s32 $_size__tile_overlayer_lowered;
	s5 =	simm.s32 $_tile_overlayer_lowered  }
0x9b: {  	s22 =	simm.s32 $0x1BFF;
	s21 =	sshll.u32 s5, $0x1;
	s2 =	sadd.s32 s19, s18  }
0x9c: {  	s6 =	simm.s32 $0x0;
	s20 =	sshll.u32 s4, $0x1;
	s4 =	sadd.s32 s21, s2  }
0x9d: {  	[timem:s6], [sflag:s22] =	dma.local [hbm:s4], s20  }
0x9e: {  	_ =	swait.ge [sflag:s22], s20  }
0x9f: {  	s3 =	ssub.s32 $0x0, s20;
	[sflag:s22] =	ssyncset.done $0x0  }
0xa0: {  	[sflag:s22] =	ssyncadd.s32 s3;
	_ =	sdelay $0x1  }
0xa1: {  	s23 =	simm.s32 $0x1B8B  }
0xa2: {  	_ =	swait.ge [sflag:s23], $0x1  }
0xa3: {  	[sflag:s23] =	ssyncset.done $0x0  }
0xa4: {  	s25 =	simm.s32 $0x1B8E;
	s24 =	sld [smem:$0x3FFE];
	[sflag:s23] =	ssyncadd.s32 $0xFFFFFFFF  }
0xa5: {  	s26 =	simm.s32 $execute0_lowered;
	[smem:$0x3FD2] =	sst s25  }
0xa6: {  	s4 =	sshll.u32 s26, $0x1;
	_ =	strace $0x80000049;
	[dreg:$0x1] =	wrdreg $0xFFFFFFFF  }
0xa7: {  	s28 =	simm.s32 $_size_execute0_lowered;
	s2 =	sadd.s32 s2, s4;
	[dreg:$0x0] =	wrdreg $0x0  }
0xa8: {  	s4 =	sshll.u32 s28, $0x1;
	[dreg:$0x2] =	wrdreg s2  }
0xa9: {  	[dreg:$0x3] =	wrdreg s4  }
0xaa: {  	[dreg:$0x4] =	wrdreg $0xC0  }
0xab: {  	_ =	task [dreg:s6], $0x5FFFF  }
0xac: {  	[dreg:$0x1] =	wrdreg $0xFFFFFFFF  }
0xad: {  	[dreg:$0x0] =	wrdreg $0x60  }
0xae: {  	[dreg:$0x2] =	wrdreg s24  }
0xaf: {  	[dreg:$0x3] =	wrdreg $0xD0000  }
0xb0: {  	[dreg:$0x4] =	wrdreg $0x9  }
0xb1: {  	_ =	task.clear_ibuf [dreg:s6], $0x5FFFF;
	_ =	strace $0x90000049  }
0xb2: {  	s29 =	simm.s32 $0x9;
	_ =	strace $0x8000004B  }
0xb3: {  	_ =	swait.ge [sflag:s29], $0x1  }
0xb4: {  	[sflag:s29] =	ssyncadd.s32 $0xFFFFFFFF  }
0xb5: {  	_ =	strace $0x9000004B  }
0xb6: {  	_ =	sfence  }
0xb7: {  	s30 =	sld [smem:$0x0];
	_ =	sdelay $0x2  }
0xb8: {  	s31 =	sshll.u32 s1, $0xD;
	s1 =	sshrl.u32 s1, $0x2  }
0xb9: {  	s3 =	sand.u32 $0x4000, s31;
	s1 =	sadd.s32 s1, s30  }
0xba: {  	s0 =	sor.u32 s3, s0;
	s1 =	sshll.u32 s1, $0x11  }
0xbb: {  	s0 =	sor.u32 s1, s0  }
0xbc: {  	s0 =	sadd.s32 $0x8F2B, s0  }
0xbd: {  	[sflag:s0] =	ssyncadd.remote.s32 $0x1  }
0xbe: {  	_ =	sfence.sel $0xFFFF  }
0xbf: {  	[dreg:$0x0] =	wrdreg $0xFFFFFFFF;
	(pc) =	sbr.abs _section_cstart, $3  }
0xc0: {  	[dreg:$0x1] =	wrdreg $0xFFFFFFFF  }
0xc1: {  	_ =	task.clear_ibuf [dreg:s6], $0x2FFFF;
	_ =	strace $0x9FFFFFFF  }
0xc2: {  	(tm) =	ssettm $0x7FFFFFFF  }
0xc3: {  	_ =	shalt  }
tec
execute0_lowered:
.L_overlay_start_1:
0x0: {  	(tag) =	ssettag $0x1  }
0x1: {  	s3 =	rddreg [dreg:$0x0]  }
0x2: {  	s2 =	rddreg [dreg:$0x1];
	s30 =	simm.s32 $0x0  }
0x3: {  	[smem:$0x7FF] =	sst s30;
	s6 =	sadd.s32 $0x7200, s3  }
0x4: {  	s14 =	simm.s32 $0x400;
	_ =	strace $0x8000004A;
	[dreg:$0x3] =	wrdreg s6  }
0x5: {  	s0 =	srdreg.scid;
	s15 =	simm.s32 $0x600;
	[dreg:$0x7] =	wrdreg s14  }
0x6: {  	s20 =	stileid.u32;
	s16 =	simm.s32 $0x2A00;
	[dreg:$0x8] =	wrdreg s15  }
0x7: {  	s17 =	simm.s32 $0x2C00;
	s18 =	simm.s32 $0x2E00;
	[dreg:$0x9] =	wrdreg s16  }
0x8: {  	s19 =	simm.s32 $0x800;
	s21 =	simm.s32 $0xA00;
	[dreg:$0xa] =	wrdreg s17  }
0x9: {  	s23 =	simm.s32 $0xC00;
	s24 =	simm.s32 $0xE00;
	[dreg:$0xb] =	wrdreg s18  }
0xa: {  	s25 =	simm.s32 $0x3000;
	s7 =	simm.s32 $0x3400;
	[dreg:$0xc] =	wrdreg s19  }
0xb: {  	s8 =	simm.s32 $0x3600;
	s9 =	simm.s32 $0x1000;
	[dreg:$0xd] =	wrdreg s21  }
0xc: {  	s10 =	simm.s32 $0x1200;
	s31 =	simm.s32 $0x2800;
	[dreg:$0xe] =	wrdreg s23  }
0xd: {  	s11 =	simm.s32 $0x1400;
	s29 =	simm.s32 $0x2000;
	[dreg:$0xf] =	wrdreg s24  }
0xe: {  	p0 =	por $0x0, $0x0;
	s28 =	simm.s32 $0x2400;
	[dreg:$0x10] =	wrdreg s25  }
0xf: {  	s0 =	sand.u32 $0x1, s0;
	s4 =	smul.u32 $0x2800, s20;
	[dreg:$0x12] =	wrdreg s7  }
0x10: {  	s26 =	sshll.u32 s20, $0x6;
	s1 =	sshll.u32 s0, $0x4;
	[dreg:$0x13] =	wrdreg s8  }
0x11: {  	s5 =	smul.u32 $0x28000, s0;
	s6 =	sadd.s32 $0x2200, s3;
	[dreg:$0x14] =	wrdreg s9  }
0x12: {  	s0 =	ssub.s32 $0x2, s0;
	[dreg:$0x15] =	wrdreg s10;
	s7 =	simm.s32 $0x200  }
0x13: {  	[dreg:$0x16] =	wrdreg s11;
	s11 =	simm.s32 $0x5000;
	s10 =	simm.s32 $0x7000  }
0x14: {  	s14 =	simm.s32 $0x3A00;
	s9 =	simm.s32 $0x9000;
	s15 =	simm.s32 $0x3C00  }
0x15: {  	s8 =	simm.s32 $0xB000;
	s16 =	simm.s32 $0x3E00;
	[dreg:$0x19] =	wrdreg s14  }
0x16: {  	s19 =	simm.s32 $0x1;
	s17 =	simm.s32 $0x1800;
	[dreg:$0x1a] =	wrdreg s15  }
0x17: {  	s18 =	simm.s32 $0x2;
	s21 =	simm.s32 $0x1A00;
	[dreg:$0x1b] =	wrdreg s16  }
0x18: {  	s23 =	simm.s32 $0x1E00;
	s24 =	simm.s32 $0x4000;
	[dreg:$0x1c] =	wrdreg s17  }
0x19: {  	s25 =	simm.s32 $0x4200;
	s1 =	sor.u32 s20, s1;
	[dreg:$0x1d] =	wrdreg s21  }
0x1a: {  	s22 =	sshrl.u32 s0, $0x1;
	s17 =	simm.s32 $0x3;
	[dreg:$0x1f] =	wrdreg s23  }
0x1b: {  	s16 =	simm.s32 $0x4;
	[smem:$0x7FB] =	sst s24;
	s14 =	simm.s32 $0x7  }
0x1c: {  	[smem:$0x7FC] =	sst s25;
	s15 =	simm.s32 $0x8;
	s25 =	simm.s32 $0x2600  }
0x1d: {  	s24 =	simm.s32 $0x4800;
	s23 =	simm.s32 $0x4A00;
	s21 =	simm.s32 $0x4E00  }
0x1e: {  	s1 =	smul.u32 $0x2800, s1;
	s5 =	sadd.s32 s4, s5;
	s0 =	ssub.s32 s0, s22  }
0x1f: {  	s4 =	sadd.s32 s4, s2;
	s22 =	simm.s32 $0x1C00;
	s5 =	sshrl.u32 s5, $0x3  }
0x20: {  	s0 =	smax.u32 s0, $0x1;
	s4 =	sshrl.u32 s4, $0x3;
	s5 =	sadd.s32 s5, s3  }
0x21: {  	[dreg:$0x1e] =	wrdreg s22;
	s1 =	sshrl.u32 s1, $0x3;
	s13 =	sadd.s32 $0x7800, s5  }
0x22: {  	s1 =	sadd.s32 s1, s3;
	s5 =	simm.s32 $0x3200;
	[dreg:$0x6] =	wrdreg s13  }
0x23: {  	s3 =	sor.u32 $0x1C09, s26;
	s26 =	simm.s32 $0x4400;
	[dreg:$0x11] =	wrdreg s5  }
0x24: {  	p1 =	sne.s32 s0, $0x1;
	s12 =	sadd.s32 $0x16600, s1;
	[smem:$0x7FD] =	sst s26  }
.Ltmp0:
0x25: {  	s1 =	sadd.s32 $0x20600, s1;
	[dreg:$0x4] =	wrdreg s12;
	(pc) =	sbr.rel @!p1 .LBB2_1-.Ltmp0, $4  }
0x26: {  	s22 =	simm.s32 $0x4C00;
	s13 =	simm.s32 $0x3800;
	[dreg:$0x5] =	wrdreg s1  }
0x27: {  	s5 =	simm.s32 $0x9;
	s26 =	simm.s32 $0x4600;
	[dreg:$0x18] =	wrdreg s13  }
0x28: {  	s12 =	simm.s32 $0x1600;
	s1 =	sadd.s32 $0xFFFFFFFF, s0;
	s0 =	rddreg [dreg:$0x3]  }
0x29: {  	s13 =	simm.s32 $0x6;
	[dreg:$0x17] =	wrdreg s12;
	s12 =	simm.s32 $0x5  }
0x2a: {  	[spmem:s4], [sflag:s3] =	dma.local [hbm:s0], $0x500  }
0x2b: {  	_ =	swait.ge [sflag:s5], $0x500  }
0x2c: {  	[sflag:s5] =	ssyncset.done $0x0  }
0x2d: {  	s20 =	rddreg [dreg:$0x4];
	[sflag:s5] =	ssyncadd.s32 $0xFFFFFB00  }
0x2e: {  	[tilespmem:s30], [sflag:$0x9] =	stream.linear.gather [hbm4b:s20+s30], $0x2800, $0x38;
	[tilespmem:$0xF800] =	vst v63  }
0x2f: {  	_ =	swait.ge [sflag:s5], $0x2800  }
0x30: {  	[sflag:s5] =	ssyncset.done $0x0  }
0x31: {  	s20 =	rddreg [dreg:$0x5];
	[sflag:s5] =	ssyncadd.s32 $0xFFFFD800  }
0x32: {  	[tilespmem:s31], [sflag:$0x9] =	stream.linear.gather [hbm4b:s20+s30], $0x2800, $0x38;
	[tilespmem:$0xF800] =	vst v63  }
0x33: {  	_ =	swait.ge [sflag:s5], $0x2800  }
0x34: {  	[sflag:s5] =	ssyncset.done $0x0  }
0x35: {  	[sflag:s5] =	ssyncadd.s32 $0xFFFFD800  }
0x36: {  	[bflag:$0x0] =	sbarrier.arrive $0xFFFF  }
0x37: {  	[tilespmem:s11], [sflag:$0x1] =	stream.indirect.gather [hbm4b:s6+s7], $0x10, s30, s7, $0xb8;
	[tilespmem:$0xF800] =	vst v63  }
0x38: {  	_ = 	snop  }
0x39: {  	[tilespmem:s10], [sflag:$0x2] =	stream.indirect.gather [hbm4b:s6+s7], $0x10, s7, s7, $0xb8;
	[tilespmem:$0xF800] =	vst v63  }
0x3a: {  	s0 =	rddreg [dreg:$0x7]  }
0x3b: {  	[tilespmem:s9], [sflag:$0x3] =	stream.indirect.gather [hbm4b:s6+s7], $0x10, s0, s7, $0xb8;
	[tilespmem:$0xF800] =	vst v63  }
0x3c: {  	s20 =	smov.u32 s1;
	s1 =	rddreg [dreg:$0x8]  }
0x3d: {  	[tilespmem:s8], [sflag:$0x4] =	stream.indirect.gather [hbm4b:s6+s7], $0x10, s1, s7, $0xb8;
	[tilespmem:$0xF800] =	vst v63  }
0x3e: {  	_ =	swait.ge [sflag:s19], $0x2000  }
0x3f: {  	[sflag:s19] =	ssyncset.done $0x0  }
0x40: {  	[sflag:s19] =	ssyncadd.s32 $0xFFFFE000  }
0x41: {  	[spmem:s2] =	stream.indirect.scatter.add.f32 [tilespmem:s11], [sflag:$0x5], $0x10, s31, s7, $0xb8;
	[tilespmem:$0xF800] =	vst v63  }
0x42: {  	_ =	swait.ge [sflag:s18], $0x2000  }
0x43: {  	[sflag:s18] =	ssyncset.done $0x0  }
0x44: {  	s1 =	rddreg [dreg:$0x9];
	[sflag:s18] =	ssyncadd.s32 $0xFFFFE000  }
0x45: {  	[spmem:s2] =	stream.indirect.scatter.add.f32 [tilespmem:s10], [sflag:$0x6], $0x10, s1, s7, $0xb8;
	[tilespmem:$0xF800] =	vst v63  }
0x46: {  	_ =	swait.ge [sflag:s17], $0x2000  }
0x47: {  	[sflag:s17] =	ssyncset.done $0x0  }
0x48: {  	s1 =	rddreg [dreg:$0xa];
	[sflag:s17] =	ssyncadd.s32 $0xFFFFE000  }
0x49: {  	[spmem:s2] =	stream.indirect.scatter.add.f32 [tilespmem:s9], [sflag:$0x7], $0x10, s1, s7, $0xb8;
	[tilespmem:$0xF800] =	vst v63  }
0x4a: {  	_ =	swait.ge [sflag:s16], $0x2000  }
0x4b: {  	[sflag:s16] =	ssyncset.done $0x0  }
0x4c: {  	s1 =	rddreg [dreg:$0xb];
	[sflag:s16] =	ssyncadd.s32 $0xFFFFE000  }
0x4d: {  	[spmem:s2] =	stream.indirect.scatter.add.f32 [tilespmem:s8], [sflag:$0x8], $0x10, s1, s7, $0xb8;
	[tilespmem:$0xF800] =	vst v63  }
0x4e: {  	_ =	swait.ge [sflag:s12], $0x2000  }
0x4f: {  	[sflag:s12] =	ssyncset.done $0x0  }
0x50: {  	s1 =	rddreg [dreg:$0xc];
	[sflag:s12] =	ssyncadd.s32 $0xFFFFE000  }
0x51: {  	[tilespmem:s11], [sflag:$0x1] =	stream.indirect.gather [hbm4b:s6+s7], $0x10, s1, s7, $0xb8;
	[tilespmem:$0xF800] =	vst v63  }
0x52: {  	_ =	swait.ge [sflag:s13], $0x2000  }
0x53: {  	[sflag:s13] =	ssyncset.done $0x0  }
0x54: {  	s1 =	rddreg [dreg:$0xd];
	[sflag:s13] =	ssyncadd.s32 $0xFFFFE000  }
0x55: {  	[tilespmem:s10], [sflag:$0x2] =	stream.indirect.gather [hbm4b:s6+s7], $0x10, s1, s7, $0xb8;
	[tilespmem:$0xF800] =	vst v63  }
0x56: {  	_ =	swait.ge [sflag:s14], $0x2000  }
0x57: {  	[sflag:s14] =	ssyncset.done $0x0  }
0x58: {  	s1 =	rddreg [dreg:$0xe];
	[sflag:s14] =	ssyncadd.s32 $0xFFFFE000  }
0x59: {  	[tilespmem:s9], [sflag:$0x3] =	stream.indirect.gather [hbm4b:s6+s7], $0x10, s1, s7, $0xb8;
	[tilespmem:$0xF800] =	vst v63  }
0x5a: {  	_ =	swait.ge [sflag:s15], $0x2000  }
0x5b: {  	[sflag:s15] =	ssyncset.done $0x0  }
0x5c: {  	s1 =	rddreg [dreg:$0xf];
	[sflag:s15] =	ssyncadd.s32 $0xFFFFE000  }
0x5d: {  	[tilespmem:s8], [sflag:$0x4] =	stream.indirect.gather [hbm4b:s6+s7], $0x10, s1, s7, $0xb8;
	[tilespmem:$0xF800] =	vst v63  }
0x5e: {  	_ =	swait.ge [sflag:s19], $0x2000  }
0x5f: {  	[sflag:s19] =	ssyncset.done $0x0  }
0x60: {  	s1 =	rddreg [dreg:$0x10];
	[sflag:s19] =	ssyncadd.s32 $0xFFFFE000  }
0x61: {  	[spmem:s2] =	stream.indirect.scatter.add.f32 [tilespmem:s11], [sflag:$0x5], $0x10, s1, s7, $0xb8;
	[tilespmem:$0xF800] =	vst v63  }
0x62: {  	_ =	swait.ge [sflag:s18], $0x2000  }
0x63: {  	[sflag:s18] =	ssyncset.done $0x0  }
0x64: {  	s1 =	rddreg [dreg:$0x11];
	[sflag:s18] =	ssyncadd.s32 $0xFFFFE000  }
0x65: {  	[spmem:s2] =	stream.indirect.scatter.add.f32 [tilespmem:s10], [sflag:$0x6], $0x10, s1, s7, $0xb8;
	[tilespmem:$0xF800] =	vst v63  }
0x66: {  	_ =	swait.ge [sflag:s17], $0x2000  }
0x67: {  	[sflag:s17] =	ssyncset.done $0x0  }
0x68: {  	s1 =	rddreg [dreg:$0x12];
	[sflag:s17] =	ssyncadd.s32 $0xFFFFE000  }
0x69: {  	[spmem:s2] =	stream.indirect.scatter.add.f32 [tilespmem:s9], [sflag:$0x7], $0x10, s1, s7, $0xb8;
	[tilespmem:$0xF800] =	vst v63  }
0x6a: {  	_ =	swait.ge [sflag:s16], $0x2000  }
0x6b: {  	[sflag:s16] =	ssyncset.done $0x0  }
0x6c: {  	s1 =	rddreg [dreg:$0x13];
	[sflag:s16] =	ssyncadd.s32 $0xFFFFE000  }
0x6d: {  	[spmem:s2] =	stream.indirect.scatter.add.f32 [tilespmem:s8], [sflag:$0x8], $0x10, s1, s7, $0xb8;
	[tilespmem:$0xF800] =	vst v63  }
0x6e: {  	_ =	swait.ge [sflag:s12], $0x2000  }
0x6f: {  	[sflag:s12] =	ssyncset.done $0x0  }
0x70: {  	s1 =	rddreg [dreg:$0x14];
	[sflag:s12] =	ssyncadd.s32 $0xFFFFE000  }
0x71: {  	[tilespmem:s11], [sflag:$0x1] =	stream.indirect.gather [hbm4b:s6+s7], $0x10, s1, s7, $0xb8;
	[tilespmem:$0xF800] =	vst v63  }
0x72: {  	_ =	swait.ge [sflag:s13], $0x2000  }
0x73: {  	[sflag:s13] =	ssyncset.done $0x0  }
0x74: {  	s1 =	rddreg [dreg:$0x15];
	[sflag:s13] =	ssyncadd.s32 $0xFFFFE000  }
0x75: {  	[tilespmem:s10], [sflag:$0x2] =	stream.indirect.gather [hbm4b:s6+s7], $0x10, s1, s7, $0xb8;
	[tilespmem:$0xF800] =	vst v63  }
0x76: {  	_ =	swait.ge [sflag:s14], $0x2000  }
0x77: {  	[sflag:s14] =	ssyncset.done $0x0  }
0x78: {  	s1 =	rddreg [dreg:$0x16];
	[sflag:s14] =	ssyncadd.s32 $0xFFFFE000  }
0x79: {  	[tilespmem:s9], [sflag:$0x3] =	stream.indirect.gather [hbm4b:s6+s7], $0x10, s1, s7, $0xb8;
	[tilespmem:$0xF800] =	vst v63  }
0x7a: {  	_ =	swait.ge [sflag:s15], $0x2000  }
0x7b: {  	[sflag:s15] =	ssyncset.done $0x0  }
0x7c: {  	s1 =	rddreg [dreg:$0x17];
	[sflag:s15] =	ssyncadd.s32 $0xFFFFE000  }
0x7d: {  	[tilespmem:s8], [sflag:$0x4] =	stream.indirect.gather [hbm4b:s6+s7], $0x10, s1, s7, $0xb8;
	[tilespmem:$0xF800] =	vst v63  }
0x7e: {  	_ =	swait.ge [sflag:s19], $0x2000  }
0x7f: {  	[sflag:s19] =	ssyncset.done $0x0  }
0x80: {  	s1 =	rddreg [dreg:$0x18];
	[sflag:s19] =	ssyncadd.s32 $0xFFFFE000  }
0x81: {  	[spmem:s2] =	stream.indirect.scatter.add.f32 [tilespmem:s11], [sflag:$0x5], $0x10, s1, s7, $0xb8;
	[tilespmem:$0xF800] =	vst v63  }
0x82: {  	_ =	swait.ge [sflag:s18], $0x2000  }
0x83: {  	[sflag:s18] =	ssyncset.done $0x0  }
0x84: {  	s1 =	rddreg [dreg:$0x19];
	[sflag:s18] =	ssyncadd.s32 $0xFFFFE000  }
0x85: {  	[spmem:s2] =	stream.indirect.scatter.add.f32 [tilespmem:s10], [sflag:$0x6], $0x10, s1, s7, $0xb8;
	[tilespmem:$0xF800] =	vst v63  }
0x86: {  	_ =	swait.ge [sflag:s17], $0x2000  }
0x87: {  	[sflag:s17] =	ssyncset.done $0x0  }
0x88: {  	s1 =	rddreg [dreg:$0x1a];
	[sflag:s17] =	ssyncadd.s32 $0xFFFFE000  }
0x89: {  	[spmem:s2] =	stream.indirect.scatter.add.f32 [tilespmem:s9], [sflag:$0x7], $0x10, s1, s7, $0xb8;
	[tilespmem:$0xF800] =	vst v63  }
0x8a: {  	_ =	swait.ge [sflag:s16], $0x2000  }
0x8b: {  	[sflag:s16] =	ssyncset.done $0x0  }
0x8c: {  	s1 =	rddreg [dreg:$0x1b];
	[sflag:s16] =	ssyncadd.s32 $0xFFFFE000  }
0x8d: {  	[spmem:s2] =	stream.indirect.scatter.add.f32 [tilespmem:s8], [sflag:$0x8], $0x10, s1, s7, $0xb8;
	[tilespmem:$0xF800] =	vst v63  }
0x8e: {  	_ =	swait.ge [sflag:s12], $0x2000  }
0x8f: {  	[sflag:s12] =	ssyncset.done $0x0  }
0x90: {  	s1 =	rddreg [dreg:$0x1c];
	[sflag:s12] =	ssyncadd.s32 $0xFFFFE000  }
0x91: {  	[tilespmem:s11], [sflag:$0x1] =	stream.indirect.gather [hbm4b:s6+s7], $0x10, s1, s7, $0xb8;
	[tilespmem:$0xF800] =	vst v63  }
0x92: {  	_ =	swait.ge [sflag:s13], $0x2000  }
0x93: {  	[sflag:s13] =	ssyncset.done $0x0  }
0x94: {  	s1 =	rddreg [dreg:$0x1d];
	[sflag:s13] =	ssyncadd.s32 $0xFFFFE000  }
0x95: {  	[tilespmem:s10], [sflag:$0x2] =	stream.indirect.gather [hbm4b:s6+s7], $0x10, s1, s7, $0xb8;
	[tilespmem:$0xF800] =	vst v63  }
0x96: {  	_ =	swait.ge [sflag:s14], $0x2000  }
0x97: {  	[sflag:s14] =	ssyncset.done $0x0  }
0x98: {  	s1 =	rddreg [dreg:$0x1e];
	[sflag:s14] =	ssyncadd.s32 $0xFFFFE000  }
0x99: {  	[tilespmem:s9], [sflag:$0x3] =	stream.indirect.gather [hbm4b:s6+s7], $0x10, s1, s7, $0xb8;
	[tilespmem:$0xF800] =	vst v63  }
0x9a: {  	_ =	swait.ge [sflag:s15], $0x2000  }
0x9b: {  	[sflag:s15] =	ssyncset.done $0x0  }
0x9c: {  	s1 =	rddreg [dreg:$0x1f];
	[sflag:s15] =	ssyncadd.s32 $0xFFFFE000  }
0x9d: {  	[tilespmem:s8], [sflag:$0x4] =	stream.indirect.gather [hbm4b:s6+s7], $0x10, s1, s7, $0xb8;
	[tilespmem:$0xF800] =	vst v63  }
0x9e: {  	_ =	swait.ge [sflag:s19], $0x2000  }
0x9f: {  	s1 =	sld [smem:$0x7FB]  }
0xa0: {  	[sflag:s19] =	ssyncset.done $0x0  }
0xa1: {  	[sflag:s19] =	ssyncadd.s32 $0xFFFFE000  }
0xa2: {  	[spmem:s2] =	stream.indirect.scatter.add.f32 [tilespmem:s11], [sflag:$0x5], $0x10, s1, s7, $0xb8;
	[tilespmem:$0xF800] =	vst v63  }
0xa3: {  	_ =	swait.ge [sflag:s18], $0x2000  }
0xa4: {  	s1 =	sld [smem:$0x7FC]  }
0xa5: {  	[sflag:s18] =	ssyncset.done $0x0  }
0xa6: {  	[sflag:s18] =	ssyncadd.s32 $0xFFFFE000  }
0xa7: {  	[spmem:s2] =	stream.indirect.scatter.add.f32 [tilespmem:s10], [sflag:$0x6], $0x10, s1, s7, $0xb8;
	[tilespmem:$0xF800] =	vst v63  }
0xa8: {  	_ =	swait.ge [sflag:s17], $0x2000  }
0xa9: {  	s1 =	sld [smem:$0x7FD]  }
0xaa: {  	[sflag:s17] =	ssyncset.done $0x0  }
0xab: {  	[sflag:s17] =	ssyncadd.s32 $0xFFFFE000  }
0xac: {  	[spmem:s2] =	stream.indirect.scatter.add.f32 [tilespmem:s9], [sflag:$0x7], $0x10, s1, s7, $0xb8;
	[tilespmem:$0xF800] =	vst v63  }
0xad: {  	_ =	swait.ge [sflag:s16], $0x2000  }
0xae: {  	[sflag:s16] =	ssyncset.done $0x0  }
0xaf: {  	[sflag:s16] =	ssyncadd.s32 $0xFFFFE000  }
0xb0: {  	[spmem:s2] =	stream.indirect.scatter.add.f32 [tilespmem:s8], [sflag:$0x8], $0x10, s26, s7, $0xb8;
	[tilespmem:$0xF800] =	vst v63  }
0xb1: {  	_ =	swait.ge [sflag:s12], $0x2000  }
0xb2: {  	[sflag:s12] =	ssyncset.done $0x0  }
0xb3: {  	[sflag:s12] =	ssyncadd.s32 $0xFFFFE000  }
0xb4: {  	[tilespmem:s11], [sflag:$0x1] =	stream.indirect.gather [hbm4b:s6+s7], $0x10, s29, s7, $0xb8;
	[tilespmem:$0xF800] =	vst v63  }
0xb5: {  	_ =	swait.ge [sflag:s13], $0x2000  }
0xb6: {  	[sflag:s13] =	ssyncset.done $0x0  }
0xb7: {  	s1 =	simm.s32 $0x2200;
	[sflag:s13] =	ssyncadd.s32 $0xFFFFE000  }
0xb8: {  	[tilespmem:s10], [sflag:$0x2] =	stream.indirect.gather [hbm4b:s6+s7], $0x10, s1, s7, $0xb8;
	[tilespmem:$0xF800] =	vst v63  }
0xb9: {  	_ =	swait.ge [sflag:s14], $0x2000  }
0xba: {  	[sflag:s14] =	ssyncset.done $0x0  }
0xbb: {  	[sflag:s14] =	ssyncadd.s32 $0xFFFFE000  }
0xbc: {  	[tilespmem:s9], [sflag:$0x3] =	stream.indirect.gather [hbm4b:s6+s7], $0x10, s28, s7, $0xb8;
	[tilespmem:$0xF800] =	vst v63  }
0xbd: {  	_ =	swait.ge [sflag:s15], $0x2000  }
0xbe: {  	[sflag:s15] =	ssyncset.done $0x0  }
0xbf: {  	[sflag:s15] =	ssyncadd.s32 $0xFFFFE000  }
0xc0: {  	[tilespmem:s8], [sflag:$0x4] =	stream.indirect.gather [hbm4b:s6+s7], $0x10, s25, s7, $0xb8;
	[tilespmem:$0xF800] =	vst v63  }
0xc1: {  	_ =	swait.ge [sflag:s19], $0x2000  }
0xc2: {  	[sflag:s19] =	ssyncset.done $0x0  }
0xc3: {  	[sflag:s19] =	ssyncadd.s32 $0xFFFFE000  }
0xc4: {  	[spmem:s2] =	stream.indirect.scatter.add.f32 [tilespmem:s11], [sflag:$0x5], $0x10, s24, s7, $0xb8;
	[tilespmem:$0xF800] =	vst v63  }
0xc5: {  	_ =	swait.ge [sflag:s18], $0x2000  }
0xc6: {  	[sflag:s18] =	ssyncset.done $0x0  }
0xc7: {  	[sflag:s18] =	ssyncadd.s32 $0xFFFFE000  }
0xc8: {  	[spmem:s2] =	stream.indirect.scatter.add.f32 [tilespmem:s10], [sflag:$0x6], $0x10, s23, s7, $0xb8;
	[tilespmem:$0xF800] =	vst v63  }
0xc9: {  	_ =	swait.ge [sflag:s17], $0x2000  }
0xca: {  	[sflag:s17] =	ssyncset.done $0x0  }
0xcb: {  	[sflag:s17] =	ssyncadd.s32 $0xFFFFE000  }
0xcc: {  	[spmem:s2] =	stream.indirect.scatter.add.f32 [tilespmem:s9], [sflag:$0x7], $0x10, s22, s7, $0xb8;
	[tilespmem:$0xF800] =	vst v63  }
0xcd: {  	_ =	swait.ge [sflag:s16], $0x2000  }
0xce: {  	[sflag:s16] =	ssyncset.done $0x0  }
0xcf: {  	[sflag:s16] =	ssyncadd.s32 $0xFFFFE000  }
0xd0: {  	[spmem:s2] =	stream.indirect.scatter.add.f32 [tilespmem:s8], [sflag:$0x8], $0x10, s21, s7, $0xb8;
	[tilespmem:$0xF800] =	vst v63  }
0xd1: {  	_ =	swait.ge [sflag:s12], $0x2000  }
0xd2: {  	[sflag:s12] =	ssyncset.done $0x0  }
0xd3: {  	[sflag:s12] =	ssyncadd.s32 $0xFFFFE000  }
0xd4: {  	_ =	swait.ge [sflag:s13], $0x2000  }
0xd5: {  	[sflag:s13] =	ssyncset.done $0x0  }
0xd6: {  	[sflag:s13] =	ssyncadd.s32 $0xFFFFE000  }
0xd7: {  	_ =	swait.ge [sflag:s14], $0x2000  }
0xd8: {  	[sflag:s14] =	ssyncset.done $0x0  }
0xd9: {  	[sflag:s14] =	ssyncadd.s32 $0xFFFFE000  }
0xda: {  	_ =	swait.ge [sflag:s15], $0x2000  }
0xdb: {  	[sflag:s15] =	ssyncset.done $0x0  }
0xdc: {  	p1 =	sne.s32 s20, $0x1;
	[sflag:s15] =	ssyncadd.s32 $0xFFFFE000  }
.Ltmp1:
0xdd: {  	[bflag:$0x0] =	sbarrier.arrive $0xFFFF;
	(pc) =	sbr.rel @!p1 .LBB2_3-.Ltmp1, $4  }
0xde: {  	s1 =	rddreg [dreg:$0x6]  }
0xdf: {  	[hbm:s1], [sflag:s3] =	dma.local [spmem:s4], $0x500  }
0xe0: {  	p0 =	por $0x1, $0x1;
	_ =	swait.ge [sflag:s5], $0x500  }
0xe1: {  	s1 =	sadd.s32 $0xFFFFFFFF, s20;
	s0 =	rddreg [dreg:$0x3];
	[sflag:s5] =	ssyncset.done $0x0  }
.LBB2_4:
0xe2: {  	[sflag:s5] =	ssyncadd.s32 $0xFFFFFB00  }
0xe3: {  	[spmem:s4], [sflag:s3] =	dma.local [hbm:s0], $0x500  }
0xe4: {  	_ =	swait.ge [sflag:s5], $0x500  }
0xe5: {  	[sflag:s5] =	ssyncset.done $0x0  }
0xe6: {  	s20 =	rddreg [dreg:$0x4];
	[sflag:s5] =	ssyncadd.s32 $0xFFFFFB00  }
0xe7: {  	[tilespmem:s30], [sflag:$0x9] =	stream.linear.gather [hbm4b:s20+s30], $0x2800, $0x38;
	[tilespmem:$0xF800] =	vst v63  }
0xe8: {  	_ =	swait.ge [sflag:s5], $0x2800  }
0xe9: {  	[sflag:s5] =	ssyncset.done $0x0  }
0xea: {  	s20 =	rddreg [dreg:$0x5];
	[sflag:s5] =	ssyncadd.s32 $0xFFFFD800  }
0xeb: {  	[tilespmem:s31], [sflag:$0x9] =	stream.linear.gather [hbm4b:s20+s30], $0x2800, $0x38;
	[tilespmem:$0xF800] =	vst v63  }
0xec: {  	_ =	swait.ge [sflag:s5], $0x2800  }
0xed: {  	[sflag:s5] =	ssyncset.done $0x0  }
0xee: {  	[sflag:s5] =	ssyncadd.s32 $0xFFFFD800  }
0xef: {  	[bflag:$0x0] =	sbarrier.arrive $0xFFFF  }
0xf0: {  	[tilespmem:s11], [sflag:$0x1] =	stream.indirect.gather [hbm4b:s6+s7], $0x10, s30, s7, $0xb8;
	[tilespmem:$0xF800] =	vst v63  }
0xf1: {  	_ = 	snop  }
0xf2: {  	[tilespmem:s10], [sflag:$0x2] =	stream.indirect.gather [hbm4b:s6+s7], $0x10, s7, s7, $0xb8;
	[tilespmem:$0xF800] =	vst v63  }
0xf3: {  	s0 =	rddreg [dreg:$0x7]  }
0xf4: {  	[tilespmem:s9], [sflag:$0x3] =	stream.indirect.gather [hbm4b:s6+s7], $0x10, s0, s7, $0xb8;
	[tilespmem:$0xF800] =	vst v63  }
0xf5: {  	s20 =	rddreg [dreg:$0x8]  }
0xf6: {  	[tilespmem:s8], [sflag:$0x4] =	stream.indirect.gather [hbm4b:s6+s7], $0x10, s20, s7, $0xb8;
	[tilespmem:$0xF800] =	vst v63  }
0xf7: {  	_ =	swait.ge [sflag:s19], $0x2000  }
0xf8: {  	[sflag:s19] =	ssyncset.done $0x0  }
0xf9: {  	[sflag:s19] =	ssyncadd.s32 $0xFFFFE000  }
0xfa: {  	[spmem:s2] =	stream.indirect.scatter.add.f32 [tilespmem:s11], [sflag:$0x5], $0x10, s31, s7, $0xb8;
	[tilespmem:$0xF800] =	vst v63  }
0xfb: {  	_ =	swait.ge [sflag:s18], $0x2000  }
0xfc: {  	[sflag:s18] =	ssyncset.done $0x0  }
0xfd: {  	s20 =	rddreg [dreg:$0x9];
	[sflag:s18] =	ssyncadd.s32 $0xFFFFE000  }
0xfe: {  	[spmem:s2] =	stream.indirect.scatter.add.f32 [tilespmem:s10], [sflag:$0x6], $0x10, s20, s7, $0xb8;
	[tilespmem:$0xF800] =	vst v63  }
0xff: {  	_ =	swait.ge [sflag:s17], $0x2000  }
0x100: {  	[sflag:s17] =	ssyncset.done $0x0  }
0x101: {  	s20 =	rddreg [dreg:$0xa];
	[sflag:s17] =	ssyncadd.s32 $0xFFFFE000  }
0x102: {  	[spmem:s2] =	stream.indirect.scatter.add.f32 [tilespmem:s9], [sflag:$0x7], $0x10, s20, s7, $0xb8;
	[tilespmem:$0xF800] =	vst v63  }
0x103: {  	_ =	swait.ge [sflag:s16], $0x2000  }
0x104: {  	[sflag:s16] =	ssyncset.done $0x0  }
0x105: {  	s20 =	rddreg [dreg:$0xb];
	[sflag:s16] =	ssyncadd.s32 $0xFFFFE000  }
0x106: {  	[spmem:s2] =	stream.indirect.scatter.add.f32 [tilespmem:s8], [sflag:$0x8], $0x10, s20, s7, $0xb8;
	[tilespmem:$0xF800] =	vst v63  }
0x107: {  	_ =	swait.ge [sflag:s12], $0x2000  }
0x108: {  	[sflag:s12] =	ssyncset.done $0x0  }
0x109: {  	s20 =	rddreg [dreg:$0xc];
	[sflag:s12] =	ssyncadd.s32 $0xFFFFE000  }
0x10a: {  	[tilespmem:s11], [sflag:$0x1] =	stream.indirect.gather [hbm4b:s6+s7], $0x10, s20, s7, $0xb8;
	[tilespmem:$0xF800] =	vst v63  }
0x10b: {  	_ =	swait.ge [sflag:s13], $0x2000  }
0x10c: {  	[sflag:s13] =	ssyncset.done $0x0  }
0x10d: {  	s20 =	rddreg [dreg:$0xd];
	[sflag:s13] =	ssyncadd.s32 $0xFFFFE000  }
0x10e: {  	[tilespmem:s10], [sflag:$0x2] =	stream.indirect.gather [hbm4b:s6+s7], $0x10, s20, s7, $0xb8;
	[tilespmem:$0xF800] =	vst v63  }
0x10f: {  	_ =	swait.ge [sflag:s14], $0x2000  }
0x110: {  	[sflag:s14] =	ssyncset.done $0x0  }
0x111: {  	s20 =	rddreg [dreg:$0xe];
	[sflag:s14] =	ssyncadd.s32 $0xFFFFE000  }
0x112: {  	[tilespmem:s9], [sflag:$0x3] =	stream.indirect.gather [hbm4b:s6+s7], $0x10, s20, s7, $0xb8;
	[tilespmem:$0xF800] =	vst v63  }
0x113: {  	_ =	swait.ge [sflag:s15], $0x2000  }
0x114: {  	[sflag:s15] =	ssyncset.done $0x0  }
0x115: {  	s20 =	rddreg [dreg:$0xf];
	[sflag:s15] =	ssyncadd.s32 $0xFFFFE000  }
0x116: {  	[tilespmem:s8], [sflag:$0x4] =	stream.indirect.gather [hbm4b:s6+s7], $0x10, s20, s7, $0xb8;
	[tilespmem:$0xF800] =	vst v63  }
0x117: {  	_ =	swait.ge [sflag:s19], $0x2000  }
0x118: {  	[sflag:s19] =	ssyncset.done $0x0  }
0x119: {  	s20 =	rddreg [dreg:$0x10];
	[sflag:s19] =	ssyncadd.s32 $0xFFFFE000  }
0x11a: {  	[spmem:s2] =	stream.indirect.scatter.add.f32 [tilespmem:s11], [sflag:$0x5], $0x10, s20, s7, $0xb8;
	[tilespmem:$0xF800] =	vst v63  }
0x11b: {  	_ =	swait.ge [sflag:s18], $0x2000  }
0x11c: {  	[sflag:s18] =	ssyncset.done $0x0  }
0x11d: {  	s20 =	rddreg [dreg:$0x11];
	[sflag:s18] =	ssyncadd.s32 $0xFFFFE000  }
0x11e: {  	[spmem:s2] =	stream.indirect.scatter.add.f32 [tilespmem:s10], [sflag:$0x6], $0x10, s20, s7, $0xb8;
	[tilespmem:$0xF800] =	vst v63  }
0x11f: {  	_ =	swait.ge [sflag:s17], $0x2000  }
0x120: {  	[sflag:s17] =	ssyncset.done $0x0  }
0x121: {  	s20 =	rddreg [dreg:$0x12];
	[sflag:s17] =	ssyncadd.s32 $0xFFFFE000  }
0x122: {  	[spmem:s2] =	stream.indirect.scatter.add.f32 [tilespmem:s9], [sflag:$0x7], $0x10, s20, s7, $0xb8;
	[tilespmem:$0xF800] =	vst v63  }
0x123: {  	_ =	swait.ge [sflag:s16], $0x2000  }
0x124: {  	[sflag:s16] =	ssyncset.done $0x0  }
0x125: {  	s20 =	rddreg [dreg:$0x13];
	[sflag:s16] =	ssyncadd.s32 $0xFFFFE000  }
0x126: {  	[spmem:s2] =	stream.indirect.scatter.add.f32 [tilespmem:s8], [sflag:$0x8], $0x10, s20, s7, $0xb8;
	[tilespmem:$0xF800] =	vst v63  }
0x127: {  	_ =	swait.ge [sflag:s12], $0x2000  }
0x128: {  	[sflag:s12] =	ssyncset.done $0x0  }
0x129: {  	s20 =	rddreg [dreg:$0x14];
	[sflag:s12] =	ssyncadd.s32 $0xFFFFE000  }
0x12a: {  	[tilespmem:s11], [sflag:$0x1] =	stream.indirect.gather [hbm4b:s6+s7], $0x10, s20, s7, $0xb8;
	[tilespmem:$0xF800] =	vst v63  }
0x12b: {  	_ =	swait.ge [sflag:s13], $0x2000  }
0x12c: {  	[sflag:s13] =	ssyncset.done $0x0  }
0x12d: {  	s20 =	rddreg [dreg:$0x15];
	[sflag:s13] =	ssyncadd.s32 $0xFFFFE000  }
0x12e: {  	[tilespmem:s10], [sflag:$0x2] =	stream.indirect.gather [hbm4b:s6+s7], $0x10, s20, s7, $0xb8;
	[tilespmem:$0xF800] =	vst v63  }
0x12f: {  	_ =	swait.ge [sflag:s14], $0x2000  }
0x130: {  	[sflag:s14] =	ssyncset.done $0x0  }
0x131: {  	s20 =	rddreg [dreg:$0x16];
	[sflag:s14] =	ssyncadd.s32 $0xFFFFE000  }
0x132: {  	[tilespmem:s9], [sflag:$0x3] =	stream.indirect.gather [hbm4b:s6+s7], $0x10, s20, s7, $0xb8;
	[tilespmem:$0xF800] =	vst v63  }
0x133: {  	_ =	swait.ge [sflag:s15], $0x2000  }
0x134: {  	[sflag:s15] =	ssyncset.done $0x0  }
0x135: {  	s20 =	rddreg [dreg:$0x17];
	[sflag:s15] =	ssyncadd.s32 $0xFFFFE000  }
0x136: {  	[tilespmem:s8], [sflag:$0x4] =	stream.indirect.gather [hbm4b:s6+s7], $0x10, s20, s7, $0xb8;
	[tilespmem:$0xF800] =	vst v63  }
0x137: {  	_ =	swait.ge [sflag:s19], $0x2000  }
0x138: {  	[sflag:s19] =	ssyncset.done $0x0  }
0x139: {  	s20 =	rddreg [dreg:$0x18];
	[sflag:s19] =	ssyncadd.s32 $0xFFFFE000  }
0x13a: {  	[spmem:s2] =	stream.indirect.scatter.add.f32 [tilespmem:s11], [sflag:$0x5], $0x10, s20, s7, $0xb8;
	[tilespmem:$0xF800] =	vst v63  }
0x13b: {  	_ =	swait.ge [sflag:s18], $0x2000  }
0x13c: {  	[sflag:s18] =	ssyncset.done $0x0  }
0x13d: {  	s20 =	rddreg [dreg:$0x19];
	[sflag:s18] =	ssyncadd.s32 $0xFFFFE000  }
0x13e: {  	[spmem:s2] =	stream.indirect.scatter.add.f32 [tilespmem:s10], [sflag:$0x6], $0x10, s20, s7, $0xb8;
	[tilespmem:$0xF800] =	vst v63  }
0x13f: {  	_ =	swait.ge [sflag:s17], $0x2000  }
0x140: {  	[sflag:s17] =	ssyncset.done $0x0  }
0x141: {  	s20 =	rddreg [dreg:$0x1a];
	[sflag:s17] =	ssyncadd.s32 $0xFFFFE000  }
0x142: {  	[spmem:s2] =	stream.indirect.scatter.add.f32 [tilespmem:s9], [sflag:$0x7], $0x10, s20, s7, $0xb8;
	[tilespmem:$0xF800] =	vst v63  }
0x143: {  	_ =	swait.ge [sflag:s16], $0x2000  }
0x144: {  	[sflag:s16] =	ssyncset.done $0x0  }
0x145: {  	s20 =	rddreg [dreg:$0x1b];
	[sflag:s16] =	ssyncadd.s32 $0xFFFFE000  }
0x146: {  	[spmem:s2] =	stream.indirect.scatter.add.f32 [tilespmem:s8], [sflag:$0x8], $0x10, s20, s7, $0xb8;
	[tilespmem:$0xF800] =	vst v63  }
0x147: {  	_ =	swait.ge [sflag:s12], $0x2000  }
0x148: {  	[sflag:s12] =	ssyncset.done $0x0  }
0x149: {  	s20 =	rddreg [dreg:$0x1c];
	[sflag:s12] =	ssyncadd.s32 $0xFFFFE000  }
0x14a: {  	[tilespmem:s11], [sflag:$0x1] =	stream.indirect.gather [hbm4b:s6+s7], $0x10, s20, s7, $0xb8;
	[tilespmem:$0xF800] =	vst v63  }
0x14b: {  	_ =	swait.ge [sflag:s13], $0x2000  }
0x14c: {  	[sflag:s13] =	ssyncset.done $0x0  }
0x14d: {  	s20 =	rddreg [dreg:$0x1d];
	[sflag:s13] =	ssyncadd.s32 $0xFFFFE000  }
0x14e: {  	[tilespmem:s10], [sflag:$0x2] =	stream.indirect.gather [hbm4b:s6+s7], $0x10, s20, s7, $0xb8;
	[tilespmem:$0xF800] =	vst v63  }
0x14f: {  	_ =	swait.ge [sflag:s14], $0x2000  }
0x150: {  	[sflag:s14] =	ssyncset.done $0x0  }
0x151: {  	s20 =	rddreg [dreg:$0x1e];
	[sflag:s14] =	ssyncadd.s32 $0xFFFFE000  }
0x152: {  	[tilespmem:s9], [sflag:$0x3] =	stream.indirect.gather [hbm4b:s6+s7], $0x10, s20, s7, $0xb8;
	[tilespmem:$0xF800] =	vst v63  }
0x153: {  	_ =	swait.ge [sflag:s15], $0x2000  }
0x154: {  	[sflag:s15] =	ssyncset.done $0x0  }
0x155: {  	s20 =	rddreg [dreg:$0x1f];
	[sflag:s15] =	ssyncadd.s32 $0xFFFFE000  }
0x156: {  	[tilespmem:s8], [sflag:$0x4] =	stream.indirect.gather [hbm4b:s6+s7], $0x10, s20, s7, $0xb8;
	[tilespmem:$0xF800] =	vst v63  }
0x157: {  	_ =	swait.ge [sflag:s19], $0x2000  }
0x158: {  	s20 =	sld [smem:$0x7FB]  }
0x159: {  	[sflag:s19] =	ssyncset.done $0x0  }
0x15a: {  	[sflag:s19] =	ssyncadd.s32 $0xFFFFE000  }
0x15b: {  	[spmem:s2] =	stream.indirect.scatter.add.f32 [tilespmem:s11], [sflag:$0x5], $0x10, s20, s7, $0xb8;
	[tilespmem:$0xF800] =	vst v63  }
0x15c: {  	_ =	swait.ge [sflag:s18], $0x2000  }
0x15d: {  	s20 =	sld [smem:$0x7FC]  }
0x15e: {  	[sflag:s18] =	ssyncset.done $0x0  }
0x15f: {  	[sflag:s18] =	ssyncadd.s32 $0xFFFFE000  }
0x160: {  	[spmem:s2] =	stream.indirect.scatter.add.f32 [tilespmem:s10], [sflag:$0x6], $0x10, s20, s7, $0xb8;
	[tilespmem:$0xF800] =	vst v63  }
0x161: {  	_ =	swait.ge [sflag:s17], $0x2000  }
0x162: {  	s20 =	sld [smem:$0x7FD]  }
0x163: {  	[sflag:s17] =	ssyncset.done $0x0  }
0x164: {  	[sflag:s17] =	ssyncadd.s32 $0xFFFFE000  }
0x165: {  	[spmem:s2] =	stream.indirect.scatter.add.f32 [tilespmem:s9], [sflag:$0x7], $0x10, s20, s7, $0xb8;
	[tilespmem:$0xF800] =	vst v63  }
0x166: {  	_ =	swait.ge [sflag:s16], $0x2000  }
0x167: {  	[sflag:s16] =	ssyncset.done $0x0  }
0x168: {  	[sflag:s16] =	ssyncadd.s32 $0xFFFFE000  }
0x169: {  	[spmem:s2] =	stream.indirect.scatter.add.f32 [tilespmem:s8], [sflag:$0x8], $0x10, s26, s7, $0xb8;
	[tilespmem:$0xF800] =	vst v63  }
0x16a: {  	_ =	swait.ge [sflag:s12], $0x2000  }
0x16b: {  	[sflag:s12] =	ssyncset.done $0x0  }
0x16c: {  	[sflag:s12] =	ssyncadd.s32 $0xFFFFE000  }
0x16d: {  	[tilespmem:s11], [sflag:$0x1] =	stream.indirect.gather [hbm4b:s6+s7], $0x10, s29, s7, $0xb8;
	[tilespmem:$0xF800] =	vst v63  }
0x16e: {  	_ =	swait.ge [sflag:s13], $0x2000  }
0x16f: {  	[sflag:s13] =	ssyncset.done $0x0  }
0x170: {  	s20 =	simm.s32 $0x2200;
	[sflag:s13] =	ssyncadd.s32 $0xFFFFE000  }
0x171: {  	[tilespmem:s10], [sflag:$0x2] =	stream.indirect.gather [hbm4b:s6+s7], $0x10, s20, s7, $0xb8;
	[tilespmem:$0xF800] =	vst v63  }
0x172: {  	_ =	swait.ge [sflag:s14], $0x2000  }
0x173: {  	[sflag:s14] =	ssyncset.done $0x0  }
0x174: {  	[sflag:s14] =	ssyncadd.s32 $0xFFFFE000  }
0x175: {  	[tilespmem:s9], [sflag:$0x3] =	stream.indirect.gather [hbm4b:s6+s7], $0x10, s28, s7, $0xb8;
	[tilespmem:$0xF800] =	vst v63  }
0x176: {  	_ =	swait.ge [sflag:s15], $0x2000  }
0x177: {  	[sflag:s15] =	ssyncset.done $0x0  }
0x178: {  	[sflag:s15] =	ssyncadd.s32 $0xFFFFE000  }
0x179: {  	[tilespmem:s8], [sflag:$0x4] =	stream.indirect.gather [hbm4b:s6+s7], $0x10, s25, s7, $0xb8;
	[tilespmem:$0xF800] =	vst v63  }
0x17a: {  	_ =	swait.ge [sflag:s19], $0x2000  }
0x17b: {  	[sflag:s19] =	ssyncset.done $0x0  }
0x17c: {  	[sflag:s19] =	ssyncadd.s32 $0xFFFFE000  }
0x17d: {  	[spmem:s2] =	stream.indirect.scatter.add.f32 [tilespmem:s11], [sflag:$0x5], $0x10, s24, s7, $0xb8;
	[tilespmem:$0xF800] =	vst v63  }
0x17e: {  	_ =	swait.ge [sflag:s18], $0x2000  }
0x17f: {  	[sflag:s18] =	ssyncset.done $0x0  }
0x180: {  	[sflag:s18] =	ssyncadd.s32 $0xFFFFE000  }
0x181: {  	[spmem:s2] =	stream.indirect.scatter.add.f32 [tilespmem:s10], [sflag:$0x6], $0x10, s23, s7, $0xb8;
	[tilespmem:$0xF800] =	vst v63  }
0x182: {  	_ =	swait.ge [sflag:s17], $0x2000  }
0x183: {  	[sflag:s17] =	ssyncset.done $0x0  }
0x184: {  	[sflag:s17] =	ssyncadd.s32 $0xFFFFE000  }
0x185: {  	[spmem:s2] =	stream.indirect.scatter.add.f32 [tilespmem:s9], [sflag:$0x7], $0x10, s22, s7, $0xb8;
	[tilespmem:$0xF800] =	vst v63  }
0x186: {  	_ =	swait.ge [sflag:s16], $0x2000  }
0x187: {  	[sflag:s16] =	ssyncset.done $0x0  }
0x188: {  	[sflag:s16] =	ssyncadd.s32 $0xFFFFE000  }
0x189: {  	[spmem:s2] =	stream.indirect.scatter.add.f32 [tilespmem:s8], [sflag:$0x8], $0x10, s21, s7, $0xb8;
	[tilespmem:$0xF800] =	vst v63  }
0x18a: {  	_ =	swait.ge [sflag:s12], $0x2000  }
0x18b: {  	[sflag:s12] =	ssyncset.done $0x0  }
0x18c: {  	[sflag:s12] =	ssyncadd.s32 $0xFFFFE000  }
0x18d: {  	_ =	swait.ge [sflag:s13], $0x2000  }
0x18e: {  	[sflag:s13] =	ssyncset.done $0x0  }
0x18f: {  	[sflag:s13] =	ssyncadd.s32 $0xFFFFE000  }
0x190: {  	_ =	swait.ge [sflag:s14], $0x2000  }
0x191: {  	[sflag:s14] =	ssyncset.done $0x0  }
0x192: {  	[sflag:s14] =	ssyncadd.s32 $0xFFFFE000  }
0x193: {  	_ =	swait.ge [sflag:s15], $0x2000  }
0x194: {  	[sflag:s15] =	ssyncset.done $0x0  }
0x195: {  	p1 =	sne.s32 s1, $0x1;
	[sflag:s15] =	ssyncadd.s32 $0xFFFFE000  }
.Ltmp2:
0x196: {  	[bflag:$0x0] =	sbarrier.arrive $0xFFFF;
	(pc) =	sbr.rel @p1 .LBB2_4-.Ltmp2, $4  }
0x197: {  	s20 =	rddreg [dreg:$0x6]  }
0x198: {  	[hbm:s20], [sflag:s3] =	dma.local [spmem:s4], $0x500  }
0x199: {  	_ =	swait.ge [sflag:s5], $0x500  }
0x19a: {  	s1 =	sadd.s32 $0xFFFFFFFF, s1;
	s0 =	rddreg [dreg:$0x3];
	[sflag:s5] =	ssyncset.done $0x0  }
0x19b: {  	s21 =	simm.s32 $0x4600;
	s29 =	simm.s32 $0x2000;
	s28 =	simm.s32 $0x2400  }
0x19c: {  	s26 =	simm.s32 $0x2200;
	s25 =	simm.s32 $0x2600;
	s24 =	simm.s32 $0x4800  }
0x19d: {  	s23 =	simm.s32 $0x4A00;
	s22 =	simm.s32 $0x4C00;
	s20 =	stileid.u32  }
.LBB2_6:
0x19e: {  	[sflag:s5] =	ssyncadd.s32 @p0 $0xFFFFFB00  }
0x19f: {  	[spmem:s4], [sflag:s3] =	dma.local [hbm:s0], $0x500  }
0x1a0: {  	_ =	swait.ge [sflag:s5], $0x500  }
0x1a1: {  	[sflag:s5] =	ssyncset.done $0x0  }
0x1a2: {  	s1 =	rddreg [dreg:$0x4];
	[sflag:s5] =	ssyncadd.s32 $0xFFFFFB00  }
0x1a3: {  	[tilespmem:s30], [sflag:$0x9] =	stream.linear.gather [hbm4b:s1+s30], $0x2800, $0x38;
	[tilespmem:$0xF800] =	vst v63  }
0x1a4: {  	_ =	swait.ge [sflag:s5], $0x2800  }
0x1a5: {  	[sflag:s5] =	ssyncset.done $0x0  }
0x1a6: {  	s1 =	rddreg [dreg:$0x5];
	[sflag:s5] =	ssyncadd.s32 $0xFFFFD800  }
0x1a7: {  	[tilespmem:s31], [sflag:$0x9] =	stream.linear.gather [hbm4b:s1+s30], $0x2800, $0x38;
	[tilespmem:$0xF800] =	vst v63  }
0x1a8: {  	_ =	swait.ge [sflag:s5], $0x2800  }
0x1a9: {  	[sflag:s5] =	ssyncset.done $0x0  }
0x1aa: {  	[sflag:s5] =	ssyncadd.s32 $0xFFFFD800  }
0x1ab: {  	[bflag:$0x0] =	sbarrier.arrive $0xFFFF  }
0x1ac: {  	[tilespmem:s11], [sflag:$0x1] =	stream.indirect.gather [hbm4b:s6+s7], $0x10, s30, s7, $0xb8;
	[tilespmem:$0xF800] =	vst v63  }
0x1ad: {  	_ = 	snop  }
0x1ae: {  	[tilespmem:s10], [sflag:$0x2] =	stream.indirect.gather [hbm4b:s6+s7], $0x10, s7, s7, $0xb8;
	[tilespmem:$0xF800] =	vst v63  }
0x1af: {  	s30 =	rddreg [dreg:$0x7]  }
0x1b0: {  	[tilespmem:s9], [sflag:$0x3] =	stream.indirect.gather [hbm4b:s6+s7], $0x10, s30, s7, $0xb8;
	[tilespmem:$0xF800] =	vst v63  }
0x1b1: {  	s1 =	rddreg [dreg:$0x8]  }
0x1b2: {  	[tilespmem:s8], [sflag:$0x4] =	stream.indirect.gather [hbm4b:s6+s7], $0x10, s1, s7, $0xb8;
	[tilespmem:$0xF800] =	vst v63  }
0x1b3: {  	_ =	swait.ge [sflag:s19], $0x2000  }
0x1b4: {  	[sflag:s19] =	ssyncset.done $0x0  }
0x1b5: {  	[sflag:s19] =	ssyncadd.s32 $0xFFFFE000  }
0x1b6: {  	[spmem:s2] =	stream.indirect.scatter.add.f32 [tilespmem:s11], [sflag:$0x5], $0x10, s31, s7, $0xb8;
	[tilespmem:$0xF800] =	vst v63  }
0x1b7: {  	_ =	swait.ge [sflag:s18], $0x2000  }
0x1b8: {  	[sflag:s18] =	ssyncset.done $0x0  }
0x1b9: {  	s31 =	rddreg [dreg:$0x9];
	[sflag:s18] =	ssyncadd.s32 $0xFFFFE000  }
0x1ba: {  	[spmem:s2] =	stream.indirect.scatter.add.f32 [tilespmem:s10], [sflag:$0x6], $0x10, s31, s7, $0xb8;
	[tilespmem:$0xF800] =	vst v63  }
0x1bb: {  	_ =	swait.ge [sflag:s17], $0x2000  }
0x1bc: {  	[sflag:s17] =	ssyncset.done $0x0  }
0x1bd: {  	s1 =	rddreg [dreg:$0xa];
	[sflag:s17] =	ssyncadd.s32 $0xFFFFE000  }
0x1be: {  	[spmem:s2] =	stream.indirect.scatter.add.f32 [tilespmem:s9], [sflag:$0x7], $0x10, s1, s7, $0xb8;
	[tilespmem:$0xF800] =	vst v63  }
0x1bf: {  	_ =	swait.ge [sflag:s16], $0x2000  }
0x1c0: {  	[sflag:s16] =	ssyncset.done $0x0  }
0x1c1: {  	s30 =	rddreg [dreg:$0xb];
	[sflag:s16] =	ssyncadd.s32 $0xFFFFE000  }
0x1c2: {  	[spmem:s2] =	stream.indirect.scatter.add.f32 [tilespmem:s8], [sflag:$0x8], $0x10, s30, s7, $0xb8;
	[tilespmem:$0xF800] =	vst v63  }
0x1c3: {  	_ =	swait.ge [sflag:s12], $0x2000  }
0x1c4: {  	[sflag:s12] =	ssyncset.done $0x0  }
0x1c5: {  	s31 =	rddreg [dreg:$0xc];
	[sflag:s12] =	ssyncadd.s32 $0xFFFFE000  }
0x1c6: {  	[tilespmem:s11], [sflag:$0x1] =	stream.indirect.gather [hbm4b:s6+s7], $0x10, s31, s7, $0xb8;
	[tilespmem:$0xF800] =	vst v63  }
0x1c7: {  	_ =	swait.ge [sflag:s13], $0x2000  }
0x1c8: {  	[sflag:s13] =	ssyncset.done $0x0  }
0x1c9: {  	s1 =	rddreg [dreg:$0xd];
	[sflag:s13] =	ssyncadd.s32 $0xFFFFE000  }
0x1ca: {  	[tilespmem:s10], [sflag:$0x2] =	stream.indirect.gather [hbm4b:s6+s7], $0x10, s1, s7, $0xb8;
	[tilespmem:$0xF800] =	vst v63  }
0x1cb: {  	_ =	swait.ge [sflag:s14], $0x2000  }
0x1cc: {  	[sflag:s14] =	ssyncset.done $0x0  }
0x1cd: {  	s30 =	rddreg [dreg:$0xe];
	[sflag:s14] =	ssyncadd.s32 $0xFFFFE000  }
0x1ce: {  	[tilespmem:s9], [sflag:$0x3] =	stream.indirect.gather [hbm4b:s6+s7], $0x10, s30, s7, $0xb8;
	[tilespmem:$0xF800] =	vst v63  }
0x1cf: {  	_ =	swait.ge [sflag:s15], $0x2000  }
0x1d0: {  	[sflag:s15] =	ssyncset.done $0x0  }
0x1d1: {  	s31 =	rddreg [dreg:$0xf];
	[sflag:s15] =	ssyncadd.s32 $0xFFFFE000  }
0x1d2: {  	[tilespmem:s8], [sflag:$0x4] =	stream.indirect.gather [hbm4b:s6+s7], $0x10, s31, s7, $0xb8;
	[tilespmem:$0xF800] =	vst v63  }
0x1d3: {  	_ =	swait.ge [sflag:s19], $0x2000  }
0x1d4: {  	[sflag:s19] =	ssyncset.done $0x0  }
0x1d5: {  	s1 =	rddreg [dreg:$0x10];
	[sflag:s19] =	ssyncadd.s32 $0xFFFFE000  }
0x1d6: {  	[spmem:s2] =	stream.indirect.scatter.add.f32 [tilespmem:s11], [sflag:$0x5], $0x10, s1, s7, $0xb8;
	[tilespmem:$0xF800] =	vst v63  }
0x1d7: {  	_ =	swait.ge [sflag:s18], $0x2000  }
0x1d8: {  	[sflag:s18] =	ssyncset.done $0x0  }
0x1d9: {  	s30 =	rddreg [dreg:$0x11];
	[sflag:s18] =	ssyncadd.s32 $0xFFFFE000  }
0x1da: {  	[spmem:s2] =	stream.indirect.scatter.add.f32 [tilespmem:s10], [sflag:$0x6], $0x10, s30, s7, $0xb8;
	[tilespmem:$0xF800] =	vst v63  }
0x1db: {  	_ =	swait.ge [sflag:s17], $0x2000  }
0x1dc: {  	[sflag:s17] =	ssyncset.done $0x0  }
0x1dd: {  	s31 =	rddreg [dreg:$0x12];
	[sflag:s17] =	ssyncadd.s32 $0xFFFFE000  }
0x1de: {  	[spmem:s2] =	stream.indirect.scatter.add.f32 [tilespmem:s9], [sflag:$0x7], $0x10, s31, s7, $0xb8;
	[tilespmem:$0xF800] =	vst v63  }
0x1df: {  	_ =	swait.ge [sflag:s16], $0x2000  }
0x1e0: {  	[sflag:s16] =	ssyncset.done $0x0  }
0x1e1: {  	s1 =	rddreg [dreg:$0x13];
	[sflag:s16] =	ssyncadd.s32 $0xFFFFE000  }
0x1e2: {  	[spmem:s2] =	stream.indirect.scatter.add.f32 [tilespmem:s8], [sflag:$0x8], $0x10, s1, s7, $0xb8;
	[tilespmem:$0xF800] =	vst v63  }
0x1e3: {  	_ =	swait.ge [sflag:s12], $0x2000  }
0x1e4: {  	[sflag:s12] =	ssyncset.done $0x0  }
0x1e5: {  	s30 =	rddreg [dreg:$0x14];
	[sflag:s12] =	ssyncadd.s32 $0xFFFFE000  }
0x1e6: {  	[tilespmem:s11], [sflag:$0x1] =	stream.indirect.gather [hbm4b:s6+s7], $0x10, s30, s7, $0xb8;
	[tilespmem:$0xF800] =	vst v63  }
0x1e7: {  	_ =	swait.ge [sflag:s13], $0x2000  }
0x1e8: {  	[sflag:s13] =	ssyncset.done $0x0  }
0x1e9: {  	s31 =	rddreg [dreg:$0x15];
	[sflag:s13] =	ssyncadd.s32 $0xFFFFE000  }
0x1ea: {  	[tilespmem:s10], [sflag:$0x2] =	stream.indirect.gather [hbm4b:s6+s7], $0x10, s31, s7, $0xb8;
	[tilespmem:$0xF800] =	vst v63  }
0x1eb: {  	_ =	swait.ge [sflag:s14], $0x2000  }
0x1ec: {  	[sflag:s14] =	ssyncset.done $0x0  }
0x1ed: {  	s1 =	rddreg [dreg:$0x16];
	[sflag:s14] =	ssyncadd.s32 $0xFFFFE000  }
0x1ee: {  	[tilespmem:s9], [sflag:$0x3] =	stream.indirect.gather [hbm4b:s6+s7], $0x10, s1, s7, $0xb8;
	[tilespmem:$0xF800] =	vst v63  }
0x1ef: {  	_ =	swait.ge [sflag:s15], $0x2000  }
0x1f0: {  	[sflag:s15] =	ssyncset.done $0x0  }
0x1f1: {  	s30 =	rddreg [dreg:$0x17];
	[sflag:s15] =	ssyncadd.s32 $0xFFFFE000  }
0x1f2: {  	[tilespmem:s8], [sflag:$0x4] =	stream.indirect.gather [hbm4b:s6+s7], $0x10, s30, s7, $0xb8;
	[tilespmem:$0xF800] =	vst v63  }
0x1f3: {  	_ =	swait.ge [sflag:s19], $0x2000  }
0x1f4: {  	[sflag:s19] =	ssyncset.done $0x0  }
0x1f5: {  	s31 =	rddreg [dreg:$0x18];
	[sflag:s19] =	ssyncadd.s32 $0xFFFFE000  }
0x1f6: {  	[spmem:s2] =	stream.indirect.scatter.add.f32 [tilespmem:s11], [sflag:$0x5], $0x10, s31, s7, $0xb8;
	[tilespmem:$0xF800] =	vst v63  }
0x1f7: {  	_ =	swait.ge [sflag:s18], $0x2000  }
0x1f8: {  	[sflag:s18] =	ssyncset.done $0x0  }
0x1f9: {  	s1 =	rddreg [dreg:$0x19];
	[sflag:s18] =	ssyncadd.s32 $0xFFFFE000  }
0x1fa: {  	[spmem:s2] =	stream.indirect.scatter.add.f32 [tilespmem:s10], [sflag:$0x6], $0x10, s1, s7, $0xb8;
	[tilespmem:$0xF800] =	vst v63  }
0x1fb: {  	_ =	swait.ge [sflag:s17], $0x2000  }
0x1fc: {  	[sflag:s17] =	ssyncset.done $0x0  }
0x1fd: {  	s30 =	rddreg [dreg:$0x1a];
	[sflag:s17] =	ssyncadd.s32 $0xFFFFE000  }
0x1fe: {  	[spmem:s2] =	stream.indirect.scatter.add.f32 [tilespmem:s9], [sflag:$0x7], $0x10, s30, s7, $0xb8;
	[tilespmem:$0xF800] =	vst v63  }
0x1ff: {  	_ =	swait.ge [sflag:s16], $0x2000  }
0x200: {  	[sflag:s16] =	ssyncset.done $0x0  }
0x201: {  	s31 =	rddreg [dreg:$0x1b];
	[sflag:s16] =	ssyncadd.s32 $0xFFFFE000  }
0x202: {  	[spmem:s2] =	stream.indirect.scatter.add.f32 [tilespmem:s8], [sflag:$0x8], $0x10, s31, s7, $0xb8;
	[tilespmem:$0xF800] =	vst v63  }
0x203: {  	_ =	swait.ge [sflag:s12], $0x2000  }
0x204: {  	[sflag:s12] =	ssyncset.done $0x0  }
0x205: {  	s1 =	rddreg [dreg:$0x1c];
	[sflag:s12] =	ssyncadd.s32 $0xFFFFE000  }
0x206: {  	[tilespmem:s11], [sflag:$0x1] =	stream.indirect.gather [hbm4b:s6+s7], $0x10, s1, s7, $0xb8;
	[tilespmem:$0xF800] =	vst v63  }
0x207: {  	_ =	swait.ge [sflag:s13], $0x2000  }
0x208: {  	[sflag:s13] =	ssyncset.done $0x0  }
0x209: {  	s30 =	rddreg [dreg:$0x1d];
	[sflag:s13] =	ssyncadd.s32 $0xFFFFE000  }
0x20a: {  	[tilespmem:s10], [sflag:$0x2] =	stream.indirect.gather [hbm4b:s6+s7], $0x10, s30, s7, $0xb8;
	[tilespmem:$0xF800] =	vst v63  }
0x20b: {  	_ =	swait.ge [sflag:s14], $0x2000  }
0x20c: {  	[sflag:s14] =	ssyncset.done $0x0  }
0x20d: {  	s31 =	rddreg [dreg:$0x1e];
	[sflag:s14] =	ssyncadd.s32 $0xFFFFE000  }
0x20e: {  	[tilespmem:s9], [sflag:$0x3] =	stream.indirect.gather [hbm4b:s6+s7], $0x10, s31, s7, $0xb8;
	[tilespmem:$0xF800] =	vst v63  }
0x20f: {  	_ =	swait.ge [sflag:s15], $0x2000  }
0x210: {  	[sflag:s15] =	ssyncset.done $0x0  }
0x211: {  	s1 =	rddreg [dreg:$0x1f];
	[sflag:s15] =	ssyncadd.s32 $0xFFFFE000  }
0x212: {  	[tilespmem:s8], [sflag:$0x4] =	stream.indirect.gather [hbm4b:s6+s7], $0x10, s1, s7, $0xb8;
	[tilespmem:$0xF800] =	vst v63  }
0x213: {  	_ =	swait.ge [sflag:s19], $0x2000  }
0x214: {  	s30 =	sld [smem:$0x7FB]  }
0x215: {  	[sflag:s19] =	ssyncset.done $0x0  }
0x216: {  	[sflag:s19] =	ssyncadd.s32 $0xFFFFE000  }
0x217: {  	[spmem:s2] =	stream.indirect.scatter.add.f32 [tilespmem:s11], [sflag:$0x5], $0x10, s30, s7, $0xb8;
	[tilespmem:$0xF800] =	vst v63  }
0x218: {  	_ =	swait.ge [sflag:s18], $0x2000  }
0x219: {  	s31 =	sld [smem:$0x7FC]  }
0x21a: {  	[sflag:s18] =	ssyncset.done $0x0  }
0x21b: {  	[sflag:s18] =	ssyncadd.s32 $0xFFFFE000  }
0x21c: {  	[spmem:s2] =	stream.indirect.scatter.add.f32 [tilespmem:s10], [sflag:$0x6], $0x10, s31, s7, $0xb8;
	[tilespmem:$0xF800] =	vst v63  }
0x21d: {  	_ =	swait.ge [sflag:s17], $0x2000  }
0x21e: {  	s1 =	sld [smem:$0x7FD]  }
0x21f: {  	[sflag:s17] =	ssyncset.done $0x0  }
0x220: {  	[sflag:s17] =	ssyncadd.s32 $0xFFFFE000  }
0x221: {  	[spmem:s2] =	stream.indirect.scatter.add.f32 [tilespmem:s9], [sflag:$0x7], $0x10, s1, s7, $0xb8;
	[tilespmem:$0xF800] =	vst v63  }
0x222: {  	_ =	swait.ge [sflag:s16], $0x2000  }
0x223: {  	[sflag:s16] =	ssyncset.done $0x0  }
0x224: {  	[sflag:s16] =	ssyncadd.s32 $0xFFFFE000  }
0x225: {  	[spmem:s2] =	stream.indirect.scatter.add.f32 [tilespmem:s8], [sflag:$0x8], $0x10, s21, s7, $0xb8;
	[tilespmem:$0xF800] =	vst v63  }
0x226: {  	_ =	swait.ge [sflag:s12], $0x2000  }
0x227: {  	[sflag:s12] =	ssyncset.done $0x0  }
0x228: {  	[sflag:s12] =	ssyncadd.s32 $0xFFFFE000  }
0x229: {  	[tilespmem:s11], [sflag:$0x1] =	stream.indirect.gather [hbm4b:s6+s7], $0x10, s29, s7, $0xb8;
	[tilespmem:$0xF800] =	vst v63  }
0x22a: {  	_ =	swait.ge [sflag:s13], $0x2000  }
0x22b: {  	[sflag:s13] =	ssyncset.done $0x0  }
0x22c: {  	[sflag:s13] =	ssyncadd.s32 $0xFFFFE000  }
0x22d: {  	[tilespmem:s10], [sflag:$0x2] =	stream.indirect.gather [hbm4b:s6+s7], $0x10, s26, s7, $0xb8;
	[tilespmem:$0xF800] =	vst v63  }
0x22e: {  	_ =	swait.ge [sflag:s14], $0x2000  }
0x22f: {  	[sflag:s14] =	ssyncset.done $0x0  }
0x230: {  	[sflag:s14] =	ssyncadd.s32 $0xFFFFE000  }
0x231: {  	[tilespmem:s9], [sflag:$0x3] =	stream.indirect.gather [hbm4b:s6+s7], $0x10, s28, s7, $0xb8;
	[tilespmem:$0xF800] =	vst v63  }
0x232: {  	_ =	swait.ge [sflag:s15], $0x2000  }
0x233: {  	[sflag:s15] =	ssyncset.done $0x0  }
0x234: {  	[sflag:s15] =	ssyncadd.s32 $0xFFFFE000  }
0x235: {  	[tilespmem:s8], [sflag:$0x4] =	stream.indirect.gather [hbm4b:s6+s7], $0x10, s25, s7, $0xb8;
	[tilespmem:$0xF800] =	vst v63  }
0x236: {  	_ =	swait.ge [sflag:s19], $0x2000  }
0x237: {  	[sflag:s19] =	ssyncset.done $0x0  }
0x238: {  	[sflag:s19] =	ssyncadd.s32 $0xFFFFE000  }
0x239: {  	[spmem:s2] =	stream.indirect.scatter.add.f32 [tilespmem:s11], [sflag:$0x5], $0x10, s24, s7, $0xb8;
	[tilespmem:$0xF800] =	vst v63  }
0x23a: {  	_ =	swait.ge [sflag:s18], $0x2000  }
0x23b: {  	[sflag:s18] =	ssyncset.done $0x0  }
0x23c: {  	[sflag:s18] =	ssyncadd.s32 $0xFFFFE000  }
0x23d: {  	[spmem:s2] =	stream.indirect.scatter.add.f32 [tilespmem:s10], [sflag:$0x6], $0x10, s23, s7, $0xb8;
	[tilespmem:$0xF800] =	vst v63  }
0x23e: {  	_ =	swait.ge [sflag:s17], $0x2000  }
0x23f: {  	[sflag:s17] =	ssyncset.done $0x0  }
0x240: {  	[sflag:s17] =	ssyncadd.s32 $0xFFFFE000  }
0x241: {  	[spmem:s2] =	stream.indirect.scatter.add.f32 [tilespmem:s9], [sflag:$0x7], $0x10, s22, s7, $0xb8;
	[tilespmem:$0xF800] =	vst v63  }
0x242: {  	_ =	swait.ge [sflag:s16], $0x2000  }
0x243: {  	[sflag:s16] =	ssyncset.done $0x0  }
0x244: {  	s30 =	simm.s32 $0x4E00;
	[sflag:s16] =	ssyncadd.s32 $0xFFFFE000  }
0x245: {  	[spmem:s2] =	stream.indirect.scatter.add.f32 [tilespmem:s8], [sflag:$0x8], $0x10, s30, s7, $0xb8;
	[tilespmem:$0xF800] =	vst v63  }
0x246: {  	_ =	swait.ge [sflag:s12], $0x2000  }
0x247: {  	[sflag:s12] =	ssyncset.done $0x0  }
0x248: {  	[sflag:s12] =	ssyncadd.s32 $0xFFFFE000  }
0x249: {  	_ =	swait.ge [sflag:s13], $0x2000  }
0x24a: {  	[sflag:s13] =	ssyncset.done $0x0  }
0x24b: {  	[sflag:s13] =	ssyncadd.s32 $0xFFFFE000  }
0x24c: {  	_ =	swait.ge [sflag:s14], $0x2000  }
0x24d: {  	[sflag:s14] =	ssyncset.done $0x0  }
0x24e: {  	[sflag:s14] =	ssyncadd.s32 $0xFFFFE000  }
0x24f: {  	_ =	swait.ge [sflag:s15], $0x2000  }
0x250: {  	[sflag:s15] =	ssyncset.done $0x0  }
0x251: {  	[sflag:s15] =	ssyncadd.s32 $0xFFFFE000  }
0x252: {  	[bflag:$0x0] =	sbarrier.arrive $0xFFFF  }
0x253: {  	s31 =	rddreg [dreg:$0x6]  }
0x254: {  	[hbm:s31], [sflag:s3] =	dma.local [spmem:s4], $0x500  }
0x255: {  	_ =	swait.ge [sflag:s5], $0x500  }
0x256: {  	[sflag:s5] =	ssyncset.done $0x0  }
0x257: {  	[sflag:s5] =	ssyncadd.s32 $0xFFFFFB00  }
0x258: {  	_ =	sfence.sel $0x180000  }
0x259: {  	[bflag:$0x0] =	sbarrier.arrive $0xFFFF  }
0x25a: {  	_ =	strace $0x9000004A  }
0x25b: {  	[bflag:$0x2] =	sbarrier.arrive $0xFFFF  }
0x25c: {  	p0 =	sne.s32 s20, $0x0;
	s0 =	rddreg [dreg:$0x2]  }
0x25d: {  	s0 =	sadd.s32 @!p0 $0x100000, s0  }
0x25e: {  	[sflag:s0] =	ssyncadd.tile.s32 @!p0 $0x1;
	_ =	shalt  }
.LBB2_1:
.Ltmp3:
0x25f: {  	(pc) =	sbr.rel .LBB2_6-.Ltmp3, $4  }
0x260: {  	_ = 	snop  }
0x261: {  	s21 =	simm.s32 $0x4600;
	s29 =	simm.s32 $0x2000  }
0x262: {  	s28 =	simm.s32 $0x2400;
	s26 =	simm.s32 $0x2200;
	s25 =	simm.s32 $0x2600  }
0x263: {  	s24 =	simm.s32 $0x4800;
	s23 =	simm.s32 $0x4A00;
	s22 =	simm.s32 $0x4C00  }
.LBB2_3:
.Ltmp4:
0x264: {  	(pc) =	sbr.rel .LBB2_6-.Ltmp4, $4  }
0x265: {  	_ = 	snop  }
0x266: {  	s21 =	simm.s32 $0x4600;
	s29 =	simm.s32 $0x2000;
	s28 =	simm.s32 $0x2400  }
0x267: {  	s26 =	simm.s32 $0x2200;
	s25 =	simm.s32 $0x2600;
	s24 =	simm.s32 $0x4800  }
0x268: {  	s23 =	simm.s32 $0x4A00;
	s22 =	simm.s32 $0x4C00;
	s20 =	stileid.u32  }
.Lfunc_end2:
_tile_overlayer_lowered:
.L_overlay_start_2:
0x269: {  	(tag) =	ssettag $0x2  }
0x26a: {  	s0 =	rddreg [dreg:$0x0];
	s2 =	stileid.u32  }
0x26b: {  	s1 =	rddreg [dreg:$0x1];
	p0 =	sne.s32 s2, $0x0  }
0x26c: {  	s3 =	rddreg [dreg:$0x2];
	[bflag:$0x3] =	sbarrier.arrive $0xFFFF;
	s2 =	simm.s32 @!p0 $0x1C09  }
0x26d: {  	[timem:s3], [sflag:s2] =	dma.local @!p0 [hbm:s0], s1  }
0x26e: {  	s0 =	simm.s32 @!p0 $0x9  }
0x26f: {  	_ =	swait.ge @!p0 [sflag:s0], s1  }
0x270: {  	s1 =	ssub.s32 @!p0 $0x0, s1;
	[sflag:s0] =	ssyncset.done @!p0 $0x0  }
0x271: {  	[sflag:s0] =	ssyncadd.s32 @!p0 s1  }
0x272: {  	[bflag:$0x3] =	sbarrier.arrive $0xFFFF  }
0x273: {  	_ =	shalt  }

// kernel: kernel.15.cloned.1.call-start
scs
__scs_entry_jumppad:
0x0: {  	(pc) =	sbr.rel $0x88, $3  }
0x1: {  	(tag) =	ssettag $0x0;
	lr =	simm.s32 $0x1  }
0x2: {  	[smem:$0x3F9A] =	sst lr;
	_ =	strace $0xD0000000  }
0x3: {  	_ = 	snop  }
0x4: {  	_ = 	snop  }
0x5: {  	_ = 	snop  }
0x6: {  	_ = 	snop  }
0x7: {  	_ = 	snop  }
__scs_overlays_trampoline_lowered:
0x8: {  	[smem:$0x3FA9] =	sst s0  }
0x9: {  	[smem:$0x3FAA] =	sst s1  }
0xa: {  	[smem:$0x3FAB] =	sst s2  }
0xb: {  	[smem:$0x3FAC] =	sst s3  }
0xc: {  	[smem:$0x3FAD] =	sst s4  }
0xd: {  	[smem:$0x3FAE] =	sst s5  }
0xe: {  	[smem:$0x3FAF] =	sst s6  }
0xf: {  	[smem:$0x3FB0] =	sst s7  }
0x10: {  	[smem:$0x3FB1] =	sst s8  }
0x11: {  	[smem:$0x3FB2] =	sst s9;
	s0 =	simm.s32 @!p0 $0x0  }
0x12: {  	s1 =	sld [smem:$0x3F98];
	s0 =	simm.s32 @p0 $0x1  }
0x13: {  	[smem:$0x3FB3] =	sst s0;
	s0 =	simm.s32 @!p1 $0x0  }
0x14: {  	s2 =	sld [smem:$0x3F97];
	s0 =	simm.s32 @p1 $0x1  }
0x15: {  	[smem:$0x3FB4] =	sst s0;
	s0 =	simm.s32 @!p2 $0x0  }
0x16: {  	s3 =	sld [smem:$0x3FDB];
	s0 =	simm.s32 @p2 $0x1  }
0x17: {  	s4 =	simm.s32 $0x1BF5;
	[smem:$0x3FB6] =	sst s0  }
0x18: {  	s0 =	sld [smem:$0x3F99];
	_ =	swait.ge [sflag:s4], $0x0  }
0x19: {  	s7 =	sld [smem:$0x3F9A]  }
0x1a: {  	s8 =	sadd.s32 $0xFFFFE003, lr  }
0x1b: {  	s9 =	sadd.s32 $0xFFFFFEF7, lr;
	s5 =	simm.s32 $0xFFFFFFFF;
	p2 =	slt.u32 s8, $0xFFFFF086  }
0x1c: {  	p1 =	slt.u32 s9, $0xF7A;
	s5 =	simm.s32 @!p2 $0x0  }
0x1d: {  	s5 =	simm.s32 @p1 $0x1;
	p0 =	seq.s32 s7, s2  }
0x1e: {  	s7 =	smul.u32 @!p0 $0xF7A, s2;
	p2 =	seq.s32 @!p0 s5, $0x0  }
0x1f: {  	s9 =	smul.u32 $0xF7A, s1;
	s8 =	simm.s32 @!p0 $0x1BF5;
	p2 =	por !p2, p0  }
0x20: {  	[sflag:s8] =	ssyncset.s32 @!p0 $0xFFFFF086;
	s6 =	sadd.s32 @!p0 s3, s7;
	s7 =	simm.s32 @!p0 $0x108  }
0x21: {  	s3 =	sadd.s32 s3, s9;
	s6 =	sadd.s32 @!p0 $0x88, s6;
	s7 =	simm.s32 @p2 $0x1082  }
0x22: {  	[simem:s7], [sflag:s8] =	dma.local @!p0 [hbm:s6], $0xF7A  }
0x23: {  	s9 =	sor.u32 $0xD0000000, s2;
	s6 =	simm.s32 $0x108;
	_ =	swait.ge @!p0 [sflag:s8], $0x0  }
0x24: {  	s3 =	sadd.s32 $0x88, s3;
	s6 =	simm.s32 @!p1 $0x1082;
	[sflag:s4] =	ssyncset.s32 $0xFFFFF086  }
0x25: {  	[simem:s6], [sflag:s4] =	dma.local [hbm:s3], $0xF7A  }
0x26: {  	[smem:$0x3F9A] =	sst s1;
	(tag) =	ssettag s2;
	_ =	strace s9  }
0x27: {  	s1 =	sld [smem:$0x3FAA]  }
0x28: {  	s2 =	sld [smem:$0x3FAB]  }
0x29: {  	s4 =	sld [smem:$0x3FAD]  }
0x2a: {  	p0 =	seq.s32 s5, $0x0;
	s5 =	sld [smem:$0x3FAE]  }
0x2b: {  	s6 =	sld [smem:$0x3FAF]  }
0x2c: {  	s7 =	sld [smem:$0x3FB0]  }
0x2d: {  	s3 =	simm.s32 $0x108;
	s8 =	sld [smem:$0x3FB1]  }
0x2e: {  	s3 =	simm.s32 @!p0 $0x1082;
	s9 =	sld [smem:$0x3FB2]  }
0x2f: {  	lr =	sadd.s32 s0, s3;
	s0 =	sld [smem:$0x3FA9]  }
0x30: {  	s3 =	sld [smem:$0x3FAC]  }
0x31: {  	[smem:$0x3FB5] =	sst s10  }
0x32: {  	s10 =	sld [smem:$0x3FB3];
	_ =	sdelay $0x3  }
0x33: {  	p0 =	seq.s32 s10, $0x1;
	s10 =	sld [smem:$0x3FB5];
	_ =	sdelay $0x3  }
0x34: {  	[smem:$0x3FB5] =	sst s10  }
0x35: {  	s10 =	sld [smem:$0x3FB4];
	_ =	sdelay $0x3  }
0x36: {  	p1 =	seq.s32 s10, $0x1;
	s10 =	sld [smem:$0x3FB5];
	_ =	sdelay $0x3  }
0x37: {  	[smem:$0x3FB5] =	sst s10  }
0x38: {  	s10 =	sld [smem:$0x3FB6]  }
0x39: {  	_ = 	snop;
	(pc) =	sbr.ind lr, $3  }
0x3a: {  	_ = 	snop  }
0x3b: {  	_ = 	snop  }
0x3c: {  	p2 =	seq.s32 s10, $0x1;
	s10 =	sld [smem:$0x3FB5]  }
0x3d: {  	_ =	shalt  }
0x3e: {  	_ =	shalt  }
0x3f: {  	_ =	shalt  }
0x40: {  	_ =	shalt  }
0x41: {  	_ =	shalt  }
0x42: {  	_ =	shalt  }
0x43: {  	_ =	shalt  }
0x44: {  	_ =	shalt  }
0x45: {  	_ =	shalt  }
0x46: {  	_ =	shalt  }
0x47: {  	_ =	shalt  }
0x48: {  	_ =	shalt  }
0x49: {  	_ =	shalt  }
0x4a: {  	_ =	shalt  }
0x4b: {  	_ =	shalt  }
0x4c: {  	_ =	shalt  }
0x4d: {  	_ =	shalt  }
0x4e: {  	_ =	shalt  }
0x4f: {  	_ =	shalt  }
0x50: {  	_ =	shalt  }
0x51: {  	_ =	shalt  }
0x52: {  	_ =	shalt  }
0x53: {  	_ =	shalt  }
0x54: {  	_ =	shalt  }
0x55: {  	_ =	shalt  }
0x56: {  	_ =	shalt  }
0x57: {  	_ =	shalt  }
0x58: {  	_ =	shalt  }
0x59: {  	_ =	shalt  }
0x5a: {  	_ =	shalt  }
0x5b: {  	_ =	shalt  }
0x5c: {  	_ =	shalt  }
0x5d: {  	_ =	shalt  }
0x5e: {  	_ =	shalt  }
0x5f: {  	_ =	shalt  }
0x60: {  	_ =	shalt  }
0x61: {  	_ =	shalt  }
0x62: {  	_ =	shalt  }
0x63: {  	_ =	shalt  }
0x64: {  	_ =	shalt  }
0x65: {  	_ =	shalt  }
0x66: {  	_ =	shalt  }
0x67: {  	_ =	shalt  }
0x68: {  	_ =	shalt  }
0x69: {  	_ =	shalt  }
0x6a: {  	_ =	shalt  }
0x6b: {  	_ =	shalt  }
0x6c: {  	_ =	shalt  }
0x6d: {  	_ =	shalt  }
0x6e: {  	_ =	shalt  }
0x6f: {  	_ =	shalt  }
0x70: {  	_ =	shalt  }
0x71: {  	_ =	shalt  }
0x72: {  	_ =	shalt  }
0x73: {  	_ =	shalt  }
0x74: {  	_ =	shalt  }
0x75: {  	_ =	shalt  }
0x76: {  	_ =	shalt  }
0x77: {  	_ =	shalt  }
0x78: {  	_ =	shalt  }
0x79: {  	_ =	shalt  }
0x7a: {  	_ =	shalt  }
0x7b: {  	_ =	shalt  }
0x7c: {  	_ =	shalt  }
0x7d: {  	_ =	shalt  }
0x7e: {  	_ =	shalt  }
0x7f: {  	_ =	shalt  }
0x80: {  	_ =	shalt  }
0x81: {  	_ =	shalt  }
0x82: {  	_ =	shalt  }
0x83: {  	_ =	shalt  }
0x84: {  	_ =	shalt  }
0x85: {  	_ =	shalt  }
0x86: {  	_ =	shalt  }
0x87: {  	_ =	shalt  }
.Lfunc_end0:
.L_simem_size_0:
called_computation.2_lowered:
.L_overlay_start_0:
0x88: {  	s2 =	sld [smem:$0x3FD9]  }
0x89: {  	s3 =	sld [smem:$0x3FFE];
	_ =	sdelay $0x1  }
0x8a: {  	s1 =	srdreg.scid  }
0x8b: {  	s0 =	sand.u32 $0x1, s1  }
0x8c: {  	s16 =	sshll.u32 s0, $0xA;
	s2 =	sadd.s32 s3, s2  }
0x8d: {  	s2 =	sadd.s32 s2, s16  }
0x8e: {  	[smem:$0x3FC1] =	sst s2  }
0x8f: {  	_ = 	snop  }
0x90: {  	(tm) =	ssettm $0x1  }
0x91: {  	s17 =	sld [smem:$0x3FFB];
	_ =	sdelay $0x3  }
0x92: {  	_ =	strace s17  }
0x93: {  	s2 =	sld [smem:$0x3FFC];
	_ =	sdelay $0x3  }
0x94: {  	_ =	strace s2  }
0x95: {  	s2 =	sld [smem:$0x3FFD];
	_ =	sdelay $0x3  }
0x96: {  	_ =	strace s2  }
0x97: {  	_ =	strace $0x8FFFFFFF  }
0x98: {  	s18 =	sld [smem:$0x3FDB];
	_ =	sdelay $0x1  }
0x99: {  	s19 =	simm.s32 $_scs_section_size  }
0x9a: {  	s4 =	simm.s32 $_size__tile_overlayer_lowered;
	s5 =	simm.s32 $_tile_overlayer_lowered  }
0x9b: {  	s22 =	simm.s32 $0x1BFF;
	s21 =	sshll.u32 s5, $0x1;
	s2 =	sadd.s32 s19, s18  }
0x9c: {  	s6 =	simm.s32 $0x0;
	s20 =	sshll.u32 s4, $0x1;
	s4 =	sadd.s32 s21, s2  }
0x9d: {  	[timem:s6], [sflag:s22] =	dma.local [hbm:s4], s20  }
0x9e: {  	_ =	swait.ge [sflag:s22], s20  }
0x9f: {  	s3 =	ssub.s32 $0x0, s20;
	[sflag:s22] =	ssyncset.done $0x0  }
0xa0: {  	[sflag:s22] =	ssyncadd.s32 s3;
	_ =	sdelay $0x1  }
0xa1: {  	s23 =	simm.s32 $0x1B8B  }
0xa2: {  	_ =	swait.ge [sflag:s23], $0x1  }
0xa3: {  	[sflag:s23] =	ssyncset.done $0x0  }
0xa4: {  	s25 =	simm.s32 $0x1B8E;
	s24 =	sld [smem:$0x3FFE];
	[sflag:s23] =	ssyncadd.s32 $0xFFFFFFFF  }
0xa5: {  	s26 =	simm.s32 $execute0_lowered;
	[smem:$0x3FD2] =	sst s25  }
0xa6: {  	s4 =	sshll.u32 s26, $0x1;
	_ =	strace $0x8000004C;
	[dreg:$0x1] =	wrdreg $0xFFFFFFFF  }
0xa7: {  	s28 =	simm.s32 $_size_execute0_lowered;
	s2 =	sadd.s32 s2, s4;
	[dreg:$0x0] =	wrdreg $0x0  }
0xa8: {  	s4 =	sshll.u32 s28, $0x1;
	[dreg:$0x2] =	wrdreg s2  }
0xa9: {  	[dreg:$0x3] =	wrdreg s4  }
0xaa: {  	[dreg:$0x4] =	wrdreg $0xC0  }
0xab: {  	_ =	task [dreg:s6], $0x5FFFF  }
0xac: {  	[dreg:$0x1] =	wrdreg $0xFFFFFFFF  }
0xad: {  	[dreg:$0x0] =	wrdreg $0x60  }
0xae: {  	[dreg:$0x2] =	wrdreg s24  }
0xaf: {  	[dreg:$0x3] =	wrdreg $0xD0000  }
0xb0: {  	[dreg:$0x4] =	wrdreg $0x9  }
0xb1: {  	_ =	task.clear_ibuf [dreg:s6], $0x5FFFF;
	_ =	strace $0x9000004C  }
0xb2: {  	s29 =	simm.s32 $0x9;
	_ =	strace $0x8000004E  }
0xb3: {  	_ =	swait.ge [sflag:s29], $0x1  }
0xb4: {  	[sflag:s29] =	ssyncadd.s32 $0xFFFFFFFF  }
0xb5: {  	_ =	strace $0x9000004E  }
0xb6: {  	_ =	sfence  }
0xb7: {  	s30 =	sld [smem:$0x0];
	_ =	sdelay $0x2  }
0xb8: {  	s31 =	sshll.u32 s1, $0xD;
	s1 =	sshrl.u32 s1, $0x2  }
0xb9: {  	s3 =	sand.u32 $0x4000, s31;
	s1 =	sadd.s32 s1, s30  }
0xba: {  	s0 =	sor.u32 s3, s0;
	s1 =	sshll.u32 s1, $0x11  }
0xbb: {  	s0 =	sor.u32 s1, s0  }
0xbc: {  	s0 =	sadd.s32 $0x8F2B, s0  }
0xbd: {  	[sflag:s0] =	ssyncadd.remote.s32 $0x1  }
0xbe: {  	_ =	sfence.sel $0xFFFF  }
0xbf: {  	[dreg:$0x0] =	wrdreg $0xFFFFFFFF;
	(pc) =	sbr.abs _section_cstart, $3  }
0xc0: {  	[dreg:$0x1] =	wrdreg $0xFFFFFFFF  }
0xc1: {  	_ =	task.clear_ibuf [dreg:s6], $0x2FFFF;
	_ =	strace $0x9FFFFFFF  }
0xc2: {  	(tm) =	ssettm $0x7FFFFFFF  }
0xc3: {  	_ =	shalt  }
tec
execute0_lowered:
.L_overlay_start_1:
0x0: {  	(tag) =	ssettag $0x1  }
0x1: {  	s3 =	rddreg [dreg:$0x0]  }
0x2: {  	s2 =	rddreg [dreg:$0x1];
	s30 =	simm.s32 $0x0  }
0x3: {  	[smem:$0x7FF] =	sst s30;
	s6 =	sadd.s32 $0x7200, s3  }
0x4: {  	s14 =	simm.s32 $0x400;
	_ =	strace $0x8000004D;
	[dreg:$0x3] =	wrdreg s6  }
0x5: {  	s0 =	srdreg.scid;
	s15 =	simm.s32 $0x600;
	[dreg:$0x7] =	wrdreg s14  }
0x6: {  	s20 =	stileid.u32;
	s16 =	simm.s32 $0x2A00;
	[dreg:$0x8] =	wrdreg s15  }
0x7: {  	s17 =	simm.s32 $0x2C00;
	s18 =	simm.s32 $0x2E00;
	[dreg:$0x9] =	wrdreg s16  }
0x8: {  	s19 =	simm.s32 $0x800;
	s21 =	simm.s32 $0xA00;
	[dreg:$0xa] =	wrdreg s17  }
0x9: {  	s23 =	simm.s32 $0xC00;
	s24 =	simm.s32 $0xE00;
	[dreg:$0xb] =	wrdreg s18  }
0xa: {  	s25 =	simm.s32 $0x3000;
	s7 =	simm.s32 $0x3400;
	[dreg:$0xc] =	wrdreg s19  }
0xb: {  	s8 =	simm.s32 $0x3600;
	s9 =	simm.s32 $0x1000;
	[dreg:$0xd] =	wrdreg s21  }
0xc: {  	s10 =	simm.s32 $0x1200;
	s31 =	simm.s32 $0x2800;
	[dreg:$0xe] =	wrdreg s23  }
0xd: {  	s11 =	simm.s32 $0x1400;
	s29 =	simm.s32 $0x2000;
	[dreg:$0xf] =	wrdreg s24  }
0xe: {  	p0 =	por $0x0, $0x0;
	s28 =	simm.s32 $0x2400;
	[dreg:$0x10] =	wrdreg s25  }
0xf: {  	s0 =	sand.u32 $0x1, s0;
	s4 =	smul.u32 $0x2800, s20;
	[dreg:$0x12] =	wrdreg s7  }
0x10: {  	s26 =	sshll.u32 s20, $0x6;
	s1 =	sshll.u32 s0, $0x4;
	[dreg:$0x13] =	wrdreg s8  }
0x11: {  	s5 =	smul.u32 $0x28000, s0;
	s6 =	sadd.s32 $0x2200, s3;
	[dreg:$0x14] =	wrdreg s9  }
0x12: {  	s0 =	ssub.s32 $0x2, s0;
	[dreg:$0x15] =	wrdreg s10;
	s7 =	simm.s32 $0x200  }
0x13: {  	[dreg:$0x16] =	wrdreg s11;
	s11 =	simm.s32 $0x5000;
	s10 =	simm.s32 $0x7000  }
0x14: {  	s14 =	simm.s32 $0x3A00;
	s9 =	simm.s32 $0x9000;
	s15 =	simm.s32 $0x3C00  }
0x15: {  	s8 =	simm.s32 $0xB000;
	s16 =	simm.s32 $0x3E00;
	[dreg:$0x19] =	wrdreg s14  }
0x16: {  	s19 =	simm.s32 $0x1;
	s17 =	simm.s32 $0x1800;
	[dreg:$0x1a] =	wrdreg s15  }
0x17: {  	s18 =	simm.s32 $0x2;
	s21 =	simm.s32 $0x1A00;
	[dreg:$0x1b] =	wrdreg s16  }
0x18: {  	s23 =	simm.s32 $0x1E00;
	s24 =	simm.s32 $0x4000;
	[dreg:$0x1c] =	wrdreg s17  }
0x19: {  	s25 =	simm.s32 $0x4200;
	s1 =	sor.u32 s20, s1;
	[dreg:$0x1d] =	wrdreg s21  }
0x1a: {  	s22 =	sshrl.u32 s0, $0x1;
	s17 =	simm.s32 $0x3;
	[dreg:$0x1f] =	wrdreg s23  }
0x1b: {  	s16 =	simm.s32 $0x4;
	[smem:$0x7FB] =	sst s24;
	s14 =	simm.s32 $0x7  }
0x1c: {  	[smem:$0x7FC] =	sst s25;
	s15 =	simm.s32 $0x8;
	s25 =	simm.s32 $0x2600  }
0x1d: {  	s24 =	simm.s32 $0x4800;
	s23 =	simm.s32 $0x4A00;
	s21 =	simm.s32 $0x4E00  }
0x1e: {  	s1 =	smul.u32 $0x2800, s1;
	s5 =	sadd.s32 s4, s5;
	s0 =	ssub.s32 s0, s22  }
0x1f: {  	s4 =	sadd.s32 s4, s2;
	s22 =	simm.s32 $0x1C00;
	s5 =	sshrl.u32 s5, $0x3  }
0x20: {  	s0 =	smax.u32 s0, $0x1;
	s4 =	sshrl.u32 s4, $0x3;
	s5 =	sadd.s32 s5, s3  }
0x21: {  	[dreg:$0x1e] =	wrdreg s22;
	s1 =	sshrl.u32 s1, $0x3;
	s13 =	sadd.s32 $0x7800, s5  }
0x22: {  	s1 =	sadd.s32 s1, s3;
	s5 =	simm.s32 $0x3200;
	[dreg:$0x6] =	wrdreg s13  }
0x23: {  	s3 =	sor.u32 $0x1C09, s26;
	s26 =	simm.s32 $0x4400;
	[dreg:$0x11] =	wrdreg s5  }
0x24: {  	p1 =	sne.s32 s0, $0x1;
	s12 =	sadd.s32 $0x16600, s1;
	[smem:$0x7FD] =	sst s26  }
.Ltmp0:
0x25: {  	s1 =	sadd.s32 $0x20600, s1;
	[dreg:$0x4] =	wrdreg s12;
	(pc) =	sbr.rel @!p1 .LBB2_1-.Ltmp0, $4  }
0x26: {  	s22 =	simm.s32 $0x4C00;
	s13 =	simm.s32 $0x3800;
	[dreg:$0x5] =	wrdreg s1  }
0x27: {  	s5 =	simm.s32 $0x9;
	s26 =	simm.s32 $0x4600;
	[dreg:$0x18] =	wrdreg s13  }
0x28: {  	s12 =	simm.s32 $0x1600;
	s1 =	sadd.s32 $0xFFFFFFFF, s0;
	s0 =	rddreg [dreg:$0x3]  }
0x29: {  	s13 =	simm.s32 $0x6;
	[dreg:$0x17] =	wrdreg s12;
	s12 =	simm.s32 $0x5  }
0x2a: {  	[spmem:s4], [sflag:s3] =	dma.local [hbm:s0], $0x500  }
0x2b: {  	_ =	swait.ge [sflag:s5], $0x500  }
0x2c: {  	[sflag:s5] =	ssyncset.done $0x0  }
0x2d: {  	s20 =	rddreg [dreg:$0x4];
	[sflag:s5] =	ssyncadd.s32 $0xFFFFFB00  }
0x2e: {  	[tilespmem:s30], [sflag:$0x9] =	stream.linear.gather [hbm4b:s20+s30], $0x2800, $0x38;
	[tilespmem:$0xF800] =	vst v63  }
0x2f: {  	_ =	swait.ge [sflag:s5], $0x2800  }
0x30: {  	[sflag:s5] =	ssyncset.done $0x0  }
0x31: {  	s20 =	rddreg [dreg:$0x5];
	[sflag:s5] =	ssyncadd.s32 $0xFFFFD800  }
0x32: {  	[tilespmem:s31], [sflag:$0x9] =	stream.linear.gather [hbm4b:s20+s30], $0x2800, $0x38;
	[tilespmem:$0xF800] =	vst v63  }
0x33: {  	_ =	swait.ge [sflag:s5], $0x2800  }
0x34: {  	[sflag:s5] =	ssyncset.done $0x0  }
0x35: {  	[sflag:s5] =	ssyncadd.s32 $0xFFFFD800  }
0x36: {  	[bflag:$0x0] =	sbarrier.arrive $0xFFFF  }
0x37: {  	[tilespmem:s11], [sflag:$0x1] =	stream.indirect.gather [hbm4b:s6+s7], $0x10, s30, s7, $0xb8;
	[tilespmem:$0xF800] =	vst v63  }
0x38: {  	_ = 	snop  }
0x39: {  	[tilespmem:s10], [sflag:$0x2] =	stream.indirect.gather [hbm4b:s6+s7], $0x10, s7, s7, $0xb8;
	[tilespmem:$0xF800] =	vst v63  }
0x3a: {  	s0 =	rddreg [dreg:$0x7]  }
0x3b: {  	[tilespmem:s9], [sflag:$0x3] =	stream.indirect.gather [hbm4b:s6+s7], $0x10, s0, s7, $0xb8;
	[tilespmem:$0xF800] =	vst v63  }
0x3c: {  	s20 =	smov.u32 s1;
	s1 =	rddreg [dreg:$0x8]  }
0x3d: {  	[tilespmem:s8], [sflag:$0x4] =	stream.indirect.gather [hbm4b:s6+s7], $0x10, s1, s7, $0xb8;
	[tilespmem:$0xF800] =	vst v63  }
0x3e: {  	_ =	swait.ge [sflag:s19], $0x2000  }
0x3f: {  	[sflag:s19] =	ssyncset.done $0x0  }
0x40: {  	[sflag:s19] =	ssyncadd.s32 $0xFFFFE000  }
0x41: {  	[spmem:s2] =	stream.indirect.scatter.add.f32 [tilespmem:s11], [sflag:$0x5], $0x10, s31, s7, $0xb8;
	[tilespmem:$0xF800] =	vst v63  }
0x42: {  	_ =	swait.ge [sflag:s18], $0x2000  }
0x43: {  	[sflag:s18] =	ssyncset.done $0x0  }
0x44: {  	s1 =	rddreg [dreg:$0x9];
	[sflag:s18] =	ssyncadd.s32 $0xFFFFE000  }
0x45: {  	[spmem:s2] =	stream.indirect.scatter.add.f32 [tilespmem:s10], [sflag:$0x6], $0x10, s1, s7, $0xb8;
	[tilespmem:$0xF800] =	vst v63  }
0x46: {  	_ =	swait.ge [sflag:s17], $0x2000  }
0x47: {  	[sflag:s17] =	ssyncset.done $0x0  }
0x48: {  	s1 =	rddreg [dreg:$0xa];
	[sflag:s17] =	ssyncadd.s32 $0xFFFFE000  }
0x49: {  	[spmem:s2] =	stream.indirect.scatter.add.f32 [tilespmem:s9], [sflag:$0x7], $0x10, s1, s7, $0xb8;
	[tilespmem:$0xF800] =	vst v63  }
0x4a: {  	_ =	swait.ge [sflag:s16], $0x2000  }
0x4b: {  	[sflag:s16] =	ssyncset.done $0x0  }
0x4c: {  	s1 =	rddreg [dreg:$0xb];
	[sflag:s16] =	ssyncadd.s32 $0xFFFFE000  }
0x4d: {  	[spmem:s2] =	stream.indirect.scatter.add.f32 [tilespmem:s8], [sflag:$0x8], $0x10, s1, s7, $0xb8;
	[tilespmem:$0xF800] =	vst v63  }
0x4e: {  	_ =	swait.ge [sflag:s12], $0x2000  }
0x4f: {  	[sflag:s12] =	ssyncset.done $0x0  }
0x50: {  	s1 =	rddreg [dreg:$0xc];
	[sflag:s12] =	ssyncadd.s32 $0xFFFFE000  }
0x51: {  	[tilespmem:s11], [sflag:$0x1] =	stream.indirect.gather [hbm4b:s6+s7], $0x10, s1, s7, $0xb8;
	[tilespmem:$0xF800] =	vst v63  }
0x52: {  	_ =	swait.ge [sflag:s13], $0x2000  }
0x53: {  	[sflag:s13] =	ssyncset.done $0x0  }
0x54: {  	s1 =	rddreg [dreg:$0xd];
	[sflag:s13] =	ssyncadd.s32 $0xFFFFE000  }
0x55: {  	[tilespmem:s10], [sflag:$0x2] =	stream.indirect.gather [hbm4b:s6+s7], $0x10, s1, s7, $0xb8;
	[tilespmem:$0xF800] =	vst v63  }
0x56: {  	_ =	swait.ge [sflag:s14], $0x2000  }
0x57: {  	[sflag:s14] =	ssyncset.done $0x0  }
0x58: {  	s1 =	rddreg [dreg:$0xe];
	[sflag:s14] =	ssyncadd.s32 $0xFFFFE000  }
0x59: {  	[tilespmem:s9], [sflag:$0x3] =	stream.indirect.gather [hbm4b:s6+s7], $0x10, s1, s7, $0xb8;
	[tilespmem:$0xF800] =	vst v63  }
0x5a: {  	_ =	swait.ge [sflag:s15], $0x2000  }
0x5b: {  	[sflag:s15] =	ssyncset.done $0x0  }
0x5c: {  	s1 =	rddreg [dreg:$0xf];
	[sflag:s15] =	ssyncadd.s32 $0xFFFFE000  }
0x5d: {  	[tilespmem:s8], [sflag:$0x4] =	stream.indirect.gather [hbm4b:s6+s7], $0x10, s1, s7, $0xb8;
	[tilespmem:$0xF800] =	vst v63  }
0x5e: {  	_ =	swait.ge [sflag:s19], $0x2000  }
0x5f: {  	[sflag:s19] =	ssyncset.done $0x0  }
0x60: {  	s1 =	rddreg [dreg:$0x10];
	[sflag:s19] =	ssyncadd.s32 $0xFFFFE000  }
0x61: {  	[spmem:s2] =	stream.indirect.scatter.add.f32 [tilespmem:s11], [sflag:$0x5], $0x10, s1, s7, $0xb8;
	[tilespmem:$0xF800] =	vst v63  }
0x62: {  	_ =	swait.ge [sflag:s18], $0x2000  }
0x63: {  	[sflag:s18] =	ssyncset.done $0x0  }
0x64: {  	s1 =	rddreg [dreg:$0x11];
	[sflag:s18] =	ssyncadd.s32 $0xFFFFE000  }
0x65: {  	[spmem:s2] =	stream.indirect.scatter.add.f32 [tilespmem:s10], [sflag:$0x6], $0x10, s1, s7, $0xb8;
	[tilespmem:$0xF800] =	vst v63  }
0x66: {  	_ =	swait.ge [sflag:s17], $0x2000  }
0x67: {  	[sflag:s17] =	ssyncset.done $0x0  }
0x68: {  	s1 =	rddreg [dreg:$0x12];
	[sflag:s17] =	ssyncadd.s32 $0xFFFFE000  }
0x69: {  	[spmem:s2] =	stream.indirect.scatter.add.f32 [tilespmem:s9], [sflag:$0x7], $0x10, s1, s7, $0xb8;
	[tilespmem:$0xF800] =	vst v63  }
0x6a: {  	_ =	swait.ge [sflag:s16], $0x2000  }
0x6b: {  	[sflag:s16] =	ssyncset.done $0x0  }
0x6c: {  	s1 =	rddreg [dreg:$0x13];
	[sflag:s16] =	ssyncadd.s32 $0xFFFFE000  }
0x6d: {  	[spmem:s2] =	stream.indirect.scatter.add.f32 [tilespmem:s8], [sflag:$0x8], $0x10, s1, s7, $0xb8;
	[tilespmem:$0xF800] =	vst v63  }
0x6e: {  	_ =	swait.ge [sflag:s12], $0x2000  }
0x6f: {  	[sflag:s12] =	ssyncset.done $0x0  }
0x70: {  	s1 =	rddreg [dreg:$0x14];
	[sflag:s12] =	ssyncadd.s32 $0xFFFFE000  }
0x71: {  	[tilespmem:s11], [sflag:$0x1] =	stream.indirect.gather [hbm4b:s6+s7], $0x10, s1, s7, $0xb8;
	[tilespmem:$0xF800] =	vst v63  }
0x72: {  	_ =	swait.ge [sflag:s13], $0x2000  }
0x73: {  	[sflag:s13] =	ssyncset.done $0x0  }
0x74: {  	s1 =	rddreg [dreg:$0x15];
	[sflag:s13] =	ssyncadd.s32 $0xFFFFE000  }
0x75: {  	[tilespmem:s10], [sflag:$0x2] =	stream.indirect.gather [hbm4b:s6+s7], $0x10, s1, s7, $0xb8;
	[tilespmem:$0xF800] =	vst v63  }
0x76: {  	_ =	swait.ge [sflag:s14], $0x2000  }
0x77: {  	[sflag:s14] =	ssyncset.done $0x0  }
0x78: {  	s1 =	rddreg [dreg:$0x16];
	[sflag:s14] =	ssyncadd.s32 $0xFFFFE000  }
0x79: {  	[tilespmem:s9], [sflag:$0x3] =	stream.indirect.gather [hbm4b:s6+s7], $0x10, s1, s7, $0xb8;
	[tilespmem:$0xF800] =	vst v63  }
0x7a: {  	_ =	swait.ge [sflag:s15], $0x2000  }
0x7b: {  	[sflag:s15] =	ssyncset.done $0x0  }
0x7c: {  	s1 =	rddreg [dreg:$0x17];
	[sflag:s15] =	ssyncadd.s32 $0xFFFFE000  }
0x7d: {  	[tilespmem:s8], [sflag:$0x4] =	stream.indirect.gather [hbm4b:s6+s7], $0x10, s1, s7, $0xb8;
	[tilespmem:$0xF800] =	vst v63  }
0x7e: {  	_ =	swait.ge [sflag:s19], $0x2000  }
0x7f: {  	[sflag:s19] =	ssyncset.done $0x0  }
0x80: {  	s1 =	rddreg [dreg:$0x18];
	[sflag:s19] =	ssyncadd.s32 $0xFFFFE000  }
0x81: {  	[spmem:s2] =	stream.indirect.scatter.add.f32 [tilespmem:s11], [sflag:$0x5], $0x10, s1, s7, $0xb8;
	[tilespmem:$0xF800] =	vst v63  }
0x82: {  	_ =	swait.ge [sflag:s18], $0x2000  }
0x83: {  	[sflag:s18] =	ssyncset.done $0x0  }
0x84: {  	s1 =	rddreg [dreg:$0x19];
	[sflag:s18] =	ssyncadd.s32 $0xFFFFE000  }
0x85: {  	[spmem:s2] =	stream.indirect.scatter.add.f32 [tilespmem:s10], [sflag:$0x6], $0x10, s1, s7, $0xb8;
	[tilespmem:$0xF800] =	vst v63  }
0x86: {  	_ =	swait.ge [sflag:s17], $0x2000  }
0x87: {  	[sflag:s17] =	ssyncset.done $0x0  }
0x88: {  	s1 =	rddreg [dreg:$0x1a];
	[sflag:s17] =	ssyncadd.s32 $0xFFFFE000  }
0x89: {  	[spmem:s2] =	stream.indirect.scatter.add.f32 [tilespmem:s9], [sflag:$0x7], $0x10, s1, s7, $0xb8;
	[tilespmem:$0xF800] =	vst v63  }
0x8a: {  	_ =	swait.ge [sflag:s16], $0x2000  }
0x8b: {  	[sflag:s16] =	ssyncset.done $0x0  }
0x8c: {  	s1 =	rddreg [dreg:$0x1b];
	[sflag:s16] =	ssyncadd.s32 $0xFFFFE000  }
0x8d: {  	[spmem:s2] =	stream.indirect.scatter.add.f32 [tilespmem:s8], [sflag:$0x8], $0x10, s1, s7, $0xb8;
	[tilespmem:$0xF800] =	vst v63  }
0x8e: {  	_ =	swait.ge [sflag:s12], $0x2000  }
0x8f: {  	[sflag:s12] =	ssyncset.done $0x0  }
0x90: {  	s1 =	rddreg [dreg:$0x1c];
	[sflag:s12] =	ssyncadd.s32 $0xFFFFE000  }
0x91: {  	[tilespmem:s11], [sflag:$0x1] =	stream.indirect.gather [hbm4b:s6+s7], $0x10, s1, s7, $0xb8;
	[tilespmem:$0xF800] =	vst v63  }
0x92: {  	_ =	swait.ge [sflag:s13], $0x2000  }
0x93: {  	[sflag:s13] =	ssyncset.done $0x0  }
0x94: {  	s1 =	rddreg [dreg:$0x1d];
	[sflag:s13] =	ssyncadd.s32 $0xFFFFE000  }
0x95: {  	[tilespmem:s10], [sflag:$0x2] =	stream.indirect.gather [hbm4b:s6+s7], $0x10, s1, s7, $0xb8;
	[tilespmem:$0xF800] =	vst v63  }
0x96: {  	_ =	swait.ge [sflag:s14], $0x2000  }
0x97: {  	[sflag:s14] =	ssyncset.done $0x0  }
0x98: {  	s1 =	rddreg [dreg:$0x1e];
	[sflag:s14] =	ssyncadd.s32 $0xFFFFE000  }
0x99: {  	[tilespmem:s9], [sflag:$0x3] =	stream.indirect.gather [hbm4b:s6+s7], $0x10, s1, s7, $0xb8;
	[tilespmem:$0xF800] =	vst v63  }
0x9a: {  	_ =	swait.ge [sflag:s15], $0x2000  }
0x9b: {  	[sflag:s15] =	ssyncset.done $0x0  }
0x9c: {  	s1 =	rddreg [dreg:$0x1f];
	[sflag:s15] =	ssyncadd.s32 $0xFFFFE000  }
0x9d: {  	[tilespmem:s8], [sflag:$0x4] =	stream.indirect.gather [hbm4b:s6+s7], $0x10, s1, s7, $0xb8;
	[tilespmem:$0xF800] =	vst v63  }
0x9e: {  	_ =	swait.ge [sflag:s19], $0x2000  }
0x9f: {  	s1 =	sld [smem:$0x7FB]  }
0xa0: {  	[sflag:s19] =	ssyncset.done $0x0  }
0xa1: {  	[sflag:s19] =	ssyncadd.s32 $0xFFFFE000  }
0xa2: {  	[spmem:s2] =	stream.indirect.scatter.add.f32 [tilespmem:s11], [sflag:$0x5], $0x10, s1, s7, $0xb8;
	[tilespmem:$0xF800] =	vst v63  }
0xa3: {  	_ =	swait.ge [sflag:s18], $0x2000  }
0xa4: {  	s1 =	sld [smem:$0x7FC]  }
0xa5: {  	[sflag:s18] =	ssyncset.done $0x0  }
0xa6: {  	[sflag:s18] =	ssyncadd.s32 $0xFFFFE000  }
0xa7: {  	[spmem:s2] =	stream.indirect.scatter.add.f32 [tilespmem:s10], [sflag:$0x6], $0x10, s1, s7, $0xb8;
	[tilespmem:$0xF800] =	vst v63  }
0xa8: {  	_ =	swait.ge [sflag:s17], $0x2000  }
0xa9: {  	s1 =	sld [smem:$0x7FD]  }
0xaa: {  	[sflag:s17] =	ssyncset.done $0x0  }
0xab: {  	[sflag:s17] =	ssyncadd.s32 $0xFFFFE000  }
0xac: {  	[spmem:s2] =	stream.indirect.scatter.add.f32 [tilespmem:s9], [sflag:$0x7], $0x10, s1, s7, $0xb8;
	[tilespmem:$0xF800] =	vst v63  }
0xad: {  	_ =	swait.ge [sflag:s16], $0x2000  }
0xae: {  	[sflag:s16] =	ssyncset.done $0x0  }
0xaf: {  	[sflag:s16] =	ssyncadd.s32 $0xFFFFE000  }
0xb0: {  	[spmem:s2] =	stream.indirect.scatter.add.f32 [tilespmem:s8], [sflag:$0x8], $0x10, s26, s7, $0xb8;
	[tilespmem:$0xF800] =	vst v63  }
0xb1: {  	_ =	swait.ge [sflag:s12], $0x2000  }
0xb2: {  	[sflag:s12] =	ssyncset.done $0x0  }
0xb3: {  	[sflag:s12] =	ssyncadd.s32 $0xFFFFE000  }
0xb4: {  	[tilespmem:s11], [sflag:$0x1] =	stream.indirect.gather [hbm4b:s6+s7], $0x10, s29, s7, $0xb8;
	[tilespmem:$0xF800] =	vst v63  }
0xb5: {  	_ =	swait.ge [sflag:s13], $0x2000  }
0xb6: {  	[sflag:s13] =	ssyncset.done $0x0  }
0xb7: {  	s1 =	simm.s32 $0x2200;
	[sflag:s13] =	ssyncadd.s32 $0xFFFFE000  }
0xb8: {  	[tilespmem:s10], [sflag:$0x2] =	stream.indirect.gather [hbm4b:s6+s7], $0x10, s1, s7, $0xb8;
	[tilespmem:$0xF800] =	vst v63  }
0xb9: {  	_ =	swait.ge [sflag:s14], $0x2000  }
0xba: {  	[sflag:s14] =	ssyncset.done $0x0  }
0xbb: {  	[sflag:s14] =	ssyncadd.s32 $0xFFFFE000  }
0xbc: {  	[tilespmem:s9], [sflag:$0x3] =	stream.indirect.gather [hbm4b:s6+s7], $0x10, s28, s7, $0xb8;
	[tilespmem:$0xF800] =	vst v63  }
0xbd: {  	_ =	swait.ge [sflag:s15], $0x2000  }
0xbe: {  	[sflag:s15] =	ssyncset.done $0x0  }
0xbf: {  	[sflag:s15] =	ssyncadd.s32 $0xFFFFE000  }
0xc0: {  	[tilespmem:s8], [sflag:$0x4] =	stream.indirect.gather [hbm4b:s6+s7], $0x10, s25, s7, $0xb8;
	[tilespmem:$0xF800] =	vst v63  }
0xc1: {  	_ =	swait.ge [sflag:s19], $0x2000  }
0xc2: {  	[sflag:s19] =	ssyncset.done $0x0  }
0xc3: {  	[sflag:s19] =	ssyncadd.s32 $0xFFFFE000  }
0xc4: {  	[spmem:s2] =	stream.indirect.scatter.add.f32 [tilespmem:s11], [sflag:$0x5], $0x10, s24, s7, $0xb8;
	[tilespmem:$0xF800] =	vst v63  }
0xc5: {  	_ =	swait.ge [sflag:s18], $0x2000  }
0xc6: {  	[sflag:s18] =	ssyncset.done $0x0  }
0xc7: {  	[sflag:s18] =	ssyncadd.s32 $0xFFFFE000  }
0xc8: {  	[spmem:s2] =	stream.indirect.scatter.add.f32 [tilespmem:s10], [sflag:$0x6], $0x10, s23, s7, $0xb8;
	[tilespmem:$0xF800] =	vst v63  }
0xc9: {  	_ =	swait.ge [sflag:s17], $0x2000  }
0xca: {  	[sflag:s17] =	ssyncset.done $0x0  }
0xcb: {  	[sflag:s17] =	ssyncadd.s32 $0xFFFFE000  }
0xcc: {  	[spmem:s2] =	stream.indirect.scatter.add.f32 [tilespmem:s9], [sflag:$0x7], $0x10, s22, s7, $0xb8;
	[tilespmem:$0xF800] =	vst v63  }
0xcd: {  	_ =	swait.ge [sflag:s16], $0x2000  }
0xce: {  	[sflag:s16] =	ssyncset.done $0x0  }
0xcf: {  	[sflag:s16] =	ssyncadd.s32 $0xFFFFE000  }
0xd0: {  	[spmem:s2] =	stream.indirect.scatter.add.f32 [tilespmem:s8], [sflag:$0x8], $0x10, s21, s7, $0xb8;
	[tilespmem:$0xF800] =	vst v63  }
0xd1: {  	_ =	swait.ge [sflag:s12], $0x2000  }
0xd2: {  	[sflag:s12] =	ssyncset.done $0x0  }
0xd3: {  	[sflag:s12] =	ssyncadd.s32 $0xFFFFE000  }
0xd4: {  	_ =	swait.ge [sflag:s13], $0x2000  }
0xd5: {  	[sflag:s13] =	ssyncset.done $0x0  }
0xd6: {  	[sflag:s13] =	ssyncadd.s32 $0xFFFFE000  }
0xd7: {  	_ =	swait.ge [sflag:s14], $0x2000  }
0xd8: {  	[sflag:s14] =	ssyncset.done $0x0  }
0xd9: {  	[sflag:s14] =	ssyncadd.s32 $0xFFFFE000  }
0xda: {  	_ =	swait.ge [sflag:s15], $0x2000  }
0xdb: {  	[sflag:s15] =	ssyncset.done $0x0  }
0xdc: {  	p1 =	sne.s32 s20, $0x1;
	[sflag:s15] =	ssyncadd.s32 $0xFFFFE000  }
.Ltmp1:
0xdd: {  	[bflag:$0x0] =	sbarrier.arrive $0xFFFF;
	(pc) =	sbr.rel @!p1 .LBB2_3-.Ltmp1, $4  }
0xde: {  	s1 =	rddreg [dreg:$0x6]  }
0xdf: {  	[hbm:s1], [sflag:s3] =	dma.local [spmem:s4], $0x500  }
0xe0: {  	p0 =	por $0x1, $0x1;
	_ =	swait.ge [sflag:s5], $0x500  }
0xe1: {  	s1 =	sadd.s32 $0xFFFFFFFF, s20;
	s0 =	rddreg [dreg:$0x3];
	[sflag:s5] =	ssyncset.done $0x0  }
.LBB2_4:
0xe2: {  	[sflag:s5] =	ssyncadd.s32 $0xFFFFFB00  }
0xe3: {  	[spmem:s4], [sflag:s3] =	dma.local [hbm:s0], $0x500  }
0xe4: {  	_ =	swait.ge [sflag:s5], $0x500  }
0xe5: {  	[sflag:s5] =	ssyncset.done $0x0  }
0xe6: {  	s20 =	rddreg [dreg:$0x4];
	[sflag:s5] =	ssyncadd.s32 $0xFFFFFB00  }
0xe7: {  	[tilespmem:s30], [sflag:$0x9] =	stream.linear.gather [hbm4b:s20+s30], $0x2800, $0x38;
	[tilespmem:$0xF800] =	vst v63  }
0xe8: {  	_ =	swait.ge [sflag:s5], $0x2800  }
0xe9: {  	[sflag:s5] =	ssyncset.done $0x0  }
0xea: {  	s20 =	rddreg [dreg:$0x5];
	[sflag:s5] =	ssyncadd.s32 $0xFFFFD800  }
0xeb: {  	[tilespmem:s31], [sflag:$0x9] =	stream.linear.gather [hbm4b:s20+s30], $0x2800, $0x38;
	[tilespmem:$0xF800] =	vst v63  }
0xec: {  	_ =	swait.ge [sflag:s5], $0x2800  }
0xed: {  	[sflag:s5] =	ssyncset.done $0x0  }
0xee: {  	[sflag:s5] =	ssyncadd.s32 $0xFFFFD800  }
0xef: {  	[bflag:$0x0] =	sbarrier.arrive $0xFFFF  }
0xf0: {  	[tilespmem:s11], [sflag:$0x1] =	stream.indirect.gather [hbm4b:s6+s7], $0x10, s30, s7, $0xb8;
	[tilespmem:$0xF800] =	vst v63  }
0xf1: {  	_ = 	snop  }
0xf2: {  	[tilespmem:s10], [sflag:$0x2] =	stream.indirect.gather [hbm4b:s6+s7], $0x10, s7, s7, $0xb8;
	[tilespmem:$0xF800] =	vst v63  }
0xf3: {  	s0 =	rddreg [dreg:$0x7]  }
0xf4: {  	[tilespmem:s9], [sflag:$0x3] =	stream.indirect.gather [hbm4b:s6+s7], $0x10, s0, s7, $0xb8;
	[tilespmem:$0xF800] =	vst v63  }
0xf5: {  	s20 =	rddreg [dreg:$0x8]  }
0xf6: {  	[tilespmem:s8], [sflag:$0x4] =	stream.indirect.gather [hbm4b:s6+s7], $0x10, s20, s7, $0xb8;
	[tilespmem:$0xF800] =	vst v63  }
0xf7: {  	_ =	swait.ge [sflag:s19], $0x2000  }
0xf8: {  	[sflag:s19] =	ssyncset.done $0x0  }
0xf9: {  	[sflag:s19] =	ssyncadd.s32 $0xFFFFE000  }
0xfa: {  	[spmem:s2] =	stream.indirect.scatter.add.f32 [tilespmem:s11], [sflag:$0x5], $0x10, s31, s7, $0xb8;
	[tilespmem:$0xF800] =	vst v63  }
0xfb: {  	_ =	swait.ge [sflag:s18], $0x2000  }
0xfc: {  	[sflag:s18] =	ssyncset.done $0x0  }
0xfd: {  	s20 =	rddreg [dreg:$0x9];
	[sflag:s18] =	ssyncadd.s32 $0xFFFFE000  }
0xfe: {  	[spmem:s2] =	stream.indirect.scatter.add.f32 [tilespmem:s10], [sflag:$0x6], $0x10, s20, s7, $0xb8;
	[tilespmem:$0xF800] =	vst v63  }
0xff: {  	_ =	swait.ge [sflag:s17], $0x2000  }
0x100: {  	[sflag:s17] =	ssyncset.done $0x0  }
0x101: {  	s20 =	rddreg [dreg:$0xa];
	[sflag:s17] =	ssyncadd.s32 $0xFFFFE000  }
0x102: {  	[spmem:s2] =	stream.indirect.scatter.add.f32 [tilespmem:s9], [sflag:$0x7], $0x10, s20, s7, $0xb8;
	[tilespmem:$0xF800] =	vst v63  }
0x103: {  	_ =	swait.ge [sflag:s16], $0x2000  }
0x104: {  	[sflag:s16] =	ssyncset.done $0x0  }
0x105: {  	s20 =	rddreg [dreg:$0xb];
	[sflag:s16] =	ssyncadd.s32 $0xFFFFE000  }
0x106: {  	[spmem:s2] =	stream.indirect.scatter.add.f32 [tilespmem:s8], [sflag:$0x8], $0x10, s20, s7, $0xb8;
	[tilespmem:$0xF800] =	vst v63  }
0x107: {  	_ =	swait.ge [sflag:s12], $0x2000  }
0x108: {  	[sflag:s12] =	ssyncset.done $0x0  }
0x109: {  	s20 =	rddreg [dreg:$0xc];
	[sflag:s12] =	ssyncadd.s32 $0xFFFFE000  }
0x10a: {  	[tilespmem:s11], [sflag:$0x1] =	stream.indirect.gather [hbm4b:s6+s7], $0x10, s20, s7, $0xb8;
	[tilespmem:$0xF800] =	vst v63  }
0x10b: {  	_ =	swait.ge [sflag:s13], $0x2000  }
0x10c: {  	[sflag:s13] =	ssyncset.done $0x0  }
0x10d: {  	s20 =	rddreg [dreg:$0xd];
	[sflag:s13] =	ssyncadd.s32 $0xFFFFE000  }
0x10e: {  	[tilespmem:s10], [sflag:$0x2] =	stream.indirect.gather [hbm4b:s6+s7], $0x10, s20, s7, $0xb8;
	[tilespmem:$0xF800] =	vst v63  }
0x10f: {  	_ =	swait.ge [sflag:s14], $0x2000  }
0x110: {  	[sflag:s14] =	ssyncset.done $0x0  }
0x111: {  	s20 =	rddreg [dreg:$0xe];
	[sflag:s14] =	ssyncadd.s32 $0xFFFFE000  }
0x112: {  	[tilespmem:s9], [sflag:$0x3] =	stream.indirect.gather [hbm4b:s6+s7], $0x10, s20, s7, $0xb8;
	[tilespmem:$0xF800] =	vst v63  }
0x113: {  	_ =	swait.ge [sflag:s15], $0x2000  }
0x114: {  	[sflag:s15] =	ssyncset.done $0x0  }
0x115: {  	s20 =	rddreg [dreg:$0xf];
	[sflag:s15] =	ssyncadd.s32 $0xFFFFE000  }
0x116: {  	[tilespmem:s8], [sflag:$0x4] =	stream.indirect.gather [hbm4b:s6+s7], $0x10, s20, s7, $0xb8;
	[tilespmem:$0xF800] =	vst v63  }
0x117: {  	_ =	swait.ge [sflag:s19], $0x2000  }
0x118: {  	[sflag:s19] =	ssyncset.done $0x0  }
0x119: {  	s20 =	rddreg [dreg:$0x10];
	[sflag:s19] =	ssyncadd.s32 $0xFFFFE000  }
0x11a: {  	[spmem:s2] =	stream.indirect.scatter.add.f32 [tilespmem:s11], [sflag:$0x5], $0x10, s20, s7, $0xb8;
	[tilespmem:$0xF800] =	vst v63  }
0x11b: {  	_ =	swait.ge [sflag:s18], $0x2000  }
0x11c: {  	[sflag:s18] =	ssyncset.done $0x0  }
0x11d: {  	s20 =	rddreg [dreg:$0x11];
	[sflag:s18] =	ssyncadd.s32 $0xFFFFE000  }
0x11e: {  	[spmem:s2] =	stream.indirect.scatter.add.f32 [tilespmem:s10], [sflag:$0x6], $0x10, s20, s7, $0xb8;
	[tilespmem:$0xF800] =	vst v63  }
0x11f: {  	_ =	swait.ge [sflag:s17], $0x2000  }
0x120: {  	[sflag:s17] =	ssyncset.done $0x0  }
0x121: {  	s20 =	rddreg [dreg:$0x12];
	[sflag:s17] =	ssyncadd.s32 $0xFFFFE000  }
0x122: {  	[spmem:s2] =	stream.indirect.scatter.add.f32 [tilespmem:s9], [sflag:$0x7], $0x10, s20, s7, $0xb8;
	[tilespmem:$0xF800] =	vst v63  }
0x123: {  	_ =	swait.ge [sflag:s16], $0x2000  }
0x124: {  	[sflag:s16] =	ssyncset.done $0x0  }
0x125: {  	s20 =	rddreg [dreg:$0x13];
	[sflag:s16] =	ssyncadd.s32 $0xFFFFE000  }
0x126: {  	[spmem:s2] =	stream.indirect.scatter.add.f32 [tilespmem:s8], [sflag:$0x8], $0x10, s20, s7, $0xb8;
	[tilespmem:$0xF800] =	vst v63  }
0x127: {  	_ =	swait.ge [sflag:s12], $0x2000  }
0x128: {  	[sflag:s12] =	ssyncset.done $0x0  }
0x129: {  	s20 =	rddreg [dreg:$0x14];
	[sflag:s12] =	ssyncadd.s32 $0xFFFFE000  }
0x12a: {  	[tilespmem:s11], [sflag:$0x1] =	stream.indirect.gather [hbm4b:s6+s7], $0x10, s20, s7, $0xb8;
	[tilespmem:$0xF800] =	vst v63  }
0x12b: {  	_ =	swait.ge [sflag:s13], $0x2000  }
0x12c: {  	[sflag:s13] =	ssyncset.done $0x0  }
0x12d: {  	s20 =	rddreg [dreg:$0x15];
	[sflag:s13] =	ssyncadd.s32 $0xFFFFE000  }
0x12e: {  	[tilespmem:s10], [sflag:$0x2] =	stream.indirect.gather [hbm4b:s6+s7], $0x10, s20, s7, $0xb8;
	[tilespmem:$0xF800] =	vst v63  }
0x12f: {  	_ =	swait.ge [sflag:s14], $0x2000  }
0x130: {  	[sflag:s14] =	ssyncset.done $0x0  }
0x131: {  	s20 =	rddreg [dreg:$0x16];
	[sflag:s14] =	ssyncadd.s32 $0xFFFFE000  }
0x132: {  	[tilespmem:s9], [sflag:$0x3] =	stream.indirect.gather [hbm4b:s6+s7], $0x10, s20, s7, $0xb8;
	[tilespmem:$0xF800] =	vst v63  }
0x133: {  	_ =	swait.ge [sflag:s15], $0x2000  }
0x134: {  	[sflag:s15] =	ssyncset.done $0x0  }
0x135: {  	s20 =	rddreg [dreg:$0x17];
	[sflag:s15] =	ssyncadd.s32 $0xFFFFE000  }
0x136: {  	[tilespmem:s8], [sflag:$0x4] =	stream.indirect.gather [hbm4b:s6+s7], $0x10, s20, s7, $0xb8;
	[tilespmem:$0xF800] =	vst v63  }
0x137: {  	_ =	swait.ge [sflag:s19], $0x2000  }
0x138: {  	[sflag:s19] =	ssyncset.done $0x0  }
0x139: {  	s20 =	rddreg [dreg:$0x18];
	[sflag:s19] =	ssyncadd.s32 $0xFFFFE000  }
0x13a: {  	[spmem:s2] =	stream.indirect.scatter.add.f32 [tilespmem:s11], [sflag:$0x5], $0x10, s20, s7, $0xb8;
	[tilespmem:$0xF800] =	vst v63  }
0x13b: {  	_ =	swait.ge [sflag:s18], $0x2000  }
0x13c: {  	[sflag:s18] =	ssyncset.done $0x0  }
0x13d: {  	s20 =	rddreg [dreg:$0x19];
	[sflag:s18] =	ssyncadd.s32 $0xFFFFE000  }
0x13e: {  	[spmem:s2] =	stream.indirect.scatter.add.f32 [tilespmem:s10], [sflag:$0x6], $0x10, s20, s7, $0xb8;
	[tilespmem:$0xF800] =	vst v63  }
0x13f: {  	_ =	swait.ge [sflag:s17], $0x2000  }
0x140: {  	[sflag:s17] =	ssyncset.done $0x0  }
0x141: {  	s20 =	rddreg [dreg:$0x1a];
	[sflag:s17] =	ssyncadd.s32 $0xFFFFE000  }
0x142: {  	[spmem:s2] =	stream.indirect.scatter.add.f32 [tilespmem:s9], [sflag:$0x7], $0x10, s20, s7, $0xb8;
	[tilespmem:$0xF800] =	vst v63  }
0x143: {  	_ =	swait.ge [sflag:s16], $0x2000  }
0x144: {  	[sflag:s16] =	ssyncset.done $0x0  }
0x145: {  	s20 =	rddreg [dreg:$0x1b];
	[sflag:s16] =	ssyncadd.s32 $0xFFFFE000  }
0x146: {  	[spmem:s2] =	stream.indirect.scatter.add.f32 [tilespmem:s8], [sflag:$0x8], $0x10, s20, s7, $0xb8;
	[tilespmem:$0xF800] =	vst v63  }
0x147: {  	_ =	swait.ge [sflag:s12], $0x2000  }
0x148: {  	[sflag:s12] =	ssyncset.done $0x0  }
0x149: {  	s20 =	rddreg [dreg:$0x1c];
	[sflag:s12] =	ssyncadd.s32 $0xFFFFE000  }
0x14a: {  	[tilespmem:s11], [sflag:$0x1] =	stream.indirect.gather [hbm4b:s6+s7], $0x10, s20, s7, $0xb8;
	[tilespmem:$0xF800] =	vst v63  }
0x14b: {  	_ =	swait.ge [sflag:s13], $0x2000  }
0x14c: {  	[sflag:s13] =	ssyncset.done $0x0  }
0x14d: {  	s20 =	rddreg [dreg:$0x1d];
	[sflag:s13] =	ssyncadd.s32 $0xFFFFE000  }
0x14e: {  	[tilespmem:s10], [sflag:$0x2] =	stream.indirect.gather [hbm4b:s6+s7], $0x10, s20, s7, $0xb8;
	[tilespmem:$0xF800] =	vst v63  }
0x14f: {  	_ =	swait.ge [sflag:s14], $0x2000  }
0x150: {  	[sflag:s14] =	ssyncset.done $0x0  }
0x151: {  	s20 =	rddreg [dreg:$0x1e];
	[sflag:s14] =	ssyncadd.s32 $0xFFFFE000  }
0x152: {  	[tilespmem:s9], [sflag:$0x3] =	stream.indirect.gather [hbm4b:s6+s7], $0x10, s20, s7, $0xb8;
	[tilespmem:$0xF800] =	vst v63  }
0x153: {  	_ =	swait.ge [sflag:s15], $0x2000  }
0x154: {  	[sflag:s15] =	ssyncset.done $0x0  }
0x155: {  	s20 =	rddreg [dreg:$0x1f];
	[sflag:s15] =	ssyncadd.s32 $0xFFFFE000  }
0x156: {  	[tilespmem:s8], [sflag:$0x4] =	stream.indirect.gather [hbm4b:s6+s7], $0x10, s20, s7, $0xb8;
	[tilespmem:$0xF800] =	vst v63  }
0x157: {  	_ =	swait.ge [sflag:s19], $0x2000  }
0x158: {  	s20 =	sld [smem:$0x7FB]  }
0x159: {  	[sflag:s19] =	ssyncset.done $0x0  }
0x15a: {  	[sflag:s19] =	ssyncadd.s32 $0xFFFFE000  }
0x15b: {  	[spmem:s2] =	stream.indirect.scatter.add.f32 [tilespmem:s11], [sflag:$0x5], $0x10, s20, s7, $0xb8;
	[tilespmem:$0xF800] =	vst v63  }
0x15c: {  	_ =	swait.ge [sflag:s18], $0x2000  }
0x15d: {  	s20 =	sld [smem:$0x7FC]  }
0x15e: {  	[sflag:s18] =	ssyncset.done $0x0  }
0x15f: {  	[sflag:s18] =	ssyncadd.s32 $0xFFFFE000  }
0x160: {  	[spmem:s2] =	stream.indirect.scatter.add.f32 [tilespmem:s10], [sflag:$0x6], $0x10, s20, s7, $0xb8;
	[tilespmem:$0xF800] =	vst v63  }
0x161: {  	_ =	swait.ge [sflag:s17], $0x2000  }
0x162: {  	s20 =	sld [smem:$0x7FD]  }
0x163: {  	[sflag:s17] =	ssyncset.done $0x0  }
0x164: {  	[sflag:s17] =	ssyncadd.s32 $0xFFFFE000  }
0x165: {  	[spmem:s2] =	stream.indirect.scatter.add.f32 [tilespmem:s9], [sflag:$0x7], $0x10, s20, s7, $0xb8;
	[tilespmem:$0xF800] =	vst v63  }
0x166: {  	_ =	swait.ge [sflag:s16], $0x2000  }
0x167: {  	[sflag:s16] =	ssyncset.done $0x0  }
0x168: {  	[sflag:s16] =	ssyncadd.s32 $0xFFFFE000  }
0x169: {  	[spmem:s2] =	stream.indirect.scatter.add.f32 [tilespmem:s8], [sflag:$0x8], $0x10, s26, s7, $0xb8;
	[tilespmem:$0xF800] =	vst v63  }
0x16a: {  	_ =	swait.ge [sflag:s12], $0x2000  }
0x16b: {  	[sflag:s12] =	ssyncset.done $0x0  }
0x16c: {  	[sflag:s12] =	ssyncadd.s32 $0xFFFFE000  }
0x16d: {  	[tilespmem:s11], [sflag:$0x1] =	stream.indirect.gather [hbm4b:s6+s7], $0x10, s29, s7, $0xb8;
	[tilespmem:$0xF800] =	vst v63  }
0x16e: {  	_ =	swait.ge [sflag:s13], $0x2000  }
0x16f: {  	[sflag:s13] =	ssyncset.done $0x0  }
0x170: {  	s20 =	simm.s32 $0x2200;
	[sflag:s13] =	ssyncadd.s32 $0xFFFFE000  }
0x171: {  	[tilespmem:s10], [sflag:$0x2] =	stream.indirect.gather [hbm4b:s6+s7], $0x10, s20, s7, $0xb8;
	[tilespmem:$0xF800] =	vst v63  }
0x172: {  	_ =	swait.ge [sflag:s14], $0x2000  }
0x173: {  	[sflag:s14] =	ssyncset.done $0x0  }
0x174: {  	[sflag:s14] =	ssyncadd.s32 $0xFFFFE000  }
0x175: {  	[tilespmem:s9], [sflag:$0x3] =	stream.indirect.gather [hbm4b:s6+s7], $0x10, s28, s7, $0xb8;
	[tilespmem:$0xF800] =	vst v63  }
0x176: {  	_ =	swait.ge [sflag:s15], $0x2000  }
0x177: {  	[sflag:s15] =	ssyncset.done $0x0  }
0x178: {  	[sflag:s15] =	ssyncadd.s32 $0xFFFFE000  }
0x179: {  	[tilespmem:s8], [sflag:$0x4] =	stream.indirect.gather [hbm4b:s6+s7], $0x10, s25, s7, $0xb8;
	[tilespmem:$0xF800] =	vst v63  }
0x17a: {  	_ =	swait.ge [sflag:s19], $0x2000  }
0x17b: {  	[sflag:s19] =	ssyncset.done $0x0  }
0x17c: {  	[sflag:s19] =	ssyncadd.s32 $0xFFFFE000  }
0x17d: {  	[spmem:s2] =	stream.indirect.scatter.add.f32 [tilespmem:s11], [sflag:$0x5], $0x10, s24, s7, $0xb8;
	[tilespmem:$0xF800] =	vst v63  }
0x17e: {  	_ =	swait.ge [sflag:s18], $0x2000  }
0x17f: {  	[sflag:s18] =	ssyncset.done $0x0  }
0x180: {  	[sflag:s18] =	ssyncadd.s32 $0xFFFFE000  }
0x181: {  	[spmem:s2] =	stream.indirect.scatter.add.f32 [tilespmem:s10], [sflag:$0x6], $0x10, s23, s7, $0xb8;
	[tilespmem:$0xF800] =	vst v63  }
0x182: {  	_ =	swait.ge [sflag:s17], $0x2000  }
0x183: {  	[sflag:s17] =	ssyncset.done $0x0  }
0x184: {  	[sflag:s17] =	ssyncadd.s32 $0xFFFFE000  }
0x185: {  	[spmem:s2] =	stream.indirect.scatter.add.f32 [tilespmem:s9], [sflag:$0x7], $0x10, s22, s7, $0xb8;
	[tilespmem:$0xF800] =	vst v63  }
0x186: {  	_ =	swait.ge [sflag:s16], $0x2000  }
0x187: {  	[sflag:s16] =	ssyncset.done $0x0  }
0x188: {  	[sflag:s16] =	ssyncadd.s32 $0xFFFFE000  }
0x189: {  	[spmem:s2] =	stream.indirect.scatter.add.f32 [tilespmem:s8], [sflag:$0x8], $0x10, s21, s7, $0xb8;
	[tilespmem:$0xF800] =	vst v63  }
0x18a: {  	_ =	swait.ge [sflag:s12], $0x2000  }
0x18b: {  	[sflag:s12] =	ssyncset.done $0x0  }
0x18c: {  	[sflag:s12] =	ssyncadd.s32 $0xFFFFE000  }
0x18d: {  	_ =	swait.ge [sflag:s13], $0x2000  }
0x18e: {  	[sflag:s13] =	ssyncset.done $0x0  }
0x18f: {  	[sflag:s13] =	ssyncadd.s32 $0xFFFFE000  }
0x190: {  	_ =	swait.ge [sflag:s14], $0x2000  }
0x191: {  	[sflag:s14] =	ssyncset.done $0x0  }
0x192: {  	[sflag:s14] =	ssyncadd.s32 $0xFFFFE000  }
0x193: {  	_ =	swait.ge [sflag:s15], $0x2000  }
0x194: {  	[sflag:s15] =	ssyncset.done $0x0  }
0x195: {  	p1 =	sne.s32 s1, $0x1;
	[sflag:s15] =	ssyncadd.s32 $0xFFFFE000  }
.Ltmp2:
0x196: {  	[bflag:$0x0] =	sbarrier.arrive $0xFFFF;
	(pc) =	sbr.rel @p1 .LBB2_4-.Ltmp2, $4  }
0x197: {  	s20 =	rddreg [dreg:$0x6]  }
0x198: {  	[hbm:s20], [sflag:s3] =	dma.local [spmem:s4], $0x500  }
0x199: {  	_ =	swait.ge [sflag:s5], $0x500  }
0x19a: {  	s1 =	sadd.s32 $0xFFFFFFFF, s1;
	s0 =	rddreg [dreg:$0x3];
	[sflag:s5] =	ssyncset.done $0x0  }
0x19b: {  	s21 =	simm.s32 $0x4600;
	s29 =	simm.s32 $0x2000;
	s28 =	simm.s32 $0x2400  }
0x19c: {  	s26 =	simm.s32 $0x2200;
	s25 =	simm.s32 $0x2600;
	s24 =	simm.s32 $0x4800  }
0x19d: {  	s23 =	simm.s32 $0x4A00;
	s22 =	simm.s32 $0x4C00;
	s20 =	stileid.u32  }
.LBB2_6:
0x19e: {  	[sflag:s5] =	ssyncadd.s32 @p0 $0xFFFFFB00  }
0x19f: {  	[spmem:s4], [sflag:s3] =	dma.local [hbm:s0], $0x500  }
0x1a0: {  	_ =	swait.ge [sflag:s5], $0x500  }
0x1a1: {  	[sflag:s5] =	ssyncset.done $0x0  }
0x1a2: {  	s1 =	rddreg [dreg:$0x4];
	[sflag:s5] =	ssyncadd.s32 $0xFFFFFB00  }
0x1a3: {  	[tilespmem:s30], [sflag:$0x9] =	stream.linear.gather [hbm4b:s1+s30], $0x2800, $0x38;
	[tilespmem:$0xF800] =	vst v63  }
0x1a4: {  	_ =	swait.ge [sflag:s5], $0x2800  }
0x1a5: {  	[sflag:s5] =	ssyncset.done $0x0  }
0x1a6: {  	s1 =	rddreg [dreg:$0x5];
	[sflag:s5] =	ssyncadd.s32 $0xFFFFD800  }
0x1a7: {  	[tilespmem:s31], [sflag:$0x9] =	stream.linear.gather [hbm4b:s1+s30], $0x2800, $0x38;
	[tilespmem:$0xF800] =	vst v63  }
0x1a8: {  	_ =	swait.ge [sflag:s5], $0x2800  }
0x1a9: {  	[sflag:s5] =	ssyncset.done $0x0  }
0x1aa: {  	[sflag:s5] =	ssyncadd.s32 $0xFFFFD800  }
0x1ab: {  	[bflag:$0x0] =	sbarrier.arrive $0xFFFF  }
0x1ac: {  	[tilespmem:s11], [sflag:$0x1] =	stream.indirect.gather [hbm4b:s6+s7], $0x10, s30, s7, $0xb8;
	[tilespmem:$0xF800] =	vst v63  }
0x1ad: {  	_ = 	snop  }
0x1ae: {  	[tilespmem:s10], [sflag:$0x2] =	stream.indirect.gather [hbm4b:s6+s7], $0x10, s7, s7, $0xb8;
	[tilespmem:$0xF800] =	vst v63  }
0x1af: {  	s30 =	rddreg [dreg:$0x7]  }
0x1b0: {  	[tilespmem:s9], [sflag:$0x3] =	stream.indirect.gather [hbm4b:s6+s7], $0x10, s30, s7, $0xb8;
	[tilespmem:$0xF800] =	vst v63  }
0x1b1: {  	s1 =	rddreg [dreg:$0x8]  }
0x1b2: {  	[tilespmem:s8], [sflag:$0x4] =	stream.indirect.gather [hbm4b:s6+s7], $0x10, s1, s7, $0xb8;
	[tilespmem:$0xF800] =	vst v63  }
0x1b3: {  	_ =	swait.ge [sflag:s19], $0x2000  }
0x1b4: {  	[sflag:s19] =	ssyncset.done $0x0  }
0x1b5: {  	[sflag:s19] =	ssyncadd.s32 $0xFFFFE000  }
0x1b6: {  	[spmem:s2] =	stream.indirect.scatter.add.f32 [tilespmem:s11], [sflag:$0x5], $0x10, s31, s7, $0xb8;
	[tilespmem:$0xF800] =	vst v63  }
0x1b7: {  	_ =	swait.ge [sflag:s18], $0x2000  }
0x1b8: {  	[sflag:s18] =	ssyncset.done $0x0  }
0x1b9: {  	s31 =	rddreg [dreg:$0x9];
	[sflag:s18] =	ssyncadd.s32 $0xFFFFE000  }
0x1ba: {  	[spmem:s2] =	stream.indirect.scatter.add.f32 [tilespmem:s10], [sflag:$0x6], $0x10, s31, s7, $0xb8;
	[tilespmem:$0xF800] =	vst v63  }
0x1bb: {  	_ =	swait.ge [sflag:s17], $0x2000  }
0x1bc: {  	[sflag:s17] =	ssyncset.done $0x0  }
0x1bd: {  	s1 =	rddreg [dreg:$0xa];
	[sflag:s17] =	ssyncadd.s32 $0xFFFFE000  }
0x1be: {  	[spmem:s2] =	stream.indirect.scatter.add.f32 [tilespmem:s9], [sflag:$0x7], $0x10, s1, s7, $0xb8;
	[tilespmem:$0xF800] =	vst v63  }
0x1bf: {  	_ =	swait.ge [sflag:s16], $0x2000  }
0x1c0: {  	[sflag:s16] =	ssyncset.done $0x0  }
0x1c1: {  	s30 =	rddreg [dreg:$0xb];
	[sflag:s16] =	ssyncadd.s32 $0xFFFFE000  }
0x1c2: {  	[spmem:s2] =	stream.indirect.scatter.add.f32 [tilespmem:s8], [sflag:$0x8], $0x10, s30, s7, $0xb8;
	[tilespmem:$0xF800] =	vst v63  }
0x1c3: {  	_ =	swait.ge [sflag:s12], $0x2000  }
0x1c4: {  	[sflag:s12] =	ssyncset.done $0x0  }
0x1c5: {  	s31 =	rddreg [dreg:$0xc];
	[sflag:s12] =	ssyncadd.s32 $0xFFFFE000  }
0x1c6: {  	[tilespmem:s11], [sflag:$0x1] =	stream.indirect.gather [hbm4b:s6+s7], $0x10, s31, s7, $0xb8;
	[tilespmem:$0xF800] =	vst v63  }
0x1c7: {  	_ =	swait.ge [sflag:s13], $0x2000  }
0x1c8: {  	[sflag:s13] =	ssyncset.done $0x0  }
0x1c9: {  	s1 =	rddreg [dreg:$0xd];
	[sflag:s13] =	ssyncadd.s32 $0xFFFFE000  }
0x1ca: {  	[tilespmem:s10], [sflag:$0x2] =	stream.indirect.gather [hbm4b:s6+s7], $0x10, s1, s7, $0xb8;
	[tilespmem:$0xF800] =	vst v63  }
0x1cb: {  	_ =	swait.ge [sflag:s14], $0x2000  }
0x1cc: {  	[sflag:s14] =	ssyncset.done $0x0  }
0x1cd: {  	s30 =	rddreg [dreg:$0xe];
	[sflag:s14] =	ssyncadd.s32 $0xFFFFE000  }
0x1ce: {  	[tilespmem:s9], [sflag:$0x3] =	stream.indirect.gather [hbm4b:s6+s7], $0x10, s30, s7, $0xb8;
	[tilespmem:$0xF800] =	vst v63  }
0x1cf: {  	_ =	swait.ge [sflag:s15], $0x2000  }
0x1d0: {  	[sflag:s15] =	ssyncset.done $0x0  }
0x1d1: {  	s31 =	rddreg [dreg:$0xf];
	[sflag:s15] =	ssyncadd.s32 $0xFFFFE000  }
0x1d2: {  	[tilespmem:s8], [sflag:$0x4] =	stream.indirect.gather [hbm4b:s6+s7], $0x10, s31, s7, $0xb8;
	[tilespmem:$0xF800] =	vst v63  }
0x1d3: {  	_ =	swait.ge [sflag:s19], $0x2000  }
0x1d4: {  	[sflag:s19] =	ssyncset.done $0x0  }
0x1d5: {  	s1 =	rddreg [dreg:$0x10];
	[sflag:s19] =	ssyncadd.s32 $0xFFFFE000  }
0x1d6: {  	[spmem:s2] =	stream.indirect.scatter.add.f32 [tilespmem:s11], [sflag:$0x5], $0x10, s1, s7, $0xb8;
	[tilespmem:$0xF800] =	vst v63  }
0x1d7: {  	_ =	swait.ge [sflag:s18], $0x2000  }
0x1d8: {  	[sflag:s18] =	ssyncset.done $0x0  }
0x1d9: {  	s30 =	rddreg [dreg:$0x11];
	[sflag:s18] =	ssyncadd.s32 $0xFFFFE000  }
0x1da: {  	[spmem:s2] =	stream.indirect.scatter.add.f32 [tilespmem:s10], [sflag:$0x6], $0x10, s30, s7, $0xb8;
	[tilespmem:$0xF800] =	vst v63  }
0x1db: {  	_ =	swait.ge [sflag:s17], $0x2000  }
0x1dc: {  	[sflag:s17] =	ssyncset.done $0x0  }
0x1dd: {  	s31 =	rddreg [dreg:$0x12];
	[sflag:s17] =	ssyncadd.s32 $0xFFFFE000  }
0x1de: {  	[spmem:s2] =	stream.indirect.scatter.add.f32 [tilespmem:s9], [sflag:$0x7], $0x10, s31, s7, $0xb8;
	[tilespmem:$0xF800] =	vst v63  }
0x1df: {  	_ =	swait.ge [sflag:s16], $0x2000  }
0x1e0: {  	[sflag:s16] =	ssyncset.done $0x0  }
0x1e1: {  	s1 =	rddreg [dreg:$0x13];
	[sflag:s16] =	ssyncadd.s32 $0xFFFFE000  }
0x1e2: {  	[spmem:s2] =	stream.indirect.scatter.add.f32 [tilespmem:s8], [sflag:$0x8], $0x10, s1, s7, $0xb8;
	[tilespmem:$0xF800] =	vst v63  }
0x1e3: {  	_ =	swait.ge [sflag:s12], $0x2000  }
0x1e4: {  	[sflag:s12] =	ssyncset.done $0x0  }
0x1e5: {  	s30 =	rddreg [dreg:$0x14];
	[sflag:s12] =	ssyncadd.s32 $0xFFFFE000  }
0x1e6: {  	[tilespmem:s11], [sflag:$0x1] =	stream.indirect.gather [hbm4b:s6+s7], $0x10, s30, s7, $0xb8;
	[tilespmem:$0xF800] =	vst v63  }
0x1e7: {  	_ =	swait.ge [sflag:s13], $0x2000  }
0x1e8: {  	[sflag:s13] =	ssyncset.done $0x0  }
0x1e9: {  	s31 =	rddreg [dreg:$0x15];
	[sflag:s13] =	ssyncadd.s32 $0xFFFFE000  }
0x1ea: {  	[tilespmem:s10], [sflag:$0x2] =	stream.indirect.gather [hbm4b:s6+s7], $0x10, s31, s7, $0xb8;
	[tilespmem:$0xF800] =	vst v63  }
0x1eb: {  	_ =	swait.ge [sflag:s14], $0x2000  }
0x1ec: {  	[sflag:s14] =	ssyncset.done $0x0  }
0x1ed: {  	s1 =	rddreg [dreg:$0x16];
	[sflag:s14] =	ssyncadd.s32 $0xFFFFE000  }
0x1ee: {  	[tilespmem:s9], [sflag:$0x3] =	stream.indirect.gather [hbm4b:s6+s7], $0x10, s1, s7, $0xb8;
	[tilespmem:$0xF800] =	vst v63  }
0x1ef: {  	_ =	swait.ge [sflag:s15], $0x2000  }
0x1f0: {  	[sflag:s15] =	ssyncset.done $0x0  }
0x1f1: {  	s30 =	rddreg [dreg:$0x17];
	[sflag:s15] =	ssyncadd.s32 $0xFFFFE000  }
0x1f2: {  	[tilespmem:s8], [sflag:$0x4] =	stream.indirect.gather [hbm4b:s6+s7], $0x10, s30, s7, $0xb8;
	[tilespmem:$0xF800] =	vst v63  }
0x1f3: {  	_ =	swait.ge [sflag:s19], $0x2000  }
0x1f4: {  	[sflag:s19] =	ssyncset.done $0x0  }
0x1f5: {  	s31 =	rddreg [dreg:$0x18];
	[sflag:s19] =	ssyncadd.s32 $0xFFFFE000  }
0x1f6: {  	[spmem:s2] =	stream.indirect.scatter.add.f32 [tilespmem:s11], [sflag:$0x5], $0x10, s31, s7, $0xb8;
	[tilespmem:$0xF800] =	vst v63  }
0x1f7: {  	_ =	swait.ge [sflag:s18], $0x2000  }
0x1f8: {  	[sflag:s18] =	ssyncset.done $0x0  }
0x1f9: {  	s1 =	rddreg [dreg:$0x19];
	[sflag:s18] =	ssyncadd.s32 $0xFFFFE000  }
0x1fa: {  	[spmem:s2] =	stream.indirect.scatter.add.f32 [tilespmem:s10], [sflag:$0x6], $0x10, s1, s7, $0xb8;
	[tilespmem:$0xF800] =	vst v63  }
0x1fb: {  	_ =	swait.ge [sflag:s17], $0x2000  }
0x1fc: {  	[sflag:s17] =	ssyncset.done $0x0  }
0x1fd: {  	s30 =	rddreg [dreg:$0x1a];
	[sflag:s17] =	ssyncadd.s32 $0xFFFFE000  }
0x1fe: {  	[spmem:s2] =	stream.indirect.scatter.add.f32 [tilespmem:s9], [sflag:$0x7], $0x10, s30, s7, $0xb8;
	[tilespmem:$0xF800] =	vst v63  }
0x1ff: {  	_ =	swait.ge [sflag:s16], $0x2000  }
0x200: {  	[sflag:s16] =	ssyncset.done $0x0  }
0x201: {  	s31 =	rddreg [dreg:$0x1b];
	[sflag:s16] =	ssyncadd.s32 $0xFFFFE000  }
0x202: {  	[spmem:s2] =	stream.indirect.scatter.add.f32 [tilespmem:s8], [sflag:$0x8], $0x10, s31, s7, $0xb8;
	[tilespmem:$0xF800] =	vst v63  }
0x203: {  	_ =	swait.ge [sflag:s12], $0x2000  }
0x204: {  	[sflag:s12] =	ssyncset.done $0x0  }
0x205: {  	s1 =	rddreg [dreg:$0x1c];
	[sflag:s12] =	ssyncadd.s32 $0xFFFFE000  }
0x206: {  	[tilespmem:s11], [sflag:$0x1] =	stream.indirect.gather [hbm4b:s6+s7], $0x10, s1, s7, $0xb8;
	[tilespmem:$0xF800] =	vst v63  }
0x207: {  	_ =	swait.ge [sflag:s13], $0x2000  }
0x208: {  	[sflag:s13] =	ssyncset.done $0x0  }
0x209: {  	s30 =	rddreg [dreg:$0x1d];
	[sflag:s13] =	ssyncadd.s32 $0xFFFFE000  }
0x20a: {  	[tilespmem:s10], [sflag:$0x2] =	stream.indirect.gather [hbm4b:s6+s7], $0x10, s30, s7, $0xb8;
	[tilespmem:$0xF800] =	vst v63  }
0x20b: {  	_ =	swait.ge [sflag:s14], $0x2000  }
0x20c: {  	[sflag:s14] =	ssyncset.done $0x0  }
0x20d: {  	s31 =	rddreg [dreg:$0x1e];
	[sflag:s14] =	ssyncadd.s32 $0xFFFFE000  }
0x20e: {  	[tilespmem:s9], [sflag:$0x3] =	stream.indirect.gather [hbm4b:s6+s7], $0x10, s31, s7, $0xb8;
	[tilespmem:$0xF800] =	vst v63  }
0x20f: {  	_ =	swait.ge [sflag:s15], $0x2000  }
0x210: {  	[sflag:s15] =	ssyncset.done $0x0  }
0x211: {  	s1 =	rddreg [dreg:$0x1f];
	[sflag:s15] =	ssyncadd.s32 $0xFFFFE000  }
0x212: {  	[tilespmem:s8], [sflag:$0x4] =	stream.indirect.gather [hbm4b:s6+s7], $0x10, s1, s7, $0xb8;
	[tilespmem:$0xF800] =	vst v63  }
0x213: {  	_ =	swait.ge [sflag:s19], $0x2000  }
0x214: {  	s30 =	sld [smem:$0x7FB]  }
0x215: {  	[sflag:s19] =	ssyncset.done $0x0  }
0x216: {  	[sflag:s19] =	ssyncadd.s32 $0xFFFFE000  }
0x217: {  	[spmem:s2] =	stream.indirect.scatter.add.f32 [tilespmem:s11], [sflag:$0x5], $0x10, s30, s7, $0xb8;
	[tilespmem:$0xF800] =	vst v63  }
0x218: {  	_ =	swait.ge [sflag:s18], $0x2000  }
0x219: {  	s31 =	sld [smem:$0x7FC]  }
0x21a: {  	[sflag:s18] =	ssyncset.done $0x0  }
0x21b: {  	[sflag:s18] =	ssyncadd.s32 $0xFFFFE000  }
0x21c: {  	[spmem:s2] =	stream.indirect.scatter.add.f32 [tilespmem:s10], [sflag:$0x6], $0x10, s31, s7, $0xb8;
	[tilespmem:$0xF800] =	vst v63  }
0x21d: {  	_ =	swait.ge [sflag:s17], $0x2000  }
0x21e: {  	s1 =	sld [smem:$0x7FD]  }
0x21f: {  	[sflag:s17] =	ssyncset.done $0x0  }
0x220: {  	[sflag:s17] =	ssyncadd.s32 $0xFFFFE000  }
0x221: {  	[spmem:s2] =	stream.indirect.scatter.add.f32 [tilespmem:s9], [sflag:$0x7], $0x10, s1, s7, $0xb8;
	[tilespmem:$0xF800] =	vst v63  }
0x222: {  	_ =	swait.ge [sflag:s16], $0x2000  }
0x223: {  	[sflag:s16] =	ssyncset.done $0x0  }
0x224: {  	[sflag:s16] =	ssyncadd.s32 $0xFFFFE000  }
0x225: {  	[spmem:s2] =	stream.indirect.scatter.add.f32 [tilespmem:s8], [sflag:$0x8], $0x10, s21, s7, $0xb8;
	[tilespmem:$0xF800] =	vst v63  }
0x226: {  	_ =	swait.ge [sflag:s12], $0x2000  }
0x227: {  	[sflag:s12] =	ssyncset.done $0x0  }
0x228: {  	[sflag:s12] =	ssyncadd.s32 $0xFFFFE000  }
0x229: {  	[tilespmem:s11], [sflag:$0x1] =	stream.indirect.gather [hbm4b:s6+s7], $0x10, s29, s7, $0xb8;
	[tilespmem:$0xF800] =	vst v63  }
0x22a: {  	_ =	swait.ge [sflag:s13], $0x2000  }
0x22b: {  	[sflag:s13] =	ssyncset.done $0x0  }
0x22c: {  	[sflag:s13] =	ssyncadd.s32 $0xFFFFE000  }
0x22d: {  	[tilespmem:s10], [sflag:$0x2] =	stream.indirect.gather [hbm4b:s6+s7], $0x10, s26, s7, $0xb8;
	[tilespmem:$0xF800] =	vst v63  }
0x22e: {  	_ =	swait.ge [sflag:s14], $0x2000  }
0x22f: {  	[sflag:s14] =	ssyncset.done $0x0  }
0x230: {  	[sflag:s14] =	ssyncadd.s32 $0xFFFFE000  }
0x231: {  	[tilespmem:s9], [sflag:$0x3] =	stream.indirect.gather [hbm4b:s6+s7], $0x10, s28, s7, $0xb8;
	[tilespmem:$0xF800] =	vst v63  }
0x232: {  	_ =	swait.ge [sflag:s15], $0x2000  }
0x233: {  	[sflag:s15] =	ssyncset.done $0x0  }
0x234: {  	[sflag:s15] =	ssyncadd.s32 $0xFFFFE000  }
0x235: {  	[tilespmem:s8], [sflag:$0x4] =	stream.indirect.gather [hbm4b:s6+s7], $0x10, s25, s7, $0xb8;
	[tilespmem:$0xF800] =	vst v63  }
0x236: {  	_ =	swait.ge [sflag:s19], $0x2000  }
0x237: {  	[sflag:s19] =	ssyncset.done $0x0  }
0x238: {  	[sflag:s19] =	ssyncadd.s32 $0xFFFFE000  }
0x239: {  	[spmem:s2] =	stream.indirect.scatter.add.f32 [tilespmem:s11], [sflag:$0x5], $0x10, s24, s7, $0xb8;
	[tilespmem:$0xF800] =	vst v63  }
0x23a: {  	_ =	swait.ge [sflag:s18], $0x2000  }
0x23b: {  	[sflag:s18] =	ssyncset.done $0x0  }
0x23c: {  	[sflag:s18] =	ssyncadd.s32 $0xFFFFE000  }
0x23d: {  	[spmem:s2] =	stream.indirect.scatter.add.f32 [tilespmem:s10], [sflag:$0x6], $0x10, s23, s7, $0xb8;
	[tilespmem:$0xF800] =	vst v63  }
0x23e: {  	_ =	swait.ge [sflag:s17], $0x2000  }
0x23f: {  	[sflag:s17] =	ssyncset.done $0x0  }
0x240: {  	[sflag:s17] =	ssyncadd.s32 $0xFFFFE000  }
0x241: {  	[spmem:s2] =	stream.indirect.scatter.add.f32 [tilespmem:s9], [sflag:$0x7], $0x10, s22, s7, $0xb8;
	[tilespmem:$0xF800] =	vst v63  }
0x242: {  	_ =	swait.ge [sflag:s16], $0x2000  }
0x243: {  	[sflag:s16] =	ssyncset.done $0x0  }
0x244: {  	s30 =	simm.s32 $0x4E00;
	[sflag:s16] =	ssyncadd.s32 $0xFFFFE000  }
0x245: {  	[spmem:s2] =	stream.indirect.scatter.add.f32 [tilespmem:s8], [sflag:$0x8], $0x10, s30, s7, $0xb8;
	[tilespmem:$0xF800] =	vst v63  }
0x246: {  	_ =	swait.ge [sflag:s12], $0x2000  }
0x247: {  	[sflag:s12] =	ssyncset.done $0x0  }
0x248: {  	[sflag:s12] =	ssyncadd.s32 $0xFFFFE000  }
0x249: {  	_ =	swait.ge [sflag:s13], $0x2000  }
0x24a: {  	[sflag:s13] =	ssyncset.done $0x0  }
0x24b: {  	[sflag:s13] =	ssyncadd.s32 $0xFFFFE000  }
0x24c: {  	_ =	swait.ge [sflag:s14], $0x2000  }
0x24d: {  	[sflag:s14] =	ssyncset.done $0x0  }
0x24e: {  	[sflag:s14] =	ssyncadd.s32 $0xFFFFE000  }
0x24f: {  	_ =	swait.ge [sflag:s15], $0x2000  }
0x250: {  	[sflag:s15] =	ssyncset.done $0x0  }
0x251: {  	[sflag:s15] =	ssyncadd.s32 $0xFFFFE000  }
0x252: {  	[bflag:$0x0] =	sbarrier.arrive $0xFFFF  }
0x253: {  	s31 =	rddreg [dreg:$0x6]  }
0x254: {  	[hbm:s31], [sflag:s3] =	dma.local [spmem:s4], $0x500  }
0x255: {  	_ =	swait.ge [sflag:s5], $0x500  }
0x256: {  	[sflag:s5] =	ssyncset.done $0x0  }
0x257: {  	[sflag:s5] =	ssyncadd.s32 $0xFFFFFB00  }
0x258: {  	_ =	sfence.sel $0x180000  }
0x259: {  	[bflag:$0x0] =	sbarrier.arrive $0xFFFF  }
0x25a: {  	_ =	strace $0x9000004D  }
0x25b: {  	[bflag:$0x2] =	sbarrier.arrive $0xFFFF  }
0x25c: {  	p0 =	sne.s32 s20, $0x0;
	s0 =	rddreg [dreg:$0x2]  }
0x25d: {  	s0 =	sadd.s32 @!p0 $0x100000, s0  }
0x25e: {  	[sflag:s0] =	ssyncadd.tile.s32 @!p0 $0x1;
	_ =	shalt  }
.LBB2_1:
.Ltmp3:
0x25f: {  	(pc) =	sbr.rel .LBB2_6-.Ltmp3, $4  }
0x260: {  	_ = 	snop  }
0x261: {  	s21 =	simm.s32 $0x4600;
	s29 =	simm.s32 $0x2000  }
0x262: {  	s28 =	simm.s32 $0x2400;
	s26 =	simm.s32 $0x2200;
	s25 =	simm.s32 $0x2600  }
0x263: {  	s24 =	simm.s32 $0x4800;
	s23 =	simm.s32 $0x4A00;
	s22 =	simm.s32 $0x4C00  }
.LBB2_3:
.Ltmp4:
0x264: {  	(pc) =	sbr.rel .LBB2_6-.Ltmp4, $4  }
0x265: {  	_ = 	snop  }
0x266: {  	s21 =	simm.s32 $0x4600;
	s29 =	simm.s32 $0x2000;
	s28 =	simm.s32 $0x2400  }
0x267: {  	s26 =	simm.s32 $0x2200;
	s25 =	simm.s32 $0x2600;
	s24 =	simm.s32 $0x4800  }
0x268: {  	s23 =	simm.s32 $0x4A00;
	s22 =	simm.s32 $0x4C00;
	s20 =	stileid.u32  }
.Lfunc_end2:
_tile_overlayer_lowered:
.L_overlay_start_2:
0x269: {  	(tag) =	ssettag $0x2  }
0x26a: {  	s0 =	rddreg [dreg:$0x0];
	s2 =	stileid.u32  }
0x26b: {  	s1 =	rddreg [dreg:$0x1];
	p0 =	sne.s32 s2, $0x0  }
0x26c: {  	s3 =	rddreg [dreg:$0x2];
	[bflag:$0x3] =	sbarrier.arrive $0xFFFF;
	s2 =	simm.s32 @!p0 $0x1C09  }
0x26d: {  	[timem:s3], [sflag:s2] =	dma.local @!p0 [hbm:s0], s1  }
0x26e: {  	s0 =	simm.s32 @!p0 $0x9  }
0x26f: {  	_ =	swait.ge @!p0 [sflag:s0], s1  }
0x270: {  	s1 =	ssub.s32 @!p0 $0x0, s1;
	[sflag:s0] =	ssyncset.done @!p0 $0x0  }
0x271: {  	[sflag:s0] =	ssyncadd.s32 @!p0 s1  }
0x272: {  	[bflag:$0x3] =	sbarrier.arrive $0xFFFF  }
0x273: {  	_ =	shalt  }

// kernel: kernel.9.cloned.1.call-start
scs
__scs_entry_jumppad:
0x0: {  	(pc) =	sbr.rel $0x88, $3  }
0x1: {  	(tag) =	ssettag $0x0;
	lr =	simm.s32 $0x1  }
0x2: {  	[smem:$0x3F9A] =	sst lr;
	_ =	strace $0xD0000000  }
0x3: {  	_ = 	snop  }
0x4: {  	_ = 	snop  }
0x5: {  	_ = 	snop  }
0x6: {  	_ = 	snop  }
0x7: {  	_ = 	snop  }
__scs_overlays_trampoline_lowered:
0x8: {  	[smem:$0x3FA9] =	sst s0  }
0x9: {  	[smem:$0x3FAA] =	sst s1  }
0xa: {  	[smem:$0x3FAB] =	sst s2  }
0xb: {  	[smem:$0x3FAC] =	sst s3  }
0xc: {  	[smem:$0x3FAD] =	sst s4  }
0xd: {  	[smem:$0x3FAE] =	sst s5  }
0xe: {  	[smem:$0x3FAF] =	sst s6  }
0xf: {  	[smem:$0x3FB0] =	sst s7  }
0x10: {  	[smem:$0x3FB1] =	sst s8  }
0x11: {  	[smem:$0x3FB2] =	sst s9;
	s0 =	simm.s32 @!p0 $0x0  }
0x12: {  	s1 =	sld [smem:$0x3F98];
	s0 =	simm.s32 @p0 $0x1  }
0x13: {  	[smem:$0x3FB3] =	sst s0;
	s0 =	simm.s32 @!p1 $0x0  }
0x14: {  	s2 =	sld [smem:$0x3F97];
	s0 =	simm.s32 @p1 $0x1  }
0x15: {  	[smem:$0x3FB4] =	sst s0;
	s0 =	simm.s32 @!p2 $0x0  }
0x16: {  	s3 =	sld [smem:$0x3FDB];
	s0 =	simm.s32 @p2 $0x1  }
0x17: {  	s4 =	simm.s32 $0x1BF5;
	[smem:$0x3FB6] =	sst s0  }
0x18: {  	s0 =	sld [smem:$0x3F99];
	_ =	swait.ge [sflag:s4], $0x0  }
0x19: {  	s7 =	sld [smem:$0x3F9A]  }
0x1a: {  	s8 =	sadd.s32 $0xFFFFE003, lr  }
0x1b: {  	s9 =	sadd.s32 $0xFFFFFEF7, lr;
	s5 =	simm.s32 $0xFFFFFFFF;
	p2 =	slt.u32 s8, $0xFFFFF086  }
0x1c: {  	p1 =	slt.u32 s9, $0xF7A;
	s5 =	simm.s32 @!p2 $0x0  }
0x1d: {  	s5 =	simm.s32 @p1 $0x1;
	p0 =	seq.s32 s7, s2  }
0x1e: {  	s7 =	smul.u32 @!p0 $0xF7A, s2;
	p2 =	seq.s32 @!p0 s5, $0x0  }
0x1f: {  	s9 =	smul.u32 $0xF7A, s1;
	s8 =	simm.s32 @!p0 $0x1BF5;
	p2 =	por !p2, p0  }
0x20: {  	[sflag:s8] =	ssyncset.s32 @!p0 $0xFFFFF086;
	s6 =	sadd.s32 @!p0 s3, s7;
	s7 =	simm.s32 @!p0 $0x108  }
0x21: {  	s3 =	sadd.s32 s3, s9;
	s6 =	sadd.s32 @!p0 $0x88, s6;
	s7 =	simm.s32 @p2 $0x1082  }
0x22: {  	[simem:s7], [sflag:s8] =	dma.local @!p0 [hbm:s6], $0xF7A  }
0x23: {  	s9 =	sor.u32 $0xD0000000, s2;
	s6 =	simm.s32 $0x108;
	_ =	swait.ge @!p0 [sflag:s8], $0x0  }
0x24: {  	s3 =	sadd.s32 $0x88, s3;
	s6 =	simm.s32 @!p1 $0x1082;
	[sflag:s4] =	ssyncset.s32 $0xFFFFF086  }
0x25: {  	[simem:s6], [sflag:s4] =	dma.local [hbm:s3], $0xF7A  }
0x26: {  	[smem:$0x3F9A] =	sst s1;
	(tag) =	ssettag s2;
	_ =	strace s9  }
0x27: {  	s1 =	sld [smem:$0x3FAA]  }
0x28: {  	s2 =	sld [smem:$0x3FAB]  }
0x29: {  	s4 =	sld [smem:$0x3FAD]  }
0x2a: {  	p0 =	seq.s32 s5, $0x0;
	s5 =	sld [smem:$0x3FAE]  }
0x2b: {  	s6 =	sld [smem:$0x3FAF]  }
0x2c: {  	s7 =	sld [smem:$0x3FB0]  }
0x2d: {  	s3 =	simm.s32 $0x108;
	s8 =	sld [smem:$0x3FB1]  }
0x2e: {  	s3 =	simm.s32 @!p0 $0x1082;
	s9 =	sld [smem:$0x3FB2]  }
0x2f: {  	lr =	sadd.s32 s0, s3;
	s0 =	sld [smem:$0x3FA9]  }
0x30: {  	s3 =	sld [smem:$0x3FAC]  }
0x31: {  	[smem:$0x3FB5] =	sst s10  }
0x32: {  	s10 =	sld [smem:$0x3FB3];
	_ =	sdelay $0x3  }
0x33: {  	p0 =	seq.s32 s10, $0x1;
	s10 =	sld [smem:$0x3FB5];
	_ =	sdelay $0x3  }
0x34: {  	[smem:$0x3FB5] =	sst s10  }
0x35: {  	s10 =	sld [smem:$0x3FB4];
	_ =	sdelay $0x3  }
0x36: {  	p1 =	seq.s32 s10, $0x1;
	s10 =	sld [smem:$0x3FB5];
	_ =	sdelay $0x3  }
0x37: {  	[smem:$0x3FB5] =	sst s10  }
0x38: {  	s10 =	sld [smem:$0x3FB6]  }
0x39: {  	_ = 	snop;
	(pc) =	sbr.ind lr, $3  }
0x3a: {  	_ = 	snop  }
0x3b: {  	_ = 	snop  }
0x3c: {  	p2 =	seq.s32 s10, $0x1;
	s10 =	sld [smem:$0x3FB5]  }
0x3d: {  	_ =	shalt  }
0x3e: {  	_ =	shalt  }
0x3f: {  	_ =	shalt  }
0x40: {  	_ =	shalt  }
0x41: {  	_ =	shalt  }
0x42: {  	_ =	shalt  }
0x43: {  	_ =	shalt  }
0x44: {  	_ =	shalt  }
0x45: {  	_ =	shalt  }
0x46: {  	_ =	shalt  }
0x47: {  	_ =	shalt  }
0x48: {  	_ =	shalt  }
0x49: {  	_ =	shalt  }
0x4a: {  	_ =	shalt  }
0x4b: {  	_ =	shalt  }
0x4c: {  	_ =	shalt  }
0x4d: {  	_ =	shalt  }
0x4e: {  	_ =	shalt  }
0x4f: {  	_ =	shalt  }
0x50: {  	_ =	shalt  }
0x51: {  	_ =	shalt  }
0x52: {  	_ =	shalt  }
0x53: {  	_ =	shalt  }
0x54: {  	_ =	shalt  }
0x55: {  	_ =	shalt  }
0x56: {  	_ =	shalt  }
0x57: {  	_ =	shalt  }
0x58: {  	_ =	shalt  }
0x59: {  	_ =	shalt  }
0x5a: {  	_ =	shalt  }
0x5b: {  	_ =	shalt  }
0x5c: {  	_ =	shalt  }
0x5d: {  	_ =	shalt  }
0x5e: {  	_ =	shalt  }
0x5f: {  	_ =	shalt  }
0x60: {  	_ =	shalt  }
0x61: {  	_ =	shalt  }
0x62: {  	_ =	shalt  }
0x63: {  	_ =	shalt  }
0x64: {  	_ =	shalt  }
0x65: {  	_ =	shalt  }
0x66: {  	_ =	shalt  }
0x67: {  	_ =	shalt  }
0x68: {  	_ =	shalt  }
0x69: {  	_ =	shalt  }
0x6a: {  	_ =	shalt  }
0x6b: {  	_ =	shalt  }
0x6c: {  	_ =	shalt  }
0x6d: {  	_ =	shalt  }
0x6e: {  	_ =	shalt  }
0x6f: {  	_ =	shalt  }
0x70: {  	_ =	shalt  }
0x71: {  	_ =	shalt  }
0x72: {  	_ =	shalt  }
0x73: {  	_ =	shalt  }
0x74: {  	_ =	shalt  }
0x75: {  	_ =	shalt  }
0x76: {  	_ =	shalt  }
0x77: {  	_ =	shalt  }
0x78: {  	_ =	shalt  }
0x79: {  	_ =	shalt  }
0x7a: {  	_ =	shalt  }
0x7b: {  	_ =	shalt  }
0x7c: {  	_ =	shalt  }
0x7d: {  	_ =	shalt  }
0x7e: {  	_ =	shalt  }
0x7f: {  	_ =	shalt  }
0x80: {  	_ =	shalt  }
0x81: {  	_ =	shalt  }
0x82: {  	_ =	shalt  }
0x83: {  	_ =	shalt  }
0x84: {  	_ =	shalt  }
0x85: {  	_ =	shalt  }
0x86: {  	_ =	shalt  }
0x87: {  	_ =	shalt  }
.Lfunc_end0:
.L_simem_size_0:
called_computation_lowered:
.L_overlay_start_0:
0x88: {  	s2 =	sld [smem:$0x3FD9]  }
0x89: {  	s3 =	sld [smem:$0x3FFE];
	_ =	sdelay $0x1  }
0x8a: {  	s1 =	srdreg.scid  }
0x8b: {  	s0 =	sand.u32 $0x1, s1  }
0x8c: {  	s16 =	sshll.u32 s0, $0xA;
	s2 =	sadd.s32 s3, s2  }
0x8d: {  	s2 =	sadd.s32 s2, s16  }
0x8e: {  	[smem:$0x3FC1] =	sst s2  }
0x8f: {  	_ = 	snop  }
0x90: {  	(tm) =	ssettm $0x1  }
0x91: {  	s17 =	sld [smem:$0x3FFB];
	_ =	sdelay $0x3  }
0x92: {  	_ =	strace s17  }
0x93: {  	s2 =	sld [smem:$0x3FFC];
	_ =	sdelay $0x3  }
0x94: {  	_ =	strace s2  }
0x95: {  	s2 =	sld [smem:$0x3FFD];
	_ =	sdelay $0x3  }
0x96: {  	_ =	strace s2  }
0x97: {  	_ =	strace $0x8FFFFFFF  }
0x98: {  	s18 =	sld [smem:$0x3FDB];
	_ =	sdelay $0x1  }
0x99: {  	s19 =	simm.s32 $_scs_section_size  }
0x9a: {  	s4 =	simm.s32 $_size__tile_overlayer_lowered;
	s5 =	simm.s32 $_tile_overlayer_lowered  }
0x9b: {  	s22 =	simm.s32 $0x1BFF;
	s21 =	sshll.u32 s5, $0x1;
	s2 =	sadd.s32 s19, s18  }
0x9c: {  	s6 =	simm.s32 $0x0;
	s20 =	sshll.u32 s4, $0x1;
	s4 =	sadd.s32 s21, s2  }
0x9d: {  	[timem:s6], [sflag:s22] =	dma.local [hbm:s4], s20  }
0x9e: {  	_ =	swait.ge [sflag:s22], s20  }
0x9f: {  	s3 =	ssub.s32 $0x0, s20;
	[sflag:s22] =	ssyncset.done $0x0  }
0xa0: {  	[sflag:s22] =	ssyncadd.s32 s3;
	_ =	sdelay $0x1  }
0xa1: {  	s23 =	simm.s32 $0x1B8B  }
0xa2: {  	_ =	swait.ge [sflag:s23], $0x1  }
0xa3: {  	[sflag:s23] =	ssyncset.done $0x0  }
0xa4: {  	s25 =	simm.s32 $0x1B8E;
	s24 =	sld [smem:$0x3FFE];
	[sflag:s23] =	ssyncadd.s32 $0xFFFFFFFF  }
0xa5: {  	s26 =	simm.s32 $execute0_lowered;
	[smem:$0x3FD2] =	sst s25  }
0xa6: {  	s4 =	sshll.u32 s26, $0x1;
	_ =	strace $0x80000046;
	[dreg:$0x1] =	wrdreg $0xFFFFFFFF  }
0xa7: {  	s28 =	simm.s32 $_size_execute0_lowered;
	s2 =	sadd.s32 s2, s4;
	[dreg:$0x0] =	wrdreg $0x0  }
0xa8: {  	s4 =	sshll.u32 s28, $0x1;
	[dreg:$0x2] =	wrdreg s2  }
0xa9: {  	[dreg:$0x3] =	wrdreg s4  }
0xaa: {  	[dreg:$0x4] =	wrdreg $0xC0  }
0xab: {  	_ =	task [dreg:s6], $0x5FFFF  }
0xac: {  	[dreg:$0x1] =	wrdreg $0xFFFFFFFF  }
0xad: {  	[dreg:$0x0] =	wrdreg $0x60  }
0xae: {  	[dreg:$0x2] =	wrdreg s24  }
0xaf: {  	[dreg:$0x3] =	wrdreg $0x54100  }
0xb0: {  	[dreg:$0x4] =	wrdreg $0x9  }
0xb1: {  	_ =	task.clear_ibuf [dreg:s6], $0x5FFFF;
	_ =	strace $0x90000046  }
0xb2: {  	s29 =	simm.s32 $0x9;
	_ =	strace $0x80000048  }
0xb3: {  	_ =	swait.ge [sflag:s29], $0x1  }
0xb4: {  	[sflag:s29] =	ssyncadd.s32 $0xFFFFFFFF  }
0xb5: {  	_ =	strace $0x90000048  }
0xb6: {  	_ =	sfence  }
0xb7: {  	s30 =	sld [smem:$0x0];
	_ =	sdelay $0x2  }
0xb8: {  	s31 =	sshll.u32 s1, $0xD;
	s1 =	sshrl.u32 s1, $0x2  }
0xb9: {  	s3 =	sand.u32 $0x4000, s31;
	s1 =	sadd.s32 s1, s30  }
0xba: {  	s0 =	sor.u32 s3, s0;
	s1 =	sshll.u32 s1, $0x11  }
0xbb: {  	s0 =	sor.u32 s1, s0  }
0xbc: {  	s0 =	sadd.s32 $0x8F2B, s0  }
0xbd: {  	[sflag:s0] =	ssyncadd.remote.s32 $0x1  }
0xbe: {  	_ =	sfence.sel $0xFFFF  }
0xbf: {  	[dreg:$0x0] =	wrdreg $0xFFFFFFFF;
	(pc) =	sbr.abs _section_cstart, $3  }
0xc0: {  	[dreg:$0x1] =	wrdreg $0xFFFFFFFF  }
0xc1: {  	_ =	task.clear_ibuf [dreg:s6], $0x2FFFF;
	_ =	strace $0x9FFFFFFF  }
0xc2: {  	(tm) =	ssettm $0x7FFFFFFF  }
0xc3: {  	_ =	shalt  }
tec
execute0_lowered:
.L_overlay_start_1:
0x0: {  	(tag) =	ssettag $0x1  }
0x1: {  	s3 =	rddreg [dreg:$0x0]  }
0x2: {  	s5 =	rddreg [dreg:$0x1];
	s1 =	srdreg.scid  }
0x3: {  	s0 =	rddreg [dreg:$0x2];
	s2 =	simm.s32 $0x0;
	s4 =	sand.u32 $0x1, s1  }
0x4: {  	s11 =	simm.s32 $0x4F10;
	s1 =	stileid.u32;
	s6 =	smul.u32 $0x2800, s4  }
0x5: {  	s12 =	simm.s32 $0x0;
	[smem:$0x7FF] =	sst s2;
	s7 =	smul.u32 $0x280, s1  }
0x6: {  	s8 =	sshll.u32 s4, $0x4;
	_ =	strace $0x80000047;
	s29 =	smul.u32 $0xA000, s1  }
0x7: {  	s4 =	ssub.s32 $0x2, s4;
	s10 =	smul.u32 $0xA00, s1;
	s8 =	sor.u32 s1, s8  }
0x8: {  	s9 =	sshrl.u32 s4, $0x1;
	s6 =	sadd.s32 s7, s6;
	s28 =	smul.u32 $0x2710, s8  }
0x9: {  	s9 =	ssub.s32 s4, s9;
	s30 =	sshrl.u32 s29, $0x2;
	s31 =	sshrl.u32 s10, $0x2  }
0xa: {  	s8 =	simm.s32 $0x1;
	s10 =	simm.s32 $0x5190;
	s6 =	sshrl.u32 s6, $0x3  }
0xb: {  	s4 =	sadd.s32 s30, s5;
	s7 =	sshrl.u32 s28, $0x3;
	s6 =	sadd.s32 s6, s3  }
0xc: {  	s5 =	sadd.s32 s31, s5;
	s3 =	sadd.s32 s3, s7;
	s6 =	sadd.s32 $0x15C00, s6  }
0xd: {  	v0 =	vimm.f32 $0.0e+00;
	v1 =	vimm.f32 $1.000000000e+00;
	s7 =	smax.u32 s9, $0x1;
	s9 =	simm.s32 $0x2710;
	s3 =	sadd.s32 $0xBE40, s3  }
.LBB2_1:
0xe: {  	[tilespmem:s2], [sflag:$0x1] =	stream.linear.gather [hbm4b:s3+s2], $0x2710, $0x38;
	[tilespmem:$0x7C10] =	vst v63  }
0xf: {  	_ =	swait.ge [sflag:s8], $0x2710  }
0x10: {  	[sflag:s8] =	ssyncset.done $0x0  }
0x11: {  	s13 =	simm.s32 $0x0;
	[sflag:s8] =	ssyncadd.s32 $0xFFFFD8F0  }
.LBB2_2:
0x12: {  	p0 =	sne.s32 s13, $0x9FC0  }
.Ltmp0:
0x13: {  	_ = 	snop;
	(pc) =	sbr.rel @p0 .LBB2_2-.Ltmp0, $3  }
0x14: {  	_ =	sdelay $0x1  }
0x15: {  	s14 =	sshra.s32 s13, $0x2  }
0x16: {  	s13 =	sadd.s32 $0x40, s13;
	[tilespmem:s14+$0x2710] =	vst v0  }
0x17: {  	s13 =	simm.s32 $0x0  }
.LBB2_4:
0x18: {  	s14 =	sshra.s32 s13, $0x2  }
0x19: {  	v2 =	vld [tilespmem:s14+$0x0];
	_ =	sdelay $0x7  }
0x1a: {  	[tilespmem:v2+s9+$0x0] =	vst.idx.add.f32.msk $0xffff, v1  }
0x1b: {  	v2 =	vld [tilespmem:s14+$0x10];
	_ =	sdelay $0x7  }
0x1c: {  	[tilespmem:v2+s9+$0x0] =	vst.idx.add.f32.msk $0xffff, v1  }
0x1d: {  	v2 =	vld [tilespmem:s14+$0x20];
	_ =	sdelay $0x7  }
0x1e: {  	[tilespmem:v2+s9+$0x0] =	vst.idx.add.f32.msk $0xffff, v1  }
0x1f: {  	v2 =	vld [tilespmem:s14+$0x30];
	_ =	sdelay $0x7  }
0x20: {  	[tilespmem:v2+s9+$0x0] =	vst.idx.add.f32.msk $0xffff, v1  }
0x21: {  	v2 =	vld [tilespmem:s14+$0x40];
	_ =	sdelay $0x2  }
0x22: {  	p0 =	sne.s32 s13, $0x9B00  }
.Ltmp1:
0x23: {  	_ = 	snop;
	(pc) =	sbr.rel @p0 .LBB2_4-.Ltmp1, $2  }
0x24: {  	_ =	sdelay $0x2  }
0x25: {  	s13 =	sadd.s32 $0x140, s13;
	[tilespmem:v2+s9+$0x0] =	vst.idx.add.f32.msk $0xffff, v1  }
0x26: {  	[spmem:s4] =	stream.linear.scatter [tilespmem:s9], [sflag:$0x1], $0x2800, $0x38;
	[tilespmem:$0x7C10] =	vst v63  }
0x27: {  	_ =	swait.ge [sflag:s8], $0x2800  }
0x28: {  	[sflag:s8] =	ssyncset.done $0x0  }
0x29: {  	[sflag:s8] =	ssyncadd.s32 $0xFFFFD800  }
0x2a: {  	[bflag:$0x0] =	sbarrier.arrive $0xFFFF  }
0x2b: {  	[tilespmem:$0x4F10] =	vst v0  }
0x2c: {  	[tilespmem:$0x4F20] =	vst v0  }
0x2d: {  	[tilespmem:$0x4F30] =	vst v0  }
0x2e: {  	[tilespmem:$0x4F40] =	vst v0  }
0x2f: {  	[tilespmem:$0x4F50] =	vst v0  }
0x30: {  	[tilespmem:$0x4F60] =	vst v0  }
0x31: {  	[tilespmem:$0x4F70] =	vst v0  }
0x32: {  	[tilespmem:$0x4F80] =	vst v0  }
0x33: {  	[tilespmem:$0x4F90] =	vst v0  }
0x34: {  	[tilespmem:$0x4FA0] =	vst v0  }
0x35: {  	[tilespmem:$0x4FB0] =	vst v0  }
0x36: {  	[tilespmem:$0x4FC0] =	vst v0  }
0x37: {  	[tilespmem:$0x4FD0] =	vst v0  }
0x38: {  	[tilespmem:$0x4FE0] =	vst v0  }
0x39: {  	[tilespmem:$0x4FF0] =	vst v0  }
0x3a: {  	[tilespmem:$0x5000] =	vst v0  }
0x3b: {  	[tilespmem:$0x5010] =	vst v0  }
0x3c: {  	[tilespmem:$0x5020] =	vst v0  }
0x3d: {  	[tilespmem:$0x5030] =	vst v0  }
0x3e: {  	[tilespmem:$0x5040] =	vst v0  }
0x3f: {  	[tilespmem:$0x5050] =	vst v0  }
0x40: {  	[tilespmem:$0x5060] =	vst v0  }
0x41: {  	[tilespmem:$0x5070] =	vst v0  }
0x42: {  	[tilespmem:$0x5080] =	vst v0  }
0x43: {  	[tilespmem:$0x5090] =	vst v0  }
0x44: {  	[tilespmem:$0x50A0] =	vst v0  }
0x45: {  	[tilespmem:$0x50B0] =	vst v0  }
0x46: {  	[tilespmem:$0x50C0] =	vst v0  }
0x47: {  	[tilespmem:$0x50D0] =	vst v0  }
0x48: {  	[tilespmem:$0x50E0] =	vst v0  }
0x49: {  	[tilespmem:$0x50F0] =	vst v0  }
0x4a: {  	[tilespmem:$0x5100] =	vst v0  }
0x4b: {  	[tilespmem:$0x5110] =	vst v0  }
0x4c: {  	[tilespmem:$0x5120] =	vst v0  }
0x4d: {  	[tilespmem:$0x5130] =	vst v0  }
0x4e: {  	[tilespmem:$0x5140] =	vst v0  }
0x4f: {  	[tilespmem:$0x5150] =	vst v0  }
0x50: {  	[tilespmem:$0x5160] =	vst v0  }
0x51: {  	[tilespmem:$0x5170] =	vst v0  }
0x52: {  	s13 =	simm.s32 $0x0;
	[tilespmem:$0x5180] =	vst v0  }
.LBB2_6:
0x53: {  	s14 =	smul.u32 $0xA000, s13;
	_ =	sdelay $0x1  }
0x54: {  	s14 =	sshra.s32 s14, $0x2  }
0x55: {  	s14 =	sadd.s32 s14, s5  }
0x56: {  	[tilespmem:s10], [sflag:$0x1] =	stream.linear.gather [spmem:s14], $0x280, $0x38;
	[tilespmem:$0x7C10] =	vst v63  }
0x57: {  	_ =	swait.ge [sflag:s8], $0x280  }
0x58: {  	[sflag:s8] =	ssyncset.done $0x0  }
0x59: {  	s14 =	simm.s32 $0x0;
	[sflag:s8] =	ssyncadd.s32 $0xFFFFFD80  }
0x5a: {  	s15 =	simm.s32 $0x40;
	v2 =	vld [tilespmem:s14+$0x5190]  }
.LBB2_7:
0x5b: {  	p0 =	sne.s32 s15, $0x9C0;
	v3 =	vld [tilespmem:s14+$0x4F10];
	_ =	sdelay $0x2  }
.Ltmp2:
0x5c: {  	(pc) =	sbr.rel @p0 .LBB2_7-.Ltmp2, $4  }
0x5d: {  	_ = 	snop  }
0x5e: {  	v3 =	vadd.f32 v2, v3  }
0x5f: {  	s16 =	sshra.s32 s15, $0x2  }
0x60: {  	s15 =	sadd.s32 $0x40, s15;
	v2 =	vld [tilespmem:s16+$0x5190];
	[tilespmem:s14+$0x4F10] =	vst v3;
	s14 =	smov.u32 s16  }
0x61: {  	v3 =	vld [tilespmem:s14+$0x4F10]  }
0x62: {  	s13 =	sadd.s32 $0x1, s13  }
0x63: {  	p0 =	sne.s32 s13, $0x10  }
.Ltmp3:
0x64: {  	_ = 	snop;
	(pc) =	sbr.rel @p0 .LBB2_6-.Ltmp3, $3  }
0x65: {  	_ = 	snop  }
0x66: {  	v2 =	vadd.f32 v2, v3;
	_ =	sdelay $0x1  }
0x67: {  	[tilespmem:s14+$0x4F10] =	vst v2  }
0x68: {  	s12 =	sadd.s32 $0x1, s12  }
0x69: {  	p0 =	sne.s32 s12, s7  }
.Ltmp4:
0x6a: {  	_ = 	snop;
	(pc) =	sbr.rel @p0 .LBB2_1-.Ltmp4, $4  }
0x6b: {  	[hbm4b:s6+s2] =	stream.linear.scatter [tilespmem:s11], [sflag:$0x1], $0x280, $0x38;
	[tilespmem:$0x7C10] =	vst v63  }
0x6c: {  	_ =	swait.ge [sflag:s8], $0x280  }
0x6d: {  	[sflag:s8] =	ssyncset.done $0x0  }
0x6e: {  	[sflag:s8] =	ssyncadd.s32 $0xFFFFFD80  }
0x6f: {  	_ =	sfence.sel $0x180000  }
0x70: {  	[bflag:$0x0] =	sbarrier.arrive $0xFFFF  }
0x71: {  	p0 =	sne.s32 s1, $0x0;
	_ =	strace $0x90000047  }
0x72: {  	s0 =	sadd.s32 @!p0 $0x100000, s0;
	[bflag:$0x2] =	sbarrier.arrive $0xFFFF  }
0x73: {  	[sflag:s0] =	ssyncadd.tile.s32 @!p0 $0x1;
	_ =	shalt  }
.Lfunc_end2:
_tile_overlayer_lowered:
.L_overlay_start_2:
0x74: {  	(tag) =	ssettag $0x2  }
0x75: {  	s0 =	rddreg [dreg:$0x0];
	s2 =	stileid.u32  }
0x76: {  	s1 =	rddreg [dreg:$0x1];
	p0 =	sne.s32 s2, $0x0  }
0x77: {  	s3 =	rddreg [dreg:$0x2];
	[bflag:$0x3] =	sbarrier.arrive $0xFFFF;
	s2 =	simm.s32 @!p0 $0x1C01  }
0x78: {  	[timem:s3], [sflag:s2] =	dma.local @!p0 [hbm:s0], s1  }
0x79: {  	s0 =	simm.s32 @!p0 $0x1  }
0x7a: {  	_ =	swait.ge @!p0 [sflag:s0], s1  }
0x7b: {  	s1 =	ssub.s32 @!p0 $0x0, s1;
	[sflag:s0] =	ssyncset.done @!p0 $0x0  }
0x7c: {  	[sflag:s0] =	ssyncadd.s32 @!p0 s1  }
0x7d: {  	[bflag:$0x3] =	sbarrier.arrive $0xFFFF  }
0x7e: {  	_ =	shalt  }

</sc_bundles>
